<compile_context>
chip_gen: v7x
topology: tpu7x:2x2x1
jax: 0.10.2.dev20260603
libtpu: 0.0.44.dev20260713+nightly
codegen_flags: <defaults>
</compile_context>

<pallas_src>
import jax
import jax.numpy as jnp
from jax import lax
from jax.experimental import pallas as pl
from jax.experimental.pallas import tpu as pltpu
from jax.experimental.pallas import tpu_sc as plsc

L = 16
NQ = 4096
NR = 8192
KTOP = 8
NW = 32
QPW = NQ // NW
NCHUNK = NR // L
NQB = 8
PREF = 64
MARGIN = 0.01


def _dist(qxv, qyv, qzv, rxv, ryv, rzv):
    dx = qxv - rxv
    dy = qyv - ryv
    dz = qzv - rzv
    d = dx * dx + dy * dy
    return d + dz * dz


def _cmetric(qxv, qyv, qzv, rxv, ryv, rzv, r2hv):
    s = qxv * rxv + qyv * ryv
    s = s + qzv * rzv
    return r2hv - s


def _knn_body(rx_h, ry_h, rz_h, qx_h, qy_h, qz_h, out_h,
              rx, ry, rz, qx, qy, qz, ci0, ci1, ci2, ci3, ci4, ci5, ci6,
              ci7, outb):
    cid = lax.axis_index("c")
    sid = lax.axis_index("s")
    wid = sid * 2 + cid
    qbase = wid * QPW

    pltpu.sync_copy(rx_h, rx)
    pltpu.sync_copy(ry_h, ry)
    pltpu.sync_copy(rz_h, rz)
    pltpu.sync_copy(qx_h.at[pl.ds(qbase, QPW)], qx)
    pltpu.sync_copy(qy_h.at[pl.ds(qbase, QPW)], qy)
    pltpu.sync_copy(qz_h.at[pl.ds(qbase, QPW)], qz)

    ci = (ci0, ci1, ci2, ci3, ci4, ci5, ci6, ci7)

    iota = lax.iota(jnp.int32, L)
    inf16 = jnp.full((L,), jnp.inf, jnp.float32)
    zeros16i = jnp.zeros((L,), jnp.int32)

    def group_body(g, carry):
        gq = g * NQB
        blk = (gq // L) * L
        qx16 = qx[pl.ds(blk, L)]
        qy16 = qy[pl.ds(blk, L)]
        qz16 = qz[pl.ds(blk, L)]
        qsx, qsy, qsz = [], [], []
        for j in range(NQB):
            lane = jnp.full((L,), gq - blk + j, jnp.int32)
            qsx.append(jnp.take_along_axis(qx16, lane, axis=0,
                                           mode="promise_in_bounds"))
            qsy.append(jnp.take_along_axis(qy16, lane, axis=0,
                                           mode="promise_in_bounds"))
            qsz.append(jnp.take_along_axis(qz16, lane, axis=0,
                                           mode="promise_in_bounds"))

        def p1_body(c, Ms):
            base = c * L
            rxv = rx[pl.ds(base, L)]
            ryv = ry[pl.ds(base, L)]
            rzv = rz[pl.ds(base, L)]
            return tuple(
                jnp.minimum(Ms[j],
                            _dist(qsx[j], qsy[j], qsz[j], rxv, ryv, rzv))
                for j in range(NQB))

        Ms = lax.fori_loop(0, PREF, p1_body, (inf16,) * NQB)
        ts = []
        for j in range(NQB):
            srt = lax.sort(Ms[j], dimension=0)
            ts.append(srt[KTOP - 1])

        def p2_body(c, offs):
            base = c * L
            rxv = rx[pl.ds(base, L)]
            ryv = ry[pl.ds(base, L)]
            rzv = rz[pl.ds(base, L)]
            idxv = base + iota
            new_offs = []
            for j in range(NQB):
                cm = _dist(qsx[j], qsy[j], qsz[j], rxv, ryv, rzv)
                m = cm <= ts[j]
                pos = offs[j] + plsc.cumsum(m.astype(jnp.int32)) - 1
                plsc.store_scatter(ci[j], [pos], idxv, mask=m)
                pc = plsc.all_reduce_population_count(m)
                new_offs.append(offs[j] + pc)
            return tuple(new_offs)

        offv = plsc.parallel_loop(0, NCHUNK, unroll=2,
                                  carry=(zeros16i,) * NQB)(
            lambda c, offs: p2_body(c, offs))
        offs = [offv[j][0] for j in range(NQB)]

        for j in range(NQB):
            n = offs[j]
            nch = (n + L - 1) // L

            def p3_body(k, st, j=j, n=n):
                B, Bi = st
                base = k * L
                iv_raw = ci[j][pl.ds(base, L)]
                valid = (base + iota) < n
                iv = jnp.where(valid, iv_raw, 0)
                gx = plsc.load_gather(rx, [iv])
                gy = plsc.load_gather(ry, [iv])
                gz = plsc.load_gather(rz, [iv])
                d = _dist(qsx[j], qsy[j], qsz[j], gx, gy, gz)
                d = jnp.where(valid, d, jnp.inf)
                d_asc, i_asc = plsc.sort_key_val(d, iv)
                m = d_asc < B
                nB = jnp.where(m, d_asc, B)
                nBi = jnp.where(m, i_asc, Bi)
                nB, nBi = plsc.sort_key_val(nB, nBi, descending=True)
                return nB, nBi

            B, Bi = lax.fori_loop(0, nch, p3_body, (inf16, zeros16i))
            _, i_fin = plsc.sort_key_val(B, Bi)
            outb[gq + j, :] = i_fin
        return carry

    lax.fori_loop(0, QPW // NQB, group_body, 0)
    pltpu.sync_copy(outb, out_h.at[pl.ds(qbase, QPW)])


@jax.jit
def _knn(rx, ry, rz, qx, qy, qz):
    mesh = plsc.VectorSubcoreMesh(core_axis_name="c", subcore_axis_name="s",
                                  num_cores=2, num_subcores=16)
    return pl.kernel(
        _knn_body,
        out_type=jax.ShapeDtypeStruct((NQ, L), jnp.int32),
        mesh=mesh,
        compiler_params=pltpu.CompilerParams(needs_layout_passes=False),
        scratch_types=[
            pltpu.VMEM((NR,), jnp.float32),
            pltpu.VMEM((NR,), jnp.float32),
            pltpu.VMEM((NR,), jnp.float32),
            pltpu.VMEM((QPW,), jnp.float32),
            pltpu.VMEM((QPW,), jnp.float32),
            pltpu.VMEM((QPW,), jnp.float32),
        ] + [pltpu.VMEM((NR,), jnp.int32)] * NQB + [
            pltpu.VMEM((QPW, L), jnp.int32),
        ],
    )(rx, ry, rz, qx, qy, qz)


def kernel(query, reference_pts):
    q = jnp.asarray(query, jnp.float32)
    r = jnp.asarray(reference_pts, jnp.float32)
    qx, qy, qz = q[:, 0], q[:, 1], q[:, 2]
    rx, ry, rz = r[:, 0], r[:, 1], r[:, 2]
    out = _knn(rx, ry, rz, qx, qy, qz)
    return out[:, :KTOP]

# --- scband reference (transcript-rebuilt; emitter-appended) ---
"""Pipeline reference for scband-model-69776038691104 (READ-ONLY COPY).

The authoritative reference and input builder live on the scoring server;
editing this copy changes nothing except your own understanding.
"""

import jax, jax.numpy as jnp
import numpy as np

K = 8

def setup_inputs(seed: int = 0) -> dict:
    key = jax.random.key(seed)
    kq, kr = jax.random.split(key)
    query = jax.random.normal(kq, (4096, 3), dtype=jnp.float32)
    reference_pts = jax.random.normal(kr, (8192, 3), dtype=jnp.float32)
    return {"query": query, "reference_pts": reference_pts}

def reference(query, reference_pts):
    # diff[q, r, :] = query[q] - reference_pts[r]
    diff = query[:, None, :] - reference_pts[None, :, :]
    dist_sq = jnp.sum(diff ** 2, axis=-1)
    # k smallest distances == top_k of negated distances
    _, indices = jax.lax.top_k(-dist_sq, K)
    return indices

if __name__ == "__main__":
    import jax
    _d = setup_inputs()
    print(jax.jit(kernel)(*tuple(_d.values())))

</pallas_src>

<mosaic_0001>
#map = affine_map<(d0, d1) -> (0)>
#map1 = affine_map<(d0, d1) -> (0, 0)>
module attributes {stable_mosaic.version = 14 : i64} {
  func.func @_knn_body(%arg0: i32, %arg1: i32, %arg2: memref<8192xf32, #tpu.memory_space<hbm>>, %arg3: memref<8192xf32, #tpu.memory_space<hbm>>, %arg4: memref<8192xf32, #tpu.memory_space<hbm>>, %arg5: memref<4096xf32, #tpu.memory_space<hbm>>, %arg6: memref<4096xf32, #tpu.memory_space<hbm>>, %arg7: memref<4096xf32, #tpu.memory_space<hbm>>, %arg8: memref<4096x16xi32, #tpu.memory_space<hbm>>, %arg9: memref<8192xf32, #tpu.memory_space<vmem>>, %arg10: memref<8192xf32, #tpu.memory_space<vmem>>, %arg11: memref<8192xf32, #tpu.memory_space<vmem>>, %arg12: memref<128xf32, #tpu.memory_space<vmem>>, %arg13: memref<128xf32, #tpu.memory_space<vmem>>, %arg14: memref<128xf32, #tpu.memory_space<vmem>>, %arg15: memref<8192xi32, #tpu.memory_space<vmem>>, %arg16: memref<8192xi32, #tpu.memory_space<vmem>>, %arg17: memref<8192xi32, #tpu.memory_space<vmem>>, %arg18: memref<8192xi32, #tpu.memory_space<vmem>>, %arg19: memref<8192xi32, #tpu.memory_space<vmem>>, %arg20: memref<8192xi32, #tpu.memory_space<vmem>>, %arg21: memref<8192xi32, #tpu.memory_space<vmem>>, %arg22: memref<8192xi32, #tpu.memory_space<vmem>>, %arg23: memref<128x16xi32, #tpu.memory_space<vmem>>) attributes {dimension_semantics = [#tpu.dimension_semantics<core_parallel>, #tpu.dimension_semantics<subcore_parallel>], iteration_bounds = array<i64: 2, 16>, scalar_prefetch = 0 : i64, scratch_operands = 15 : i64, tpu.core_type = #tpu.core_type<sc_vector_subcore>, window_params = [{transform_indices = #map}, {transform_indices = #map}, {transform_indices = #map}, {transform_indices = #map}, {transform_indices = #map}, {transform_indices = #map}, {transform_indices = #map1}]} {
    %mul3A = arith.constant 2 : i32
    %mul3A_0 = arith.muli %arg1, %mul3A : i32
    %add3A = arith.addi %mul3A_0, %arg0 : i32
    %mul3A_1 = arith.constant 128 : i32
    %mul3A_2 = arith.muli %add3A, %mul3A_1 : i32
    "tpu.region"() ({
      %run_scoped3A = tpu.sem_alloc : memref<!tpu.dma_semaphore, #tpu.memory_space<semaphore_mem>>
      tpu.enqueue_dma source(%arg2 : memref<8192xf32, #tpu.memory_space<hbm>>) target(%arg9 : memref<8192xf32, #tpu.memory_space<vmem>>) target_semaphore(%run_scoped3A : memref<!tpu.dma_semaphore, #tpu.memory_space<semaphore_mem>>)
      tpu.wait_dma2 semaphore(%run_scoped3A : memref<!tpu.dma_semaphore, #tpu.memory_space<semaphore_mem>>) src(%arg2 : memref<8192xf32, #tpu.memory_space<hbm>>) dst(%arg9 : memref<8192xf32, #tpu.memory_space<vmem>>)
      tpu.yield
    }) : () -> ()
    "tpu.region"() ({
      %run_scoped3A = tpu.sem_alloc : memref<!tpu.dma_semaphore, #tpu.memory_space<semaphore_mem>>
      tpu.enqueue_dma source(%arg3 : memref<8192xf32, #tpu.memory_space<hbm>>) target(%arg10 : memref<8192xf32, #tpu.memory_space<vmem>>) target_semaphore(%run_scoped3A : memref<!tpu.dma_semaphore, #tpu.memory_space<semaphore_mem>>)
      tpu.wait_dma2 semaphore(%run_scoped3A : memref<!tpu.dma_semaphore, #tpu.memory_space<semaphore_mem>>) src(%arg3 : memref<8192xf32, #tpu.memory_space<hbm>>) dst(%arg10 : memref<8192xf32, #tpu.memory_space<vmem>>)
      tpu.yield
    }) : () -> ()
    "tpu.region"() ({
      %run_scoped3A = tpu.sem_alloc : memref<!tpu.dma_semaphore, #tpu.memory_space<semaphore_mem>>
      tpu.enqueue_dma source(%arg4 : memref<8192xf32, #tpu.memory_space<hbm>>) target(%arg11 : memref<8192xf32, #tpu.memory_space<vmem>>) target_semaphore(%run_scoped3A : memref<!tpu.dma_semaphore, #tpu.memory_space<semaphore_mem>>)
      tpu.wait_dma2 semaphore(%run_scoped3A : memref<!tpu.dma_semaphore, #tpu.memory_space<semaphore_mem>>) src(%arg4 : memref<8192xf32, #tpu.memory_space<hbm>>) dst(%arg11 : memref<8192xf32, #tpu.memory_space<vmem>>)
      tpu.yield
    }) : () -> ()
    "tpu.region"() ({
      %run_scoped3A = tpu.sem_alloc : memref<!tpu.dma_semaphore, #tpu.memory_space<semaphore_mem>>
      %dma_start3A = tpu.memref_slice %arg5[%mul3A_2] : memref<4096xf32, #tpu.memory_space<hbm>> -> memref<128xf32, #tpu.memory_space<hbm>>
      %dma_start3A_11 = tpu.memref_slice %arg5[%mul3A_2] : memref<4096xf32, #tpu.memory_space<hbm>> -> memref<128xf32, #tpu.memory_space<hbm>>
      tpu.enqueue_dma source(%dma_start3A_11 : memref<128xf32, #tpu.memory_space<hbm>>) target(%arg12 : memref<128xf32, #tpu.memory_space<vmem>>) target_semaphore(%run_scoped3A : memref<!tpu.dma_semaphore, #tpu.memory_space<semaphore_mem>>)
      %dma_wait3A = tpu.memref_slice %arg5[%mul3A_2] : memref<4096xf32, #tpu.memory_space<hbm>> -> memref<128xf32, #tpu.memory_space<hbm>>
      %dma_wait3A_12 = tpu.memref_slice %arg5[%mul3A_2] : memref<4096xf32, #tpu.memory_space<hbm>> -> memref<128xf32, #tpu.memory_space<hbm>>
      tpu.wait_dma2 semaphore(%run_scoped3A : memref<!tpu.dma_semaphore, #tpu.memory_space<semaphore_mem>>) src(%dma_wait3A_12 : memref<128xf32, #tpu.memory_space<hbm>>) dst(%arg12 : memref<128xf32, #tpu.memory_space<vmem>>)
      tpu.yield
    }) : () -> ()
    "tpu.region"() ({
      %run_scoped3A = tpu.sem_alloc : memref<!tpu.dma_semaphore, #tpu.memory_space<semaphore_mem>>
      %dma_start3A = tpu.memref_slice %arg6[%mul3A_2] : memref<4096xf32, #tpu.memory_space<hbm>> -> memref<128xf32, #tpu.memory_space<hbm>>
      %dma_start3A_11 = tpu.memref_slice %arg6[%mul3A_2] : memref<4096xf32, #tpu.memory_space<hbm>> -> memref<128xf32, #tpu.memory_space<hbm>>
      tpu.enqueue_dma source(%dma_start3A_11 : memref<128xf32, #tpu.memory_space<hbm>>) target(%arg13 : memref<128xf32, #tpu.memory_space<vmem>>) target_semaphore(%run_scoped3A : memref<!tpu.dma_semaphore, #tpu.memory_space<semaphore_mem>>)
      %dma_wait3A = tpu.memref_slice %arg6[%mul3A_2] : memref<4096xf32, #tpu.memory_space<hbm>> -> memref<128xf32, #tpu.memory_space<hbm>>
      %dma_wait3A_12 = tpu.memref_slice %arg6[%mul3A_2] : memref<4096xf32, #tpu.memory_space<hbm>> -> memref<128xf32, #tpu.memory_space<hbm>>
      tpu.wait_dma2 semaphore(%run_scoped3A : memref<!tpu.dma_semaphore, #tpu.memory_space<semaphore_mem>>) src(%dma_wait3A_12 : memref<128xf32, #tpu.memory_space<hbm>>) dst(%arg13 : memref<128xf32, #tpu.memory_space<vmem>>)
      tpu.yield
    }) : () -> ()
    "tpu.region"() ({
      %run_scoped3A = tpu.sem_alloc : memref<!tpu.dma_semaphore, #tpu.memory_space<semaphore_mem>>
      %dma_start3A = tpu.memref_slice %arg7[%mul3A_2] : memref<4096xf32, #tpu.memory_space<hbm>> -> memref<128xf32, #tpu.memory_space<hbm>>
      %dma_start3A_11 = tpu.memref_slice %arg7[%mul3A_2] : memref<4096xf32, #tpu.memory_space<hbm>> -> memref<128xf32, #tpu.memory_space<hbm>>
      tpu.enqueue_dma source(%dma_start3A_11 : memref<128xf32, #tpu.memory_space<hbm>>) target(%arg14 : memref<128xf32, #tpu.memory_space<vmem>>) target_semaphore(%run_scoped3A : memref<!tpu.dma_semaphore, #tpu.memory_space<semaphore_mem>>)
      %dma_wait3A = tpu.memref_slice %arg7[%mul3A_2] : memref<4096xf32, #tpu.memory_space<hbm>> -> memref<128xf32, #tpu.memory_space<hbm>>
      %dma_wait3A_12 = tpu.memref_slice %arg7[%mul3A_2] : memref<4096xf32, #tpu.memory_space<hbm>> -> memref<128xf32, #tpu.memory_space<hbm>>
      tpu.wait_dma2 semaphore(%run_scoped3A : memref<!tpu.dma_semaphore, #tpu.memory_space<semaphore_mem>>) src(%dma_wait3A_12 : memref<128xf32, #tpu.memory_space<hbm>>) dst(%arg14 : memref<128xf32, #tpu.memory_space<vmem>>)
      tpu.yield
    }) : () -> ()
    %iota3A = tpu.iota {dimensions = array<i32: 0>} : vector<16xi32>
    %broadcast_in_dim3A = arith.constant 0x7F800000 : f32
    %broadcast_in_dim3A_3 = vector.broadcast %broadcast_in_dim3A : f32 to vector<16xf32>
    %broadcast_in_dim3A_4 = arith.constant 0 : i32
    %broadcast_in_dim3A_5 = vector.broadcast %broadcast_in_dim3A_4 : i32 to vector<16xi32>
    %scan3A = arith.constant 0 : i32
    %scan3A_6 = arith.constant 0 : i32
    %scan3A_7 = arith.constant 16 : i32
    %scan3A_8 = arith.addi %scan3A_6, %scan3A_7 : i32
    %scan3A_9 = arith.constant 1 : i32
    scf.for %scan3A_11 = %scan3A_6 to %scan3A_8 step %scan3A_9  : i32 {
      %mul3A_12 = arith.constant 8 : i32
      %mul3A_13 = arith.muli %scan3A_11, %mul3A_12 : i32
      %jit3A = arith.constant 16 : i32
      %div3A = arith.divsi %mul3A_13, %jit3A : i32
      %sign3A = arith.constant 0 : i32
      %sign3A_14 = arith.cmpi sgt, %mul3A_13, %sign3A : i32
      %sign3A_15 = arith.extui %sign3A_14 : i1 to i32
      %sign3A_16 = arith.constant 0 : i32
      %sign3A_17 = arith.cmpi slt, %mul3A_13, %sign3A_16 : i32
      %sign3A_18 = arith.extui %sign3A_17 : i1 to i32
      %sign3A_19 = arith.subi %sign3A_15, %sign3A_18 : i32
      %sign3A_20 = arith.constant 0 : i32
      %sign3A_21 = arith.cmpi sgt, %jit3A, %sign3A_20 : i32
      %sign3A_22 = arith.extui %sign3A_21 : i1 to i32
      %sign3A_23 = arith.constant 0 : i32
      %sign3A_24 = arith.cmpi slt, %jit3A, %sign3A_23 : i32
      %sign3A_25 = arith.extui %sign3A_24 : i1 to i32
      %sign3A_26 = arith.subi %sign3A_22, %sign3A_25 : i32
      %ne3A = arith.cmpi ne, %sign3A_19, %sign3A_26 : i32
      %rem3A = arith.remsi %mul3A_13, %jit3A : i32
      %ne3A_27 = arith.constant 0 : i32
      %ne3A_28 = arith.cmpi ne, %rem3A, %ne3A_27 : i32
      %and3A = arith.andi %ne3A, %ne3A_28 : i1
      %sub3A = arith.constant 1 : i32
      %sub3A_29 = arith.subi %div3A, %sub3A : i32
      %select_n3A = arith.select %and3A, %sub3A_29, %div3A : i32
      %mul3A_30 = arith.constant 16 : i32
      %mul3A_31 = arith.muli %select_n3A, %mul3A_30 : i32
      %get3A = arith.index_cast %mul3A_31 : i32 to index
      %get3A_32 = tpu.vector_load %arg12[%get3A] {strides = array<i32>} : memref<128xf32, #tpu.memory_space<vmem>>, vector<16xf32>,
      %get3A_33 = arith.index_cast %mul3A_31 : i32 to index
      %get3A_34 = tpu.vector_load %arg13[%get3A_33] {strides = array<i32>} : memref<128xf32, #tpu.memory_space<vmem>>, vector<16xf32>,
      %get3A_35 = arith.index_cast %mul3A_31 : i32 to index
      %get3A_36 = tpu.vector_load %arg14[%get3A_35] {strides = array<i32>} : memref<128xf32, #tpu.memory_space<vmem>>, vector<16xf32>,
      %sub3A_37 = arith.subi %mul3A_13, %mul3A_31 : i32
      %add3A_38 = arith.constant 0 : i32
      %add3A_39 = arith.addi %sub3A_37, %add3A_38 : i32
      %broadcast_in_dim3A_40 = vector.broadcast %add3A_39 : i32 to vector<16xi32>
      %reshape3A = vector.shape_cast %broadcast_in_dim3A_40 : vector<16xi32> to vector<16x1xi32>
      %gather3A = vector.shape_cast %reshape3A : vector<16x1xi32> to vector<16xi32>
      %gather3A_41 = tpu.dynamic_gather %get3A_32[%gather3A] in [0] : vector<16xf32>, vector<16xi32> -> vector<16xf32>
      %reshape3A_42 = vector.shape_cast %broadcast_in_dim3A_40 : vector<16xi32> to vector<16x1xi32>
      %gather3A_43 = vector.shape_cast %reshape3A_42 : vector<16x1xi32> to vector<16xi32>
      %gather3A_44 = tpu.dynamic_gather %get3A_34[%gather3A_43] in [0] : vector<16xf32>, vector<16xi32> -> vector<16xf32>
      %reshape3A_45 = vector.shape_cast %broadcast_in_dim3A_40 : vector<16xi32> to vector<16x1xi32>
      %gather3A_46 = vector.shape_cast %reshape3A_45 : vector<16x1xi32> to vector<16xi32>
      %gather3A_47 = tpu.dynamic_gather %get3A_36[%gather3A_46] in [0] : vector<16xf32>, vector<16xi32> -> vector<16xf32>
      %sub3A_48 = arith.subi %mul3A_13, %mul3A_31 : i32
      %add3A_49 = arith.constant 1 : i32
      %add3A_50 = arith.addi %sub3A_48, %add3A_49 : i32
      %broadcast_in_dim3A_51 = vector.broadcast %add3A_50 : i32 to vector<16xi32>
      %reshape3A_52 = vector.shape_cast %broadcast_in_dim3A_51 : vector<16xi32> to vector<16x1xi32>
      %gather3A_53 = vector.shape_cast %reshape3A_52 : vector<16x1xi32> to vector<16xi32>
      %gather3A_54 = tpu.dynamic_gather %get3A_32[%gather3A_53] in [0] : vector<16xf32>, vector<16xi32> -> vector<16xf32>
      %reshape3A_55 = vector.shape_cast %broadcast_in_dim3A_51 : vector<16xi32> to vector<16x1xi32>
      %gather3A_56 = vector.shape_cast %reshape3A_55 : vector<16x1xi32> to vector<16xi32>
      %gather3A_57 = tpu.dynamic_gather %get3A_34[%gather3A_56] in [0] : vector<16xf32>, vector<16xi32> -> vector<16xf32>
      %reshape3A_58 = vector.shape_cast %broadcast_in_dim3A_51 : vector<16xi32> to vector<16x1xi32>
      %gather3A_59 = vector.shape_cast %reshape3A_58 : vector<16x1xi32> to vector<16xi32>
      %gather3A_60 = tpu.dynamic_gather %get3A_36[%gather3A_59] in [0] : vector<16xf32>, vector<16xi32> -> vector<16xf32>
      %sub3A_61 = arith.subi %mul3A_13, %mul3A_31 : i32
      %add3A_62 = arith.constant 2 : i32
      %add3A_63 = arith.addi %sub3A_61, %add3A_62 : i32
      %broadcast_in_dim3A_64 = vector.broadcast %add3A_63 : i32 to vector<16xi32>
      %reshape3A_65 = vector.shape_cast %broadcast_in_dim3A_64 : vector<16xi32> to vector<16x1xi32>
      %gather3A_66 = vector.shape_cast %reshape3A_65 : vector<16x1xi32> to vector<16xi32>
      %gather3A_67 = tpu.dynamic_gather %get3A_32[%gather3A_66] in [0] : vector<16xf32>, vector<16xi32> -> vector<16xf32>
      %reshape3A_68 = vector.shape_cast %broadcast_in_dim3A_64 : vector<16xi32> to vector<16x1xi32>
      %gather3A_69 = vector.shape_cast %reshape3A_68 : vector<16x1xi32> to vector<16xi32>
      %gather3A_70 = tpu.dynamic_gather %get3A_34[%gather3A_69] in [0] : vector<16xf32>, vector<16xi32> -> vector<16xf32>
      %reshape3A_71 = vector.shape_cast %broadcast_in_dim3A_64 : vector<16xi32> to vector<16x1xi32>
      %gather3A_72 = vector.shape_cast %reshape3A_71 : vector<16x1xi32> to vector<16xi32>
      %gather3A_73 = tpu.dynamic_gather %get3A_36[%gather3A_72] in [0] : vector<16xf32>, vector<16xi32> -> vector<16xf32>
      %sub3A_74 = arith.subi %mul3A_13, %mul3A_31 : i32
      %add3A_75 = arith.constant 3 : i32
      %add3A_76 = arith.addi %sub3A_74, %add3A_75 : i32
      %broadcast_in_dim3A_77 = vector.broadcast %add3A_76 : i32 to vector<16xi32>
      %reshape3A_78 = vector.shape_cast %broadcast_in_dim3A_77 : vector<16xi32> to vector<16x1xi32>
      %gather3A_79 = vector.shape_cast %reshape3A_78 : vector<16x1xi32> to vector<16xi32>
      %gather3A_80 = tpu.dynamic_gather %get3A_32[%gather3A_79] in [0] : vector<16xf32>, vector<16xi32> -> vector<16xf32>
      %reshape3A_81 = vector.shape_cast %broadcast_in_dim3A_77 : vector<16xi32> to vector<16x1xi32>
      %gather3A_82 = vector.shape_cast %reshape3A_81 : vector<16x1xi32> to vector<16xi32>
      %gather3A_83 = tpu.dynamic_gather %get3A_34[%gather3A_82] in [0] : vector<16xf32>, vector<16xi32> -> vector<16xf32>
      %reshape3A_84 = vector.shape_cast %broadcast_in_dim3A_77 : vector<16xi32> to vector<16x1xi32>
      %gather3A_85 = vector.shape_cast %reshape3A_84 : vector<16x1xi32> to vector<16xi32>
      %gather3A_86 = tpu.dynamic_gather %get3A_36[%gather3A_85] in [0] : vector<16xf32>, vector<16xi32> -> vector<16xf32>
      %sub3A_87 = arith.subi %mul3A_13, %mul3A_31 : i32
      %add3A_88 = arith.constant 4 : i32
      %add3A_89 = arith.addi %sub3A_87, %add3A_88 : i32
      %broadcast_in_dim3A_90 = vector.broadcast %add3A_89 : i32 to vector<16xi32>
      %reshape3A_91 = vector.shape_cast %broadcast_in_dim3A_90 : vector<16xi32> to vector<16x1xi32>
      %gather3A_92 = vector.shape_cast %reshape3A_91 : vector<16x1xi32> to vector<16xi32>
      %gather3A_93 = tpu.dynamic_gather %get3A_32[%gather3A_92] in [0] : vector<16xf32>, vector<16xi32> -> vector<16xf32>
      %reshape3A_94 = vector.shape_cast %broadcast_in_dim3A_90 : vector<16xi32> to vector<16x1xi32>
      %gather3A_95 = vector.shape_cast %reshape3A_94 : vector<16x1xi32> to vector<16xi32>
      %gather3A_96 = tpu.dynamic_gather %get3A_34[%gather3A_95] in [0] : vector<16xf32>, vector<16xi32> -> vector<16xf32>
      %reshape3A_97 = vector.shape_cast %broadcast_in_dim3A_90 : vector<16xi32> to vector<16x1xi32>
      %gather3A_98 = vector.shape_cast %reshape3A_97 : vector<16x1xi32> to vector<16xi32>
      %gather3A_99 = tpu.dynamic_gather %get3A_36[%gather3A_98] in [0] : vector<16xf32>, vector<16xi32> -> vector<16xf32>
      %sub3A_100 = arith.subi %mul3A_13, %mul3A_31 : i32
      %add3A_101 = arith.constant 5 : i32
      %add3A_102 = arith.addi %sub3A_100, %add3A_101 : i32
      %broadcast_in_dim3A_103 = vector.broadcast %add3A_102 : i32 to vector<16xi32>
      %reshape3A_104 = vector.shape_cast %broadcast_in_dim3A_103 : vector<16xi32> to vector<16x1xi32>
      %gather3A_105 = vector.shape_cast %reshape3A_104 : vector<16x1xi32> to vector<16xi32>
      %gather3A_106 = tpu.dynamic_gather %get3A_32[%gather3A_105] in [0] : vector<16xf32>, vector<16xi32> -> vector<16xf32>
      %reshape3A_107 = vector.shape_cast %broadcast_in_dim3A_103 : vector<16xi32> to vector<16x1xi32>
      %gather3A_108 = vector.shape_cast %reshape3A_107 : vector<16x1xi32> to vector<16xi32>
      %gather3A_109 = tpu.dynamic_gather %get3A_34[%gather3A_108] in [0] : vector<16xf32>, vector<16xi32> -> vector<16xf32>
      %reshape3A_110 = vector.shape_cast %broadcast_in_dim3A_103 : vector<16xi32> to vector<16x1xi32>
      %gather3A_111 = vector.shape_cast %reshape3A_110 : vector<16x1xi32> to vector<16xi32>
      %gather3A_112 = tpu.dynamic_gather %get3A_36[%gather3A_111] in [0] : vector<16xf32>, vector<16xi32> -> vector<16xf32>
      %sub3A_113 = arith.subi %mul3A_13, %mul3A_31 : i32
      %add3A_114 = arith.constant 6 : i32
      %add3A_115 = arith.addi %sub3A_113, %add3A_114 : i32
      %broadcast_in_dim3A_116 = vector.broadcast %add3A_115 : i32 to vector<16xi32>
      %reshape3A_117 = vector.shape_cast %broadcast_in_dim3A_116 : vector<16xi32> to vector<16x1xi32>
      %gather3A_118 = vector.shape_cast %reshape3A_117 : vector<16x1xi32> to vector<16xi32>
      %gather3A_119 = tpu.dynamic_gather %get3A_32[%gather3A_118] in [0] : vector<16xf32>, vector<16xi32> -> vector<16xf32>
      %reshape3A_120 = vector.shape_cast %broadcast_in_dim3A_116 : vector<16xi32> to vector<16x1xi32>
      %gather3A_121 = vector.shape_cast %reshape3A_120 : vector<16x1xi32> to vector<16xi32>
      %gather3A_122 = tpu.dynamic_gather %get3A_34[%gather3A_121] in [0] : vector<16xf32>, vector<16xi32> -> vector<16xf32>
      %reshape3A_123 = vector.shape_cast %broadcast_in_dim3A_116 : vector<16xi32> to vector<16x1xi32>
      %gather3A_124 = vector.shape_cast %reshape3A_123 : vector<16x1xi32> to vector<16xi32>
      %gather3A_125 = tpu.dynamic_gather %get3A_36[%gather3A_124] in [0] : vector<16xf32>, vector<16xi32> -> vector<16xf32>
      %sub3A_126 = arith.subi %mul3A_13, %mul3A_31 : i32
      %add3A_127 = arith.constant 7 : i32
      %add3A_128 = arith.addi %sub3A_126, %add3A_127 : i32
      %broadcast_in_dim3A_129 = vector.broadcast %add3A_128 : i32 to vector<16xi32>
      %reshape3A_130 = vector.shape_cast %broadcast_in_dim3A_129 : vector<16xi32> to vector<16x1xi32>
      %gather3A_131 = vector.shape_cast %reshape3A_130 : vector<16x1xi32> to vector<16xi32>
      %gather3A_132 = tpu.dynamic_gather %get3A_32[%gather3A_131] in [0] : vector<16xf32>, vector<16xi32> -> vector<16xf32>
      %reshape3A_133 = vector.shape_cast %broadcast_in_dim3A_129 : vector<16xi32> to vector<16x1xi32>
      %gather3A_134 = vector.shape_cast %reshape3A_133 : vector<16x1xi32> to vector<16xi32>
      %gather3A_135 = tpu.dynamic_gather %get3A_34[%gather3A_134] in [0] : vector<16xf32>, vector<16xi32> -> vector<16xf32>
      %reshape3A_136 = vector.shape_cast %broadcast_in_dim3A_129 : vector<16xi32> to vector<16x1xi32>
      %gather3A_137 = vector.shape_cast %reshape3A_136 : vector<16x1xi32> to vector<16xi32>
      %gather3A_138 = tpu.dynamic_gather %get3A_36[%gather3A_137] in [0] : vector<16xf32>, vector<16xi32> -> vector<16xf32>
      %scan3A_139 = arith.constant 0 : i32
      %scan3A_140 = arith.constant 64 : i32
      %scan3A_141 = arith.addi %scan3A_139, %scan3A_140 : i32
      %scan3A_142 = arith.constant 1 : i32
      %scan3A_143:8 = scf.for %scan3A_590 = %scan3A_139 to %scan3A_141 step %scan3A_142 iter_args(%scan3A_591 = %broadcast_in_dim3A_3, %scan3A_592 = %broadcast_in_dim3A_3, %scan3A_593 = %broadcast_in_dim3A_3, %scan3A_594 = %broadcast_in_dim3A_3, %scan3A_595 = %broadcast_in_dim3A_3, %scan3A_596 = %broadcast_in_dim3A_3, %scan3A_597 = %broadcast_in_dim3A_3, %scan3A_598 = %broadcast_in_dim3A_3) -> (vector<16xf32>, vector<16xf32>, vector<16xf32>, vector<16xf32>, vector<16xf32>, vector<16xf32>, vector<16xf32>, vector<16xf32>)  : i32 {
        %mul3A_599 = arith.constant 16 : i32
        %mul3A_600 = arith.muli %scan3A_590, %mul3A_599 : i32
        %get3A_601 = arith.index_cast %mul3A_600 : i32 to index
        %get3A_602 = tpu.vector_load %arg9[%get3A_601] {strides = array<i32>} : memref<8192xf32, #tpu.memory_space<vmem>>, vector<16xf32>,
        %get3A_603 = arith.index_cast %mul3A_600 : i32 to index
        %get3A_604 = tpu.vector_load %arg10[%get3A_603] {strides = array<i32>} : memref<8192xf32, #tpu.memory_space<vmem>>, vector<16xf32>,
        %get3A_605 = arith.index_cast %mul3A_600 : i32 to index
        %get3A_606 = tpu.vector_load %arg11[%get3A_605] {strides = array<i32>} : memref<8192xf32, #tpu.memory_space<vmem>>, vector<16xf32>,
        %sub3A_607 = arith.subf %gather3A_41, %get3A_602 : vector<16xf32>
        %sub3A_608 = arith.subf %gather3A_44, %get3A_604 : vector<16xf32>
        %sub3A_609 = arith.subf %gather3A_47, %get3A_606 : vector<16xf32>
        %mul3A_610 = arith.mulf %sub3A_607, %sub3A_607 : vector<16xf32>
        %mul3A_611 = arith.mulf %sub3A_608, %sub3A_608 : vector<16xf32>
        %add3A_612 = arith.addf %mul3A_610, %mul3A_611 : vector<16xf32>
        %mul3A_613 = arith.mulf %sub3A_609, %sub3A_609 : vector<16xf32>
        %add3A_614 = arith.addf %add3A_612, %mul3A_613 : vector<16xf32>
        %min3A = arith.minimumf %scan3A_591, %add3A_614 : vector<16xf32>
        %sub3A_615 = arith.subf %gather3A_54, %get3A_602 : vector<16xf32>
        %sub3A_616 = arith.subf %gather3A_57, %get3A_604 : vector<16xf32>
        %sub3A_617 = arith.subf %gather3A_60, %get3A_606 : vector<16xf32>
        %mul3A_618 = arith.mulf %sub3A_615, %sub3A_615 : vector<16xf32>
        %mul3A_619 = arith.mulf %sub3A_616, %sub3A_616 : vector<16xf32>
        %add3A_620 = arith.addf %mul3A_618, %mul3A_619 : vector<16xf32>
        %mul3A_621 = arith.mulf %sub3A_617, %sub3A_617 : vector<16xf32>
        %add3A_622 = arith.addf %add3A_620, %mul3A_621 : vector<16xf32>
        %min3A_623 = arith.minimumf %scan3A_592, %add3A_622 : vector<16xf32>
        %sub3A_624 = arith.subf %gather3A_67, %get3A_602 : vector<16xf32>
        %sub3A_625 = arith.subf %gather3A_70, %get3A_604 : vector<16xf32>
        %sub3A_626 = arith.subf %gather3A_73, %get3A_606 : vector<16xf32>
        %mul3A_627 = arith.mulf %sub3A_624, %sub3A_624 : vector<16xf32>
        %mul3A_628 = arith.mulf %sub3A_625, %sub3A_625 : vector<16xf32>
        %add3A_629 = arith.addf %mul3A_627, %mul3A_628 : vector<16xf32>
        %mul3A_630 = arith.mulf %sub3A_626, %sub3A_626 : vector<16xf32>
        %add3A_631 = arith.addf %add3A_629, %mul3A_630 : vector<16xf32>
        %min3A_632 = arith.minimumf %scan3A_593, %add3A_631 : vector<16xf32>
        %sub3A_633 = arith.subf %gather3A_80, %get3A_602 : vector<16xf32>
        %sub3A_634 = arith.subf %gather3A_83, %get3A_604 : vector<16xf32>
        %sub3A_635 = arith.subf %gather3A_86, %get3A_606 : vector<16xf32>
        %mul3A_636 = arith.mulf %sub3A_633, %sub3A_633 : vector<16xf32>
        %mul3A_637 = arith.mulf %sub3A_634, %sub3A_634 : vector<16xf32>
        %add3A_638 = arith.addf %mul3A_636, %mul3A_637 : vector<16xf32>
        %mul3A_639 = arith.mulf %sub3A_635, %sub3A_635 : vector<16xf32>
        %add3A_640 = arith.addf %add3A_638, %mul3A_639 : vector<16xf32>
        %min3A_641 = arith.minimumf %scan3A_594, %add3A_640 : vector<16xf32>
        %sub3A_642 = arith.subf %gather3A_93, %get3A_602 : vector<16xf32>
        %sub3A_643 = arith.subf %gather3A_96, %get3A_604 : vector<16xf32>
        %sub3A_644 = arith.subf %gather3A_99, %get3A_606 : vector<16xf32>
        %mul3A_645 = arith.mulf %sub3A_642, %sub3A_642 : vector<16xf32>
        %mul3A_646 = arith.mulf %sub3A_643, %sub3A_643 : vector<16xf32>
        %add3A_647 = arith.addf %mul3A_645, %mul3A_646 : vector<16xf32>
        %mul3A_648 = arith.mulf %sub3A_644, %sub3A_644 : vector<16xf32>
        %add3A_649 = arith.addf %add3A_647, %mul3A_648 : vector<16xf32>
        %min3A_650 = arith.minimumf %scan3A_595, %add3A_649 : vector<16xf32>
        %sub3A_651 = arith.subf %gather3A_106, %get3A_602 : vector<16xf32>
        %sub3A_652 = arith.subf %gather3A_109, %get3A_604 : vector<16xf32>
        %sub3A_653 = arith.subf %gather3A_112, %get3A_606 : vector<16xf32>
        %mul3A_654 = arith.mulf %sub3A_651, %sub3A_651 : vector<16xf32>
        %mul3A_655 = arith.mulf %sub3A_652, %sub3A_652 : vector<16xf32>
        %add3A_656 = arith.addf %mul3A_654, %mul3A_655 : vector<16xf32>
        %mul3A_657 = arith.mulf %sub3A_653, %sub3A_653 : vector<16xf32>
        %add3A_658 = arith.addf %add3A_656, %mul3A_657 : vector<16xf32>
        %min3A_659 = arith.minimumf %scan3A_596, %add3A_658 : vector<16xf32>
        %sub3A_660 = arith.subf %gather3A_119, %get3A_602 : vector<16xf32>
        %sub3A_661 = arith.subf %gather3A_122, %get3A_604 : vector<16xf32>
        %sub3A_662 = arith.subf %gather3A_125, %get3A_606 : vector<16xf32>
        %mul3A_663 = arith.mulf %sub3A_660, %sub3A_660 : vector<16xf32>
        %mul3A_664 = arith.mulf %sub3A_661, %sub3A_661 : vector<16xf32>
        %add3A_665 = arith.addf %mul3A_663, %mul3A_664 : vector<16xf32>
        %mul3A_666 = arith.mulf %sub3A_662, %sub3A_662 : vector<16xf32>
        %add3A_667 = arith.addf %add3A_665, %mul3A_666 : vector<16xf32>
        %min3A_668 = arith.minimumf %scan3A_597, %add3A_667 : vector<16xf32>
        %sub3A_669 = arith.subf %gather3A_132, %get3A_602 : vector<16xf32>
        %sub3A_670 = arith.subf %gather3A_135, %get3A_604 : vector<16xf32>
        %sub3A_671 = arith.subf %gather3A_138, %get3A_606 : vector<16xf32>
        %mul3A_672 = arith.mulf %sub3A_669, %sub3A_669 : vector<16xf32>
        %mul3A_673 = arith.mulf %sub3A_670, %sub3A_670 : vector<16xf32>
        %add3A_674 = arith.addf %mul3A_672, %mul3A_673 : vector<16xf32>
        %mul3A_675 = arith.mulf %sub3A_671, %sub3A_671 : vector<16xf32>
        %add3A_676 = arith.addf %add3A_674, %mul3A_675 : vector<16xf32>
        %min3A_677 = arith.minimumf %scan3A_598, %add3A_676 : vector<16xf32>
        scf.yield %min3A, %min3A_623, %min3A_632, %min3A_641, %min3A_650, %min3A_659, %min3A_668, %min3A_677 : vector<16xf32>, vector<16xf32>, vector<16xf32>, vector<16xf32>, vector<16xf32>, vector<16xf32>, vector<16xf32>, vector<16xf32>
      }
      %scan3A_144 = arith.constant 64 : i32
      %sort3A = arith.constant dense<true> : vector<16xi1>
      %sort3A_145, %sort3A_146, %sort3A_147 = tpu.sort %scan3A_143#0, %scan3A_143#0 masked %sort3A : (vector<16xf32>, vector<16xf32>, vector<16xi1>) -> (vector<16xi1>, vector<16xf32>, vector<16xf32>)
      %slice3A = vector.extract_strided_slice %sort3A_146 {offsets = [7], sizes = [1], strides = [1]} : vector<16xf32> to vector<1xf32>
      %squeeze3A = vector.extract %slice3A[0] : f32 from vector<1xf32>
      %sort3A_148 = arith.constant dense<true> : vector<16xi1>
      %sort3A_149, %sort3A_150, %sort3A_151 = tpu.sort %scan3A_143#1, %scan3A_143#1 masked %sort3A_148 : (vector<16xf32>, vector<16xf32>, vector<16xi1>) -> (vector<16xi1>, vector<16xf32>, vector<16xf32>)
      %slice3A_152 = vector.extract_strided_slice %sort3A_150 {offsets = [7], sizes = [1], strides = [1]} : vector<16xf32> to vector<1xf32>
      %squeeze3A_153 = vector.extract %slice3A_152[0] : f32 from vector<1xf32>
      %sort3A_154 = arith.constant dense<true> : vector<16xi1>
      %sort3A_155, %sort3A_156, %sort3A_157 = tpu.sort %scan3A_143#2, %scan3A_143#2 masked %sort3A_154 : (vector<16xf32>, vector<16xf32>, vector<16xi1>) -> (vector<16xi1>, vector<16xf32>, vector<16xf32>)
      %slice3A_158 = vector.extract_strided_slice %sort3A_156 {offsets = [7], sizes = [1], strides = [1]} : vector<16xf32> to vector<1xf32>
      %squeeze3A_159 = vector.extract %slice3A_158[0] : f32 from vector<1xf32>
      %sort3A_160 = arith.constant dense<true> : vector<16xi1>
      %sort3A_161, %sort3A_162, %sort3A_163 = tpu.sort %scan3A_143#3, %scan3A_143#3 masked %sort3A_160 : (vector<16xf32>, vector<16xf32>, vector<16xi1>) -> (vector<16xi1>, vector<16xf32>, vector<16xf32>)
      %slice3A_164 = vector.extract_strided_slice %sort3A_162 {offsets = [7], sizes = [1], strides = [1]} : vector<16xf32> to vector<1xf32>
      %squeeze3A_165 = vector.extract %slice3A_164[0] : f32 from vector<1xf32>
      %sort3A_166 = arith.constant dense<true> : vector<16xi1>
      %sort3A_167, %sort3A_168, %sort3A_169 = tpu.sort %scan3A_143#4, %scan3A_143#4 masked %sort3A_166 : (vector<16xf32>, vector<16xf32>, vector<16xi1>) -> (vector<16xi1>, vector<16xf32>, vector<16xf32>)
      %slice3A_170 = vector.extract_strided_slice %sort3A_168 {offsets = [7], sizes = [1], strides = [1]} : vector<16xf32> to vector<1xf32>
      %squeeze3A_171 = vector.extract %slice3A_170[0] : f32 from vector<1xf32>
      %sort3A_172 = arith.constant dense<true> : vector<16xi1>
      %sort3A_173, %sort3A_174, %sort3A_175 = tpu.sort %scan3A_143#5, %scan3A_143#5 masked %sort3A_172 : (vector<16xf32>, vector<16xf32>, vector<16xi1>) -> (vector<16xi1>, vector<16xf32>, vector<16xf32>)
      %slice3A_176 = vector.extract_strided_slice %sort3A_174 {offsets = [7], sizes = [1], strides = [1]} : vector<16xf32> to vector<1xf32>
      %squeeze3A_177 = vector.extract %slice3A_176[0] : f32 from vector<1xf32>
      %sort3A_178 = arith.constant dense<true> : vector<16xi1>
      %sort3A_179, %sort3A_180, %sort3A_181 = tpu.sort %scan3A_143#6, %scan3A_143#6 masked %sort3A_178 : (vector<16xf32>, vector<16xf32>, vector<16xi1>) -> (vector<16xi1>, vector<16xf32>, vector<16xf32>)
      %slice3A_182 = vector.extract_strided_slice %sort3A_180 {offsets = [7], sizes = [1], strides = [1]} : vector<16xf32> to vector<1xf32>
      %squeeze3A_183 = vector.extract %slice3A_182[0] : f32 from vector<1xf32>
      %sort3A_184 = arith.constant dense<true> : vector<16xi1>
      %sort3A_185, %sort3A_186, %sort3A_187 = tpu.sort %scan3A_143#7, %scan3A_143#7 masked %sort3A_184 : (vector<16xf32>, vector<16xf32>, vector<16xi1>) -> (vector<16xi1>, vector<16xf32>, vector<16xf32>)
      %slice3A_188 = vector.extract_strided_slice %sort3A_186 {offsets = [7], sizes = [1], strides = [1]} : vector<16xf32> to vector<1xf32>
      %squeeze3A_189 = vector.extract %slice3A_188[0] : f32 from vector<1xf32>
      %parallel_loop3A = arith.constant 0 : i32
      %parallel_loop3A_190 = arith.constant 512 : i32
      %parallel_loop3A_191 = arith.constant 1 : i32
      %parallel_loop3A_192:8 = scf.for %parallel_loop3A_590 = %parallel_loop3A to %parallel_loop3A_190 step %parallel_loop3A_191 iter_args(%parallel_loop3A_591 = %broadcast_in_dim3A_5, %parallel_loop3A_592 = %broadcast_in_dim3A_5, %parallel_loop3A_593 = %broadcast_in_dim3A_5, %parallel_loop3A_594 = %broadcast_in_dim3A_5, %parallel_loop3A_595 = %broadcast_in_dim3A_5, %parallel_loop3A_596 = %broadcast_in_dim3A_5, %parallel_loop3A_597 = %broadcast_in_dim3A_5, %parallel_loop3A_598 = %broadcast_in_dim3A_5) -> (vector<16xi32>, vector<16xi32>, vector<16xi32>, vector<16xi32>, vector<16xi32>, vector<16xi32>, vector<16xi32>, vector<16xi32>)  : i32 {
        %parallel_loop3A_599 = arith.constant 16 : i32
        %parallel_loop3A_600 = arith.muli %parallel_loop3A_590, %parallel_loop3A_599 : i32
        %parallel_loop3A_601 = arith.index_cast %parallel_loop3A_600 : i32 to index
        %parallel_loop3A_602 = tpu.vector_load %arg9[%parallel_loop3A_601] {strides = array<i32>} : memref<8192xf32, #tpu.memory_space<vmem>>, vector<16xf32>,
        %parallel_loop3A_603 = arith.index_cast %parallel_loop3A_600 : i32 to index
        %parallel_loop3A_604 = tpu.vector_load %arg10[%parallel_loop3A_603] {strides = array<i32>} : memref<8192xf32, #tpu.memory_space<vmem>>, vector<16xf32>,
        %parallel_loop3A_605 = arith.index_cast %parallel_loop3A_600 : i32 to index
        %parallel_loop3A_606 = tpu.vector_load %arg11[%parallel_loop3A_605] {strides = array<i32>} : memref<8192xf32, #tpu.memory_space<vmem>>, vector<16xf32>,
        %parallel_loop3A_607 = vector.broadcast %parallel_loop3A_600 : i32 to vector<16xi32>
        %parallel_loop3A_608 = arith.addi %parallel_loop3A_607, %iota3A : vector<16xi32>
        %parallel_loop3A_609 = arith.subf %gather3A_41, %parallel_loop3A_602 : vector<16xf32>
        %parallel_loop3A_610 = arith.subf %gather3A_44, %parallel_loop3A_604 : vector<16xf32>
        %parallel_loop3A_611 = arith.subf %gather3A_47, %parallel_loop3A_606 : vector<16xf32>
        %parallel_loop3A_612 = arith.mulf %parallel_loop3A_609, %parallel_loop3A_609 : vector<16xf32>
        %parallel_loop3A_613 = arith.mulf %parallel_loop3A_610, %parallel_loop3A_610 : vector<16xf32>
        %parallel_loop3A_614 = arith.addf %parallel_loop3A_612, %parallel_loop3A_613 : vector<16xf32>
        %parallel_loop3A_615 = arith.mulf %parallel_loop3A_611, %parallel_loop3A_611 : vector<16xf32>
        %parallel_loop3A_616 = arith.addf %parallel_loop3A_614, %parallel_loop3A_615 : vector<16xf32>
        %parallel_loop3A_617 = vector.broadcast %squeeze3A : f32 to vector<16xf32>
        %parallel_loop3A_618 = arith.cmpf ole, %parallel_loop3A_616, %parallel_loop3A_617 : vector<16xf32>
        %parallel_loop3A_619 = arith.extui %parallel_loop3A_618 : vector<16xi1> to vector<16xi32>
        %parallel_loop3A_620 = arith.constant true
        %parallel_loop3A_621 = vector.broadcast %parallel_loop3A_620 : i1 to vector<16xi1>
        %parallel_loop3A_622 = tpu.scan <sum>, %parallel_loop3A_619 masked %parallel_loop3A_621 : vector<16xi32>, vector<16xi1> -> vector<16xi32>
        %parallel_loop3A_623 = arith.addi %parallel_loop3A_591, %parallel_loop3A_622 : vector<16xi32>
        %parallel_loop3A_624 = arith.constant 1 : i32
        %parallel_loop3A_625 = vector.broadcast %parallel_loop3A_624 : i32 to vector<16xi32>
        %parallel_loop3A_626 = arith.subi %parallel_loop3A_623, %parallel_loop3A_625 : vector<16xi32>
        tpu.vector_store_idx %arg15[%parallel_loop3A_626], %parallel_loop3A_608 masked %parallel_loop3A_618 : memref<8192xi32, #tpu.memory_space<vmem>>[vector<16xi32>], vector<16xi32>, vector<16xi1>
        %parallel_loop3A_627 = tpu.all_reduce %parallel_loop3A_618 {dim = 0 : i64, kind = #tpu.reduction_kind<sum>} : vector<16xi1> -> vector<16xi32>
        %parallel_loop3A_628 = arith.addi %parallel_loop3A_591, %parallel_loop3A_627 : vector<16xi32>
        %parallel_loop3A_629 = arith.subf %gather3A_54, %parallel_loop3A_602 : vector<16xf32>
        %parallel_loop3A_630 = arith.subf %gather3A_57, %parallel_loop3A_604 : vector<16xf32>
        %parallel_loop3A_631 = arith.subf %gather3A_60, %parallel_loop3A_606 : vector<16xf32>
        %parallel_loop3A_632 = arith.mulf %parallel_loop3A_629, %parallel_loop3A_629 : vector<16xf32>
        %parallel_loop3A_633 = arith.mulf %parallel_loop3A_630, %parallel_loop3A_630 : vector<16xf32>
        %parallel_loop3A_634 = arith.addf %parallel_loop3A_632, %parallel_loop3A_633 : vector<16xf32>
        %parallel_loop3A_635 = arith.mulf %parallel_loop3A_631, %parallel_loop3A_631 : vector<16xf32>
        %parallel_loop3A_636 = arith.addf %parallel_loop3A_634, %parallel_loop3A_635 : vector<16xf32>
        %parallel_loop3A_637 = vector.broadcast %squeeze3A_153 : f32 to vector<16xf32>
        %parallel_loop3A_638 = arith.cmpf ole, %parallel_loop3A_636, %parallel_loop3A_637 : vector<16xf32>
        %parallel_loop3A_639 = arith.extui %parallel_loop3A_638 : vector<16xi1> to vector<16xi32>
        %parallel_loop3A_640 = arith.constant true
        %parallel_loop3A_641 = vector.broadcast %parallel_loop3A_640 : i1 to vector<16xi1>
        %parallel_loop3A_642 = tpu.scan <sum>, %parallel_loop3A_639 masked %parallel_loop3A_641 : vector<16xi32>, vector<16xi1> -> vector<16xi32>
        %parallel_loop3A_643 = arith.addi %parallel_loop3A_592, %parallel_loop3A_642 : vector<16xi32>
        %parallel_loop3A_644 = arith.constant 1 : i32
        %parallel_loop3A_645 = vector.broadcast %parallel_loop3A_644 : i32 to vector<16xi32>
        %parallel_loop3A_646 = arith.subi %parallel_loop3A_643, %parallel_loop3A_645 : vector<16xi32>
        tpu.vector_store_idx %arg16[%parallel_loop3A_646], %parallel_loop3A_608 masked %parallel_loop3A_638 : memref<8192xi32, #tpu.memory_space<vmem>>[vector<16xi32>], vector<16xi32>, vector<16xi1>
        %parallel_loop3A_647 = tpu.all_reduce %parallel_loop3A_638 {dim = 0 : i64, kind = #tpu.reduction_kind<sum>} : vector<16xi1> -> vector<16xi32>
        %parallel_loop3A_648 = arith.addi %parallel_loop3A_592, %parallel_loop3A_647 : vector<16xi32>
        %parallel_loop3A_649 = arith.subf %gather3A_67, %parallel_loop3A_602 : vector<16xf32>
        %parallel_loop3A_650 = arith.subf %gather3A_70, %parallel_loop3A_604 : vector<16xf32>
        %parallel_loop3A_651 = arith.subf %gather3A_73, %parallel_loop3A_606 : vector<16xf32>
        %parallel_loop3A_652 = arith.mulf %parallel_loop3A_649, %parallel_loop3A_649 : vector<16xf32>
        %parallel_loop3A_653 = arith.mulf %parallel_loop3A_650, %parallel_loop3A_650 : vector<16xf32>
        %parallel_loop3A_654 = arith.addf %parallel_loop3A_652, %parallel_loop3A_653 : vector<16xf32>
        %parallel_loop3A_655 = arith.mulf %parallel_loop3A_651, %parallel_loop3A_651 : vector<16xf32>
        %parallel_loop3A_656 = arith.addf %parallel_loop3A_654, %parallel_loop3A_655 : vector<16xf32>
        %parallel_loop3A_657 = vector.broadcast %squeeze3A_159 : f32 to vector<16xf32>
        %parallel_loop3A_658 = arith.cmpf ole, %parallel_loop3A_656, %parallel_loop3A_657 : vector<16xf32>
        %parallel_loop3A_659 = arith.extui %parallel_loop3A_658 : vector<16xi1> to vector<16xi32>
        %parallel_loop3A_660 = arith.constant true
        %parallel_loop3A_661 = vector.broadcast %parallel_loop3A_660 : i1 to vector<16xi1>
        %parallel_loop3A_662 = tpu.scan <sum>, %parallel_loop3A_659 masked %parallel_loop3A_661 : vector<16xi32>, vector<16xi1> -> vector<16xi32>
        %parallel_loop3A_663 = arith.addi %parallel_loop3A_593, %parallel_loop3A_662 : vector<16xi32>
        %parallel_loop3A_664 = arith.constant 1 : i32
        %parallel_loop3A_665 = vector.broadcast %parallel_loop3A_664 : i32 to vector<16xi32>
        %parallel_loop3A_666 = arith.subi %parallel_loop3A_663, %parallel_loop3A_665 : vector<16xi32>
        tpu.vector_store_idx %arg17[%parallel_loop3A_666], %parallel_loop3A_608 masked %parallel_loop3A_658 : memref<8192xi32, #tpu.memory_space<vmem>>[vector<16xi32>], vector<16xi32>, vector<16xi1>
        %parallel_loop3A_667 = tpu.all_reduce %parallel_loop3A_658 {dim = 0 : i64, kind = #tpu.reduction_kind<sum>} : vector<16xi1> -> vector<16xi32>
        %parallel_loop3A_668 = arith.addi %parallel_loop3A_593, %parallel_loop3A_667 : vector<16xi32>
        %parallel_loop3A_669 = arith.subf %gather3A_80, %parallel_loop3A_602 : vector<16xf32>
        %parallel_loop3A_670 = arith.subf %gather3A_83, %parallel_loop3A_604 : vector<16xf32>
        %parallel_loop3A_671 = arith.subf %gather3A_86, %parallel_loop3A_606 : vector<16xf32>
        %parallel_loop3A_672 = arith.mulf %parallel_loop3A_669, %parallel_loop3A_669 : vector<16xf32>
        %parallel_loop3A_673 = arith.mulf %parallel_loop3A_670, %parallel_loop3A_670 : vector<16xf32>
        %parallel_loop3A_674 = arith.addf %parallel_loop3A_672, %parallel_loop3A_673 : vector<16xf32>
        %parallel_loop3A_675 = arith.mulf %parallel_loop3A_671, %parallel_loop3A_671 : vector<16xf32>
        %parallel_loop3A_676 = arith.addf %parallel_loop3A_674, %parallel_loop3A_675 : vector<16xf32>
        %parallel_loop3A_677 = vector.broadcast %squeeze3A_165 : f32 to vector<16xf32>
        %parallel_loop3A_678 = arith.cmpf ole, %parallel_loop3A_676, %parallel_loop3A_677 : vector<16xf32>
        %parallel_loop3A_679 = arith.extui %parallel_loop3A_678 : vector<16xi1> to vector<16xi32>
        %parallel_loop3A_680 = arith.constant true
        %parallel_loop3A_681 = vector.broadcast %parallel_loop3A_680 : i1 to vector<16xi1>
        %parallel_loop3A_682 = tpu.scan <sum>, %parallel_loop3A_679 masked %parallel_loop3A_681 : vector<16xi32>, vector<16xi1> -> vector<16xi32>
        %parallel_loop3A_683 = arith.addi %parallel_loop3A_594, %parallel_loop3A_682 : vector<16xi32>
        %parallel_loop3A_684 = arith.constant 1 : i32
        %parallel_loop3A_685 = vector.broadcast %parallel_loop3A_684 : i32 to vector<16xi32>
        %parallel_loop3A_686 = arith.subi %parallel_loop3A_683, %parallel_loop3A_685 : vector<16xi32>
        tpu.vector_store_idx %arg18[%parallel_loop3A_686], %parallel_loop3A_608 masked %parallel_loop3A_678 : memref<8192xi32, #tpu.memory_space<vmem>>[vector<16xi32>], vector<16xi32>, vector<16xi1>
        %parallel_loop3A_687 = tpu.all_reduce %parallel_loop3A_678 {dim = 0 : i64, kind = #tpu.reduction_kind<sum>} : vector<16xi1> -> vector<16xi32>
        %parallel_loop3A_688 = arith.addi %parallel_loop3A_594, %parallel_loop3A_687 : vector<16xi32>
        %parallel_loop3A_689 = arith.subf %gather3A_93, %parallel_loop3A_602 : vector<16xf32>
        %parallel_loop3A_690 = arith.subf %gather3A_96, %parallel_loop3A_604 : vector<16xf32>
        %parallel_loop3A_691 = arith.subf %gather3A_99, %parallel_loop3A_606 : vector<16xf32>
        %parallel_loop3A_692 = arith.mulf %parallel_loop3A_689, %parallel_loop3A_689 : vector<16xf32>
        %parallel_loop3A_693 = arith.mulf %parallel_loop3A_690, %parallel_loop3A_690 : vector<16xf32>
        %parallel_loop3A_694 = arith.addf %parallel_loop3A_692, %parallel_loop3A_693 : vector<16xf32>
        %parallel_loop3A_695 = arith.mulf %parallel_loop3A_691, %parallel_loop3A_691 : vector<16xf32>
        %parallel_loop3A_696 = arith.addf %parallel_loop3A_694, %parallel_loop3A_695 : vector<16xf32>
        %parallel_loop3A_697 = vector.broadcast %squeeze3A_171 : f32 to vector<16xf32>
        %parallel_loop3A_698 = arith.cmpf ole, %parallel_loop3A_696, %parallel_loop3A_697 : vector<16xf32>
        %parallel_loop3A_699 = arith.extui %parallel_loop3A_698 : vector<16xi1> to vector<16xi32>
        %parallel_loop3A_700 = arith.constant true
        %parallel_loop3A_701 = vector.broadcast %parallel_loop3A_700 : i1 to vector<16xi1>
        %parallel_loop3A_702 = tpu.scan <sum>, %parallel_loop3A_699 masked %parallel_loop3A_701 : vector<16xi32>, vector<16xi1> -> vector<16xi32>
        %parallel_loop3A_703 = arith.addi %parallel_loop3A_595, %parallel_loop3A_702 : vector<16xi32>
        %parallel_loop3A_704 = arith.constant 1 : i32
        %parallel_loop3A_705 = vector.broadcast %parallel_loop3A_704 : i32 to vector<16xi32>
        %parallel_loop3A_706 = arith.subi %parallel_loop3A_703, %parallel_loop3A_705 : vector<16xi32>
        tpu.vector_store_idx %arg19[%parallel_loop3A_706], %parallel_loop3A_608 masked %parallel_loop3A_698 : memref<8192xi32, #tpu.memory_space<vmem>>[vector<16xi32>], vector<16xi32>, vector<16xi1>
        %parallel_loop3A_707 = tpu.all_reduce %parallel_loop3A_698 {dim = 0 : i64, kind = #tpu.reduction_kind<sum>} : vector<16xi1> -> vector<16xi32>
        %parallel_loop3A_708 = arith.addi %parallel_loop3A_595, %parallel_loop3A_707 : vector<16xi32>
        %parallel_loop3A_709 = arith.subf %gather3A_106, %parallel_loop3A_602 : vector<16xf32>
        %parallel_loop3A_710 = arith.subf %gather3A_109, %parallel_loop3A_604 : vector<16xf32>
        %parallel_loop3A_711 = arith.subf %gather3A_112, %parallel_loop3A_606 : vector<16xf32>
        %parallel_loop3A_712 = arith.mulf %parallel_loop3A_709, %parallel_loop3A_709 : vector<16xf32>
        %parallel_loop3A_713 = arith.mulf %parallel_loop3A_710, %parallel_loop3A_710 : vector<16xf32>
        %parallel_loop3A_714 = arith.addf %parallel_loop3A_712, %parallel_loop3A_713 : vector<16xf32>
        %parallel_loop3A_715 = arith.mulf %parallel_loop3A_711, %parallel_loop3A_711 : vector<16xf32>
        %parallel_loop3A_716 = arith.addf %parallel_loop3A_714, %parallel_loop3A_715 : vector<16xf32>
        %parallel_loop3A_717 = vector.broadcast %squeeze3A_177 : f32 to vector<16xf32>
        %parallel_loop3A_718 = arith.cmpf ole, %parallel_loop3A_716, %parallel_loop3A_717 : vector<16xf32>
        %parallel_loop3A_719 = arith.extui %parallel_loop3A_718 : vector<16xi1> to vector<16xi32>
        %parallel_loop3A_720 = arith.constant true
        %parallel_loop3A_721 = vector.broadcast %parallel_loop3A_720 : i1 to vector<16xi1>
        %parallel_loop3A_722 = tpu.scan <sum>, %parallel_loop3A_719 masked %parallel_loop3A_721 : vector<16xi32>, vector<16xi1> -> vector<16xi32>
        %parallel_loop3A_723 = arith.addi %parallel_loop3A_596, %parallel_loop3A_722 : vector<16xi32>
        %parallel_loop3A_724 = arith.constant 1 : i32
        %parallel_loop3A_725 = vector.broadcast %parallel_loop3A_724 : i32 to vector<16xi32>
        %parallel_loop3A_726 = arith.subi %parallel_loop3A_723, %parallel_loop3A_725 : vector<16xi32>
        tpu.vector_store_idx %arg20[%parallel_loop3A_726], %parallel_loop3A_608 masked %parallel_loop3A_718 : memref<8192xi32, #tpu.memory_space<vmem>>[vector<16xi32>], vector<16xi32>, vector<16xi1>
        %parallel_loop3A_727 = tpu.all_reduce %parallel_loop3A_718 {dim = 0 : i64, kind = #tpu.reduction_kind<sum>} : vector<16xi1> -> vector<16xi32>
        %parallel_loop3A_728 = arith.addi %parallel_loop3A_596, %parallel_loop3A_727 : vector<16xi32>
        %parallel_loop3A_729 = arith.subf %gather3A_119, %parallel_loop3A_602 : vector<16xf32>
        %parallel_loop3A_730 = arith.subf %gather3A_122, %parallel_loop3A_604 : vector<16xf32>
        %parallel_loop3A_731 = arith.subf %gather3A_125, %parallel_loop3A_606 : vector<16xf32>
        %parallel_loop3A_732 = arith.mulf %parallel_loop3A_729, %parallel_loop3A_729 : vector<16xf32>
        %parallel_loop3A_733 = arith.mulf %parallel_loop3A_730, %parallel_loop3A_730 : vector<16xf32>
        %parallel_loop3A_734 = arith.addf %parallel_loop3A_732, %parallel_loop3A_733 : vector<16xf32>
        %parallel_loop3A_735 = arith.mulf %parallel_loop3A_731, %parallel_loop3A_731 : vector<16xf32>
        %parallel_loop3A_736 = arith.addf %parallel_loop3A_734, %parallel_loop3A_735 : vector<16xf32>
        %parallel_loop3A_737 = vector.broadcast %squeeze3A_183 : f32 to vector<16xf32>
        %parallel_loop3A_738 = arith.cmpf ole, %parallel_loop3A_736, %parallel_loop3A_737 : vector<16xf32>
        %parallel_loop3A_739 = arith.extui %parallel_loop3A_738 : vector<16xi1> to vector<16xi32>
        %parallel_loop3A_740 = arith.constant true
        %parallel_loop3A_741 = vector.broadcast %parallel_loop3A_740 : i1 to vector<16xi1>
        %parallel_loop3A_742 = tpu.scan <sum>, %parallel_loop3A_739 masked %parallel_loop3A_741 : vector<16xi32>, vector<16xi1> -> vector<16xi32>
        %parallel_loop3A_743 = arith.addi %parallel_loop3A_597, %parallel_loop3A_742 : vector<16xi32>
        %parallel_loop3A_744 = arith.constant 1 : i32
        %parallel_loop3A_745 = vector.broadcast %parallel_loop3A_744 : i32 to vector<16xi32>
        %parallel_loop3A_746 = arith.subi %parallel_loop3A_743, %parallel_loop3A_745 : vector<16xi32>
        tpu.vector_store_idx %arg21[%parallel_loop3A_746], %parallel_loop3A_608 masked %parallel_loop3A_738 : memref<8192xi32, #tpu.memory_space<vmem>>[vector<16xi32>], vector<16xi32>, vector<16xi1>
        %parallel_loop3A_747 = tpu.all_reduce %parallel_loop3A_738 {dim = 0 : i64, kind = #tpu.reduction_kind<sum>} : vector<16xi1> -> vector<16xi32>
        %parallel_loop3A_748 = arith.addi %parallel_loop3A_597, %parallel_loop3A_747 : vector<16xi32>
        %parallel_loop3A_749 = arith.subf %gather3A_132, %parallel_loop3A_602 : vector<16xf32>
        %parallel_loop3A_750 = arith.subf %gather3A_135, %parallel_loop3A_604 : vector<16xf32>
        %parallel_loop3A_751 = arith.subf %gather3A_138, %parallel_loop3A_606 : vector<16xf32>
        %parallel_loop3A_752 = arith.mulf %parallel_loop3A_749, %parallel_loop3A_749 : vector<16xf32>
        %parallel_loop3A_753 = arith.mulf %parallel_loop3A_750, %parallel_loop3A_750 : vector<16xf32>
        %parallel_loop3A_754 = arith.addf %parallel_loop3A_752, %parallel_loop3A_753 : vector<16xf32>
        %parallel_loop3A_755 = arith.mulf %parallel_loop3A_751, %parallel_loop3A_751 : vector<16xf32>
        %parallel_loop3A_756 = arith.addf %parallel_loop3A_754, %parallel_loop3A_755 : vector<16xf32>
        %parallel_loop3A_757 = vector.broadcast %squeeze3A_189 : f32 to vector<16xf32>
        %parallel_loop3A_758 = arith.cmpf ole, %parallel_loop3A_756, %parallel_loop3A_757 : vector<16xf32>
        %parallel_loop3A_759 = arith.extui %parallel_loop3A_758 : vector<16xi1> to vector<16xi32>
        %parallel_loop3A_760 = arith.constant true
        %parallel_loop3A_761 = vector.broadcast %parallel_loop3A_760 : i1 to vector<16xi1>
        %parallel_loop3A_762 = tpu.scan <sum>, %parallel_loop3A_759 masked %parallel_loop3A_761 : vector<16xi32>, vector<16xi1> -> vector<16xi32>
        %parallel_loop3A_763 = arith.addi %parallel_loop3A_598, %parallel_loop3A_762 : vector<16xi32>
        %parallel_loop3A_764 = arith.constant 1 : i32
        %parallel_loop3A_765 = vector.broadcast %parallel_loop3A_764 : i32 to vector<16xi32>
        %parallel_loop3A_766 = arith.subi %parallel_loop3A_763, %parallel_loop3A_765 : vector<16xi32>
        tpu.vector_store_idx %arg22[%parallel_loop3A_766], %parallel_loop3A_608 masked %parallel_loop3A_758 : memref<8192xi32, #tpu.memory_space<vmem>>[vector<16xi32>], vector<16xi32>, vector<16xi1>
        %parallel_loop3A_767 = tpu.all_reduce %parallel_loop3A_758 {dim = 0 : i64, kind = #tpu.reduction_kind<sum>} : vector<16xi1> -> vector<16xi32>
        %parallel_loop3A_768 = arith.addi %parallel_loop3A_598, %parallel_loop3A_767 : vector<16xi32>
        scf.yield %parallel_loop3A_628, %parallel_loop3A_648, %parallel_loop3A_668, %parallel_loop3A_688, %parallel_loop3A_708, %parallel_loop3A_728, %parallel_loop3A_748, %parallel_loop3A_768 : vector<16xi32>, vector<16xi32>, vector<16xi32>, vector<16xi32>, vector<16xi32>, vector<16xi32>, vector<16xi32>, vector<16xi32>
      } {sc.loop_unroll_factor = 2 : i64, sc.parallel_access}
      %slice3A_193 = vector.extract_strided_slice %parallel_loop3A_192#0 {offsets = [0], sizes = [1], strides = [1]} : vector<16xi32> to vector<1xi32>
      %squeeze3A_194 = vector.extract %slice3A_193[0] : i32 from vector<1xi32>
      %slice3A_195 = vector.extract_strided_slice %parallel_loop3A_192#1 {offsets = [0], sizes = [1], strides = [1]} : vector<16xi32> to vector<1xi32>
      %squeeze3A_196 = vector.extract %slice3A_195[0] : i32 from vector<1xi32>
      %slice3A_197 = vector.extract_strided_slice %parallel_loop3A_192#2 {offsets = [0], sizes = [1], strides = [1]} : vector<16xi32> to vector<1xi32>
      %squeeze3A_198 = vector.extract %slice3A_197[0] : i32 from vector<1xi32>
      %slice3A_199 = vector.extract_strided_slice %parallel_loop3A_192#3 {offsets = [0], sizes = [1], strides = [1]} : vector<16xi32> to vector<1xi32>
      %squeeze3A_200 = vector.extract %slice3A_199[0] : i32 from vector<1xi32>
      %slice3A_201 = vector.extract_strided_slice %parallel_loop3A_192#4 {offsets = [0], sizes = [1], strides = [1]} : vector<16xi32> to vector<1xi32>
      %squeeze3A_202 = vector.extract %slice3A_201[0] : i32 from vector<1xi32>
      %slice3A_203 = vector.extract_strided_slice %parallel_loop3A_192#5 {offsets = [0], sizes = [1], strides = [1]} : vector<16xi32> to vector<1xi32>
      %squeeze3A_204 = vector.extract %slice3A_203[0] : i32 from vector<1xi32>
      %slice3A_205 = vector.extract_strided_slice %parallel_loop3A_192#6 {offsets = [0], sizes = [1], strides = [1]} : vector<16xi32> to vector<1xi32>
      %squeeze3A_206 = vector.extract %slice3A_205[0] : i32 from vector<1xi32>
      %slice3A_207 = vector.extract_strided_slice %parallel_loop3A_192#7 {offsets = [0], sizes = [1], strides = [1]} : vector<16xi32> to vector<1xi32>
      %squeeze3A_208 = vector.extract %slice3A_207[0] : i32 from vector<1xi32>
      %add3A_209 = arith.constant 16 : i32
      %add3A_210 = arith.addi %squeeze3A_194, %add3A_209 : i32
      %sub3A_211 = arith.constant 1 : i32
      %sub3A_212 = arith.subi %add3A_210, %sub3A_211 : i32
      %jit3A_213 = arith.constant 16 : i32
      %div3A_214 = arith.divsi %sub3A_212, %jit3A_213 : i32
      %sign3A_215 = arith.constant 0 : i32
      %sign3A_216 = arith.cmpi sgt, %sub3A_212, %sign3A_215 : i32
      %sign3A_217 = arith.extui %sign3A_216 : i1 to i32
      %sign3A_218 = arith.constant 0 : i32
      %sign3A_219 = arith.cmpi slt, %sub3A_212, %sign3A_218 : i32
      %sign3A_220 = arith.extui %sign3A_219 : i1 to i32
      %sign3A_221 = arith.subi %sign3A_217, %sign3A_220 : i32
      %sign3A_222 = arith.constant 0 : i32
      %sign3A_223 = arith.cmpi sgt, %jit3A_213, %sign3A_222 : i32
      %sign3A_224 = arith.extui %sign3A_223 : i1 to i32
      %sign3A_225 = arith.constant 0 : i32
      %sign3A_226 = arith.cmpi slt, %jit3A_213, %sign3A_225 : i32
      %sign3A_227 = arith.extui %sign3A_226 : i1 to i32
      %sign3A_228 = arith.subi %sign3A_224, %sign3A_227 : i32
      %ne3A_229 = arith.cmpi ne, %sign3A_221, %sign3A_228 : i32
      %rem3A_230 = arith.remsi %sub3A_212, %jit3A_213 : i32
      %ne3A_231 = arith.constant 0 : i32
      %ne3A_232 = arith.cmpi ne, %rem3A_230, %ne3A_231 : i32
      %and3A_233 = arith.andi %ne3A_229, %ne3A_232 : i1
      %sub3A_234 = arith.constant 1 : i32
      %sub3A_235 = arith.subi %div3A_214, %sub3A_234 : i32
      %select_n3A_236 = arith.select %and3A_233, %sub3A_235, %div3A_214 : i32
      %while3A = arith.constant 0 : i32
      %while3A_237 = arith.subi %select_n3A_236, %while3A : i32
      %while3A_238 = arith.addi %while3A, %while3A_237 : i32
      %while3A_239 = arith.constant 1 : i32
      %while3A_240 = arith.divsi %while3A_237, %while3A_239 : i32
      %while3A_241 = arith.muli %while3A_240, %while3A_239 : i32
      %while3A_242 = arith.addi %while3A, %while3A_241 : i32
      %while3A_243 = arith.constant 1 : i32
      %while3A_244:2 = scf.for %while3A_590 = %while3A to %while3A_242 step %while3A_243 iter_args(%while3A_591 = %broadcast_in_dim3A_3, %while3A_592 = %broadcast_in_dim3A_5) -> (vector<16xf32>, vector<16xi32>)  : i32 {
        %mul3A_593 = arith.constant 16 : i32
        %mul3A_594 = arith.muli %while3A_590, %mul3A_593 : i32
        %get3A_595 = arith.index_cast %mul3A_594 : i32 to index
        %get3A_596 = tpu.vector_load %arg15[%get3A_595] {strides = array<i32>} : memref<8192xi32, #tpu.memory_space<vmem>>, vector<16xi32>,
        %add3A_597 = vector.broadcast %mul3A_594 : i32 to vector<16xi32>
        %add3A_598 = arith.addi %add3A_597, %iota3A : vector<16xi32>
        %lt3A = vector.broadcast %squeeze3A_194 : i32 to vector<16xi32>
        %lt3A_599 = arith.cmpi slt, %add3A_598, %lt3A : vector<16xi32>
        %jit3A_600 = arith.constant 0 : i32
        %broadcast_in_dim3A_601 = vector.broadcast %jit3A_600 : i32 to vector<16xi32>
        %select_n3A_602 = arith.select %lt3A_599, %get3A_596, %broadcast_in_dim3A_601 : vector<16xi1>, vector<16xi32>
        %gather3A_603 = tpu.vector_load_idx %arg9[%select_n3A_602] : memref<8192xf32, #tpu.memory_space<vmem>>[vector<16xi32>], vector<16xf32>,
        %gather3A_604 = tpu.vector_load_idx %arg10[%select_n3A_602] : memref<8192xf32, #tpu.memory_space<vmem>>[vector<16xi32>], vector<16xf32>,
        %gather3A_605 = tpu.vector_load_idx %arg11[%select_n3A_602] : memref<8192xf32, #tpu.memory_space<vmem>>[vector<16xi32>], vector<16xf32>,
        %sub3A_606 = arith.subf %gather3A_41, %gather3A_603 : vector<16xf32>
        %sub3A_607 = arith.subf %gather3A_44, %gather3A_604 : vector<16xf32>
        %sub3A_608 = arith.subf %gather3A_47, %gather3A_605 : vector<16xf32>
        %mul3A_609 = arith.mulf %sub3A_606, %sub3A_606 : vector<16xf32>
        %mul3A_610 = arith.mulf %sub3A_607, %sub3A_607 : vector<16xf32>
        %add3A_611 = arith.addf %mul3A_609, %mul3A_610 : vector<16xf32>
        %mul3A_612 = arith.mulf %sub3A_608, %sub3A_608 : vector<16xf32>
        %add3A_613 = arith.addf %add3A_611, %mul3A_612 : vector<16xf32>
        %jit3A_614 = arith.constant 0x7F800000 : f32
        %broadcast_in_dim3A_615 = vector.broadcast %jit3A_614 : f32 to vector<16xf32>
        %select_n3A_616 = arith.select %lt3A_599, %add3A_613, %broadcast_in_dim3A_615 : vector<16xi1>, vector<16xf32>
        %masked_sort3A_617 = arith.constant dense<true> : vector<16xi1>
        %masked_sort3A_618, %masked_sort3A_619, %masked_sort3A_620 = tpu.sort %select_n3A_616, %select_n3A_602 masked %masked_sort3A_617 : (vector<16xf32>, vector<16xi32>, vector<16xi1>) -> (vector<16xi1>, vector<16xf32>, vector<16xi32>)
        %lt3A_621 = arith.cmpf olt, %masked_sort3A_619, %while3A_591 : vector<16xf32>
        %select_n3A_622 = arith.select %lt3A_621, %masked_sort3A_619, %while3A_591 : vector<16xi1>, vector<16xf32>
        %select_n3A_623 = arith.select %lt3A_621, %masked_sort3A_620, %while3A_592 : vector<16xi1>, vector<16xi32>
        %masked_sort3A_624 = arith.constant dense<true> : vector<16xi1>
        %masked_sort3A_625, %masked_sort3A_626, %masked_sort3A_627 = tpu.sort %select_n3A_622, %select_n3A_623 masked %masked_sort3A_624 {descending = true} : (vector<16xf32>, vector<16xi32>, vector<16xi1>) -> (vector<16xi1>, vector<16xf32>, vector<16xi32>)
        scf.yield %masked_sort3A_626, %masked_sort3A_627 : vector<16xf32>, vector<16xi32>
      }
      %while3A_245 = arith.constant 1 : i32
      %while3A_246:2 = scf.for %while3A_590 = %while3A_242 to %while3A_238 step %while3A_245 iter_args(%while3A_591 = %while3A_244#0, %while3A_592 = %while3A_244#1) -> (vector<16xf32>, vector<16xi32>)  : i32 {
        %mul3A_593 = arith.constant 16 : i32
        %mul3A_594 = arith.muli %while3A_590, %mul3A_593 : i32
        %get3A_595 = arith.index_cast %mul3A_594 : i32 to index
        %get3A_596 = tpu.vector_load %arg15[%get3A_595] {strides = array<i32>} : memref<8192xi32, #tpu.memory_space<vmem>>, vector<16xi32>,
        %add3A_597 = vector.broadcast %mul3A_594 : i32 to vector<16xi32>
        %add3A_598 = arith.addi %add3A_597, %iota3A : vector<16xi32>
        %lt3A = vector.broadcast %squeeze3A_194 : i32 to vector<16xi32>
        %lt3A_599 = arith.cmpi slt, %add3A_598, %lt3A : vector<16xi32>
        %jit3A_600 = arith.constant 0 : i32
        %broadcast_in_dim3A_601 = vector.broadcast %jit3A_600 : i32 to vector<16xi32>
        %select_n3A_602 = arith.select %lt3A_599, %get3A_596, %broadcast_in_dim3A_601 : vector<16xi1>, vector<16xi32>
        %gather3A_603 = tpu.vector_load_idx %arg9[%select_n3A_602] : memref<8192xf32, #tpu.memory_space<vmem>>[vector<16xi32>], vector<16xf32>,
        %gather3A_604 = tpu.vector_load_idx %arg10[%select_n3A_602] : memref<8192xf32, #tpu.memory_space<vmem>>[vector<16xi32>], vector<16xf32>,
        %gather3A_605 = tpu.vector_load_idx %arg11[%select_n3A_602] : memref<8192xf32, #tpu.memory_space<vmem>>[vector<16xi32>], vector<16xf32>,
        %sub3A_606 = arith.subf %gather3A_41, %gather3A_603 : vector<16xf32>
        %sub3A_607 = arith.subf %gather3A_44, %gather3A_604 : vector<16xf32>
        %sub3A_608 = arith.subf %gather3A_47, %gather3A_605 : vector<16xf32>
        %mul3A_609 = arith.mulf %sub3A_606, %sub3A_606 : vector<16xf32>
        %mul3A_610 = arith.mulf %sub3A_607, %sub3A_607 : vector<16xf32>
        %add3A_611 = arith.addf %mul3A_609, %mul3A_610 : vector<16xf32>
        %mul3A_612 = arith.mulf %sub3A_608, %sub3A_608 : vector<16xf32>
        %add3A_613 = arith.addf %add3A_611, %mul3A_612 : vector<16xf32>
        %jit3A_614 = arith.constant 0x7F800000 : f32
        %broadcast_in_dim3A_615 = vector.broadcast %jit3A_614 : f32 to vector<16xf32>
        %select_n3A_616 = arith.select %lt3A_599, %add3A_613, %broadcast_in_dim3A_615 : vector<16xi1>, vector<16xf32>
        %masked_sort3A_617 = arith.constant dense<true> : vector<16xi1>
        %masked_sort3A_618, %masked_sort3A_619, %masked_sort3A_620 = tpu.sort %select_n3A_616, %select_n3A_602 masked %masked_sort3A_617 : (vector<16xf32>, vector<16xi32>, vector<16xi1>) -> (vector<16xi1>, vector<16xf32>, vector<16xi32>)
        %lt3A_621 = arith.cmpf olt, %masked_sort3A_619, %while3A_591 : vector<16xf32>
        %select_n3A_622 = arith.select %lt3A_621, %masked_sort3A_619, %while3A_591 : vector<16xi1>, vector<16xf32>
        %select_n3A_623 = arith.select %lt3A_621, %masked_sort3A_620, %while3A_592 : vector<16xi1>, vector<16xi32>
        %masked_sort3A_624 = arith.constant dense<true> : vector<16xi1>
        %masked_sort3A_625, %masked_sort3A_626, %masked_sort3A_627 = tpu.sort %select_n3A_622, %select_n3A_623 masked %masked_sort3A_624 {descending = true} : (vector<16xf32>, vector<16xi32>, vector<16xi1>) -> (vector<16xi1>, vector<16xf32>, vector<16xi32>)
        scf.yield %masked_sort3A_626, %masked_sort3A_627 : vector<16xf32>, vector<16xi32>
      }
      %masked_sort3A = arith.constant dense<true> : vector<16xi1>
      %masked_sort3A_247, %masked_sort3A_248, %masked_sort3A_249 = tpu.sort %while3A_246#0, %while3A_246#1 masked %masked_sort3A : (vector<16xf32>, vector<16xi32>, vector<16xi1>) -> (vector<16xi1>, vector<16xf32>, vector<16xi32>)
      %add3A_250 = arith.constant 0 : i32
      %add3A_251 = arith.addi %mul3A_13, %add3A_250 : i32
      %swap3A = arith.index_cast %add3A_251 : i32 to index
      %swap3A_252 = arith.constant 0 : index
      %swap3A_253 = tpu.vector_load %arg23[%swap3A, %swap3A_252] {strides = array<i32>} : memref<128x16xi32, #tpu.memory_space<vmem>>, vector<16xi32>,
      tpu.vector_store %arg23[%swap3A, %swap3A_252], %masked_sort3A_249 {strides = array<i32>} : memref<128x16xi32, #tpu.memory_space<vmem>>, vector<16xi32>,
      %add3A_254 = arith.constant 16 : i32
      %add3A_255 = arith.addi %squeeze3A_196, %add3A_254 : i32
      %sub3A_256 = arith.constant 1 : i32
      %sub3A_257 = arith.subi %add3A_255, %sub3A_256 : i32
      %jit3A_258 = arith.constant 16 : i32
      %div3A_259 = arith.divsi %sub3A_257, %jit3A_258 : i32
      %sign3A_260 = arith.constant 0 : i32
      %sign3A_261 = arith.cmpi sgt, %sub3A_257, %sign3A_260 : i32
      %sign3A_262 = arith.extui %sign3A_261 : i1 to i32
      %sign3A_263 = arith.constant 0 : i32
      %sign3A_264 = arith.cmpi slt, %sub3A_257, %sign3A_263 : i32
      %sign3A_265 = arith.extui %sign3A_264 : i1 to i32
      %sign3A_266 = arith.subi %sign3A_262, %sign3A_265 : i32
      %sign3A_267 = arith.constant 0 : i32
      %sign3A_268 = arith.cmpi sgt, %jit3A_258, %sign3A_267 : i32
      %sign3A_269 = arith.extui %sign3A_268 : i1 to i32
      %sign3A_270 = arith.constant 0 : i32
      %sign3A_271 = arith.cmpi slt, %jit3A_258, %sign3A_270 : i32
      %sign3A_272 = arith.extui %sign3A_271 : i1 to i32
      %sign3A_273 = arith.subi %sign3A_269, %sign3A_272 : i32
      %ne3A_274 = arith.cmpi ne, %sign3A_266, %sign3A_273 : i32
      %rem3A_275 = arith.remsi %sub3A_257, %jit3A_258 : i32
      %ne3A_276 = arith.constant 0 : i32
      %ne3A_277 = arith.cmpi ne, %rem3A_275, %ne3A_276 : i32
      %and3A_278 = arith.andi %ne3A_274, %ne3A_277 : i1
      %sub3A_279 = arith.constant 1 : i32
      %sub3A_280 = arith.subi %div3A_259, %sub3A_279 : i32
      %select_n3A_281 = arith.select %and3A_278, %sub3A_280, %div3A_259 : i32
      %while3A_282 = arith.constant 0 : i32
      %while3A_283 = arith.subi %select_n3A_281, %while3A_282 : i32
      %while3A_284 = arith.addi %while3A_282, %while3A_283 : i32
      %while3A_285 = arith.constant 1 : i32
      %while3A_286 = arith.divsi %while3A_283, %while3A_285 : i32
      %while3A_287 = arith.muli %while3A_286, %while3A_285 : i32
      %while3A_288 = arith.addi %while3A_282, %while3A_287 : i32
      %while3A_289 = arith.constant 1 : i32
      %while3A_290:2 = scf.for %while3A_590 = %while3A_282 to %while3A_288 step %while3A_289 iter_args(%while3A_591 = %broadcast_in_dim3A_3, %while3A_592 = %broadcast_in_dim3A_5) -> (vector<16xf32>, vector<16xi32>)  : i32 {
        %mul3A_593 = arith.constant 16 : i32
        %mul3A_594 = arith.muli %while3A_590, %mul3A_593 : i32
        %get3A_595 = arith.index_cast %mul3A_594 : i32 to index
        %get3A_596 = tpu.vector_load %arg16[%get3A_595] {strides = array<i32>} : memref<8192xi32, #tpu.memory_space<vmem>>, vector<16xi32>,
        %add3A_597 = vector.broadcast %mul3A_594 : i32 to vector<16xi32>
        %add3A_598 = arith.addi %add3A_597, %iota3A : vector<16xi32>
        %lt3A = vector.broadcast %squeeze3A_196 : i32 to vector<16xi32>
        %lt3A_599 = arith.cmpi slt, %add3A_598, %lt3A : vector<16xi32>
        %jit3A_600 = arith.constant 0 : i32
        %broadcast_in_dim3A_601 = vector.broadcast %jit3A_600 : i32 to vector<16xi32>
        %select_n3A_602 = arith.select %lt3A_599, %get3A_596, %broadcast_in_dim3A_601 : vector<16xi1>, vector<16xi32>
        %gather3A_603 = tpu.vector_load_idx %arg9[%select_n3A_602] : memref<8192xf32, #tpu.memory_space<vmem>>[vector<16xi32>], vector<16xf32>,
        %gather3A_604 = tpu.vector_load_idx %arg10[%select_n3A_602] : memref<8192xf32, #tpu.memory_space<vmem>>[vector<16xi32>], vector<16xf32>,
        %gather3A_605 = tpu.vector_load_idx %arg11[%select_n3A_602] : memref<8192xf32, #tpu.memory_space<vmem>>[vector<16xi32>], vector<16xf32>,
        %sub3A_606 = arith.subf %gather3A_54, %gather3A_603 : vector<16xf32>
        %sub3A_607 = arith.subf %gather3A_57, %gather3A_604 : vector<16xf32>
        %sub3A_608 = arith.subf %gather3A_60, %gather3A_605 : vector<16xf32>
        %mul3A_609 = arith.mulf %sub3A_606, %sub3A_606 : vector<16xf32>
        %mul3A_610 = arith.mulf %sub3A_607, %sub3A_607 : vector<16xf32>
        %add3A_611 = arith.addf %mul3A_609, %mul3A_610 : vector<16xf32>
        %mul3A_612 = arith.mulf %sub3A_608, %sub3A_608 : vector<16xf32>
        %add3A_613 = arith.addf %add3A_611, %mul3A_612 : vector<16xf32>
        %jit3A_614 = arith.constant 0x7F800000 : f32
        %broadcast_in_dim3A_615 = vector.broadcast %jit3A_614 : f32 to vector<16xf32>
        %select_n3A_616 = arith.select %lt3A_599, %add3A_613, %broadcast_in_dim3A_615 : vector<16xi1>, vector<16xf32>
        %masked_sort3A_617 = arith.constant dense<true> : vector<16xi1>
        %masked_sort3A_618, %masked_sort3A_619, %masked_sort3A_620 = tpu.sort %select_n3A_616, %select_n3A_602 masked %masked_sort3A_617 : (vector<16xf32>, vector<16xi32>, vector<16xi1>) -> (vector<16xi1>, vector<16xf32>, vector<16xi32>)
        %lt3A_621 = arith.cmpf olt, %masked_sort3A_619, %while3A_591 : vector<16xf32>
        %select_n3A_622 = arith.select %lt3A_621, %masked_sort3A_619, %while3A_591 : vector<16xi1>, vector<16xf32>
        %select_n3A_623 = arith.select %lt3A_621, %masked_sort3A_620, %while3A_592 : vector<16xi1>, vector<16xi32>
        %masked_sort3A_624 = arith.constant dense<true> : vector<16xi1>
        %masked_sort3A_625, %masked_sort3A_626, %masked_sort3A_627 = tpu.sort %select_n3A_622, %select_n3A_623 masked %masked_sort3A_624 {descending = true} : (vector<16xf32>, vector<16xi32>, vector<16xi1>) -> (vector<16xi1>, vector<16xf32>, vector<16xi32>)
        scf.yield %masked_sort3A_626, %masked_sort3A_627 : vector<16xf32>, vector<16xi32>
      }
      %while3A_291 = arith.constant 1 : i32
      %while3A_292:2 = scf.for %while3A_590 = %while3A_288 to %while3A_284 step %while3A_291 iter_args(%while3A_591 = %while3A_290#0, %while3A_592 = %while3A_290#1) -> (vector<16xf32>, vector<16xi32>)  : i32 {
        %mul3A_593 = arith.constant 16 : i32
        %mul3A_594 = arith.muli %while3A_590, %mul3A_593 : i32
        %get3A_595 = arith.index_cast %mul3A_594 : i32 to index
        %get3A_596 = tpu.vector_load %arg16[%get3A_595] {strides = array<i32>} : memref<8192xi32, #tpu.memory_space<vmem>>, vector<16xi32>,
        %add3A_597 = vector.broadcast %mul3A_594 : i32 to vector<16xi32>
        %add3A_598 = arith.addi %add3A_597, %iota3A : vector<16xi32>
        %lt3A = vector.broadcast %squeeze3A_196 : i32 to vector<16xi32>
        %lt3A_599 = arith.cmpi slt, %add3A_598, %lt3A : vector<16xi32>
        %jit3A_600 = arith.constant 0 : i32
        %broadcast_in_dim3A_601 = vector.broadcast %jit3A_600 : i32 to vector<16xi32>
        %select_n3A_602 = arith.select %lt3A_599, %get3A_596, %broadcast_in_dim3A_601 : vector<16xi1>, vector<16xi32>
        %gather3A_603 = tpu.vector_load_idx %arg9[%select_n3A_602] : memref<8192xf32, #tpu.memory_space<vmem>>[vector<16xi32>], vector<16xf32>,
        %gather3A_604 = tpu.vector_load_idx %arg10[%select_n3A_602] : memref<8192xf32, #tpu.memory_space<vmem>>[vector<16xi32>], vector<16xf32>,
        %gather3A_605 = tpu.vector_load_idx %arg11[%select_n3A_602] : memref<8192xf32, #tpu.memory_space<vmem>>[vector<16xi32>], vector<16xf32>,
        %sub3A_606 = arith.subf %gather3A_54, %gather3A_603 : vector<16xf32>
        %sub3A_607 = arith.subf %gather3A_57, %gather3A_604 : vector<16xf32>
        %sub3A_608 = arith.subf %gather3A_60, %gather3A_605 : vector<16xf32>
        %mul3A_609 = arith.mulf %sub3A_606, %sub3A_606 : vector<16xf32>
        %mul3A_610 = arith.mulf %sub3A_607, %sub3A_607 : vector<16xf32>
        %add3A_611 = arith.addf %mul3A_609, %mul3A_610 : vector<16xf32>
        %mul3A_612 = arith.mulf %sub3A_608, %sub3A_608 : vector<16xf32>
        %add3A_613 = arith.addf %add3A_611, %mul3A_612 : vector<16xf32>
        %jit3A_614 = arith.constant 0x7F800000 : f32
        %broadcast_in_dim3A_615 = vector.broadcast %jit3A_614 : f32 to vector<16xf32>
        %select_n3A_616 = arith.select %lt3A_599, %add3A_613, %broadcast_in_dim3A_615 : vector<16xi1>, vector<16xf32>
        %masked_sort3A_617 = arith.constant dense<true> : vector<16xi1>
        %masked_sort3A_618, %masked_sort3A_619, %masked_sort3A_620 = tpu.sort %select_n3A_616, %select_n3A_602 masked %masked_sort3A_617 : (vector<16xf32>, vector<16xi32>, vector<16xi1>) -> (vector<16xi1>, vector<16xf32>, vector<16xi32>)
        %lt3A_621 = arith.cmpf olt, %masked_sort3A_619, %while3A_591 : vector<16xf32>
        %select_n3A_622 = arith.select %lt3A_621, %masked_sort3A_619, %while3A_591 : vector<16xi1>, vector<16xf32>
        %select_n3A_623 = arith.select %lt3A_621, %masked_sort3A_620, %while3A_592 : vector<16xi1>, vector<16xi32>
        %masked_sort3A_624 = arith.constant dense<true> : vector<16xi1>
        %masked_sort3A_625, %masked_sort3A_626, %masked_sort3A_627 = tpu.sort %select_n3A_622, %select_n3A_623 masked %masked_sort3A_624 {descending = true} : (vector<16xf32>, vector<16xi32>, vector<16xi1>) -> (vector<16xi1>, vector<16xf32>, vector<16xi32>)
        scf.yield %masked_sort3A_626, %masked_sort3A_627 : vector<16xf32>, vector<16xi32>
      }
      %masked_sort3A_293 = arith.constant dense<true> : vector<16xi1>
      %masked_sort3A_294, %masked_sort3A_295, %masked_sort3A_296 = tpu.sort %while3A_292#0, %while3A_292#1 masked %masked_sort3A_293 : (vector<16xf32>, vector<16xi32>, vector<16xi1>) -> (vector<16xi1>, vector<16xf32>, vector<16xi32>)
      %add3A_297 = arith.constant 1 : i32
      %add3A_298 = arith.addi %mul3A_13, %add3A_297 : i32
      %swap3A_299 = arith.index_cast %add3A_298 : i32 to index
      %swap3A_300 = arith.constant 0 : index
      %swap3A_301 = tpu.vector_load %arg23[%swap3A_299, %swap3A_300] {strides = array<i32>} : memref<128x16xi32, #tpu.memory_space<vmem>>, vector<16xi32>,
      tpu.vector_store %arg23[%swap3A_299, %swap3A_300], %masked_sort3A_296 {strides = array<i32>} : memref<128x16xi32, #tpu.memory_space<vmem>>, vector<16xi32>,
      %add3A_302 = arith.constant 16 : i32
      %add3A_303 = arith.addi %squeeze3A_198, %add3A_302 : i32
      %sub3A_304 = arith.constant 1 : i32
      %sub3A_305 = arith.subi %add3A_303, %sub3A_304 : i32
      %jit3A_306 = arith.constant 16 : i32
      %div3A_307 = arith.divsi %sub3A_305, %jit3A_306 : i32
      %sign3A_308 = arith.constant 0 : i32
      %sign3A_309 = arith.cmpi sgt, %sub3A_305, %sign3A_308 : i32
      %sign3A_310 = arith.extui %sign3A_309 : i1 to i32
      %sign3A_311 = arith.constant 0 : i32
      %sign3A_312 = arith.cmpi slt, %sub3A_305, %sign3A_311 : i32
      %sign3A_313 = arith.extui %sign3A_312 : i1 to i32
      %sign3A_314 = arith.subi %sign3A_310, %sign3A_313 : i32
      %sign3A_315 = arith.constant 0 : i32
      %sign3A_316 = arith.cmpi sgt, %jit3A_306, %sign3A_315 : i32
      %sign3A_317 = arith.extui %sign3A_316 : i1 to i32
      %sign3A_318 = arith.constant 0 : i32
      %sign3A_319 = arith.cmpi slt, %jit3A_306, %sign3A_318 : i32
      %sign3A_320 = arith.extui %sign3A_319 : i1 to i32
      %sign3A_321 = arith.subi %sign3A_317, %sign3A_320 : i32
      %ne3A_322 = arith.cmpi ne, %sign3A_314, %sign3A_321 : i32
      %rem3A_323 = arith.remsi %sub3A_305, %jit3A_306 : i32
      %ne3A_324 = arith.constant 0 : i32
      %ne3A_325 = arith.cmpi ne, %rem3A_323, %ne3A_324 : i32
      %and3A_326 = arith.andi %ne3A_322, %ne3A_325 : i1
      %sub3A_327 = arith.constant 1 : i32
      %sub3A_328 = arith.subi %div3A_307, %sub3A_327 : i32
      %select_n3A_329 = arith.select %and3A_326, %sub3A_328, %div3A_307 : i32
      %while3A_330 = arith.constant 0 : i32
      %while3A_331 = arith.subi %select_n3A_329, %while3A_330 : i32
      %while3A_332 = arith.addi %while3A_330, %while3A_331 : i32
      %while3A_333 = arith.constant 1 : i32
      %while3A_334 = arith.divsi %while3A_331, %while3A_333 : i32
      %while3A_335 = arith.muli %while3A_334, %while3A_333 : i32
      %while3A_336 = arith.addi %while3A_330, %while3A_335 : i32
      %while3A_337 = arith.constant 1 : i32
      %while3A_338:2 = scf.for %while3A_590 = %while3A_330 to %while3A_336 step %while3A_337 iter_args(%while3A_591 = %broadcast_in_dim3A_3, %while3A_592 = %broadcast_in_dim3A_5) -> (vector<16xf32>, vector<16xi32>)  : i32 {
        %mul3A_593 = arith.constant 16 : i32
        %mul3A_594 = arith.muli %while3A_590, %mul3A_593 : i32
        %get3A_595 = arith.index_cast %mul3A_594 : i32 to index
        %get3A_596 = tpu.vector_load %arg17[%get3A_595] {strides = array<i32>} : memref<8192xi32, #tpu.memory_space<vmem>>, vector<16xi32>,
        %add3A_597 = vector.broadcast %mul3A_594 : i32 to vector<16xi32>
        %add3A_598 = arith.addi %add3A_597, %iota3A : vector<16xi32>
        %lt3A = vector.broadcast %squeeze3A_198 : i32 to vector<16xi32>
        %lt3A_599 = arith.cmpi slt, %add3A_598, %lt3A : vector<16xi32>
        %jit3A_600 = arith.constant 0 : i32
        %broadcast_in_dim3A_601 = vector.broadcast %jit3A_600 : i32 to vector<16xi32>
        %select_n3A_602 = arith.select %lt3A_599, %get3A_596, %broadcast_in_dim3A_601 : vector<16xi1>, vector<16xi32>
        %gather3A_603 = tpu.vector_load_idx %arg9[%select_n3A_602] : memref<8192xf32, #tpu.memory_space<vmem>>[vector<16xi32>], vector<16xf32>,
        %gather3A_604 = tpu.vector_load_idx %arg10[%select_n3A_602] : memref<8192xf32, #tpu.memory_space<vmem>>[vector<16xi32>], vector<16xf32>,
        %gather3A_605 = tpu.vector_load_idx %arg11[%select_n3A_602] : memref<8192xf32, #tpu.memory_space<vmem>>[vector<16xi32>], vector<16xf32>,
        %sub3A_606 = arith.subf %gather3A_67, %gather3A_603 : vector<16xf32>
        %sub3A_607 = arith.subf %gather3A_70, %gather3A_604 : vector<16xf32>
        %sub3A_608 = arith.subf %gather3A_73, %gather3A_605 : vector<16xf32>
        %mul3A_609 = arith.mulf %sub3A_606, %sub3A_606 : vector<16xf32>
        %mul3A_610 = arith.mulf %sub3A_607, %sub3A_607 : vector<16xf32>
        %add3A_611 = arith.addf %mul3A_609, %mul3A_610 : vector<16xf32>
        %mul3A_612 = arith.mulf %sub3A_608, %sub3A_608 : vector<16xf32>
        %add3A_613 = arith.addf %add3A_611, %mul3A_612 : vector<16xf32>
        %jit3A_614 = arith.constant 0x7F800000 : f32
        %broadcast_in_dim3A_615 = vector.broadcast %jit3A_614 : f32 to vector<16xf32>
        %select_n3A_616 = arith.select %lt3A_599, %add3A_613, %broadcast_in_dim3A_615 : vector<16xi1>, vector<16xf32>
        %masked_sort3A_617 = arith.constant dense<true> : vector<16xi1>
        %masked_sort3A_618, %masked_sort3A_619, %masked_sort3A_620 = tpu.sort %select_n3A_616, %select_n3A_602 masked %masked_sort3A_617 : (vector<16xf32>, vector<16xi32>, vector<16xi1>) -> (vector<16xi1>, vector<16xf32>, vector<16xi32>)
        %lt3A_621 = arith.cmpf olt, %masked_sort3A_619, %while3A_591 : vector<16xf32>
        %select_n3A_622 = arith.select %lt3A_621, %masked_sort3A_619, %while3A_591 : vector<16xi1>, vector<16xf32>
        %select_n3A_623 = arith.select %lt3A_621, %masked_sort3A_620, %while3A_592 : vector<16xi1>, vector<16xi32>
        %masked_sort3A_624 = arith.constant dense<true> : vector<16xi1>
        %masked_sort3A_625, %masked_sort3A_626, %masked_sort3A_627 = tpu.sort %select_n3A_622, %select_n3A_623 masked %masked_sort3A_624 {descending = true} : (vector<16xf32>, vector<16xi32>, vector<16xi1>) -> (vector<16xi1>, vector<16xf32>, vector<16xi32>)
        scf.yield %masked_sort3A_626, %masked_sort3A_627 : vector<16xf32>, vector<16xi32>
      }
      %while3A_339 = arith.constant 1 : i32
      %while3A_340:2 = scf.for %while3A_590 = %while3A_336 to %while3A_332 step %while3A_339 iter_args(%while3A_591 = %while3A_338#0, %while3A_592 = %while3A_338#1) -> (vector<16xf32>, vector<16xi32>)  : i32 {
        %mul3A_593 = arith.constant 16 : i32
        %mul3A_594 = arith.muli %while3A_590, %mul3A_593 : i32
        %get3A_595 = arith.index_cast %mul3A_594 : i32 to index
        %get3A_596 = tpu.vector_load %arg17[%get3A_595] {strides = array<i32>} : memref<8192xi32, #tpu.memory_space<vmem>>, vector<16xi32>,
        %add3A_597 = vector.broadcast %mul3A_594 : i32 to vector<16xi32>
        %add3A_598 = arith.addi %add3A_597, %iota3A : vector<16xi32>
        %lt3A = vector.broadcast %squeeze3A_198 : i32 to vector<16xi32>
        %lt3A_599 = arith.cmpi slt, %add3A_598, %lt3A : vector<16xi32>
        %jit3A_600 = arith.constant 0 : i32
        %broadcast_in_dim3A_601 = vector.broadcast %jit3A_600 : i32 to vector<16xi32>
        %select_n3A_602 = arith.select %lt3A_599, %get3A_596, %broadcast_in_dim3A_601 : vector<16xi1>, vector<16xi32>
        %gather3A_603 = tpu.vector_load_idx %arg9[%select_n3A_602] : memref<8192xf32, #tpu.memory_space<vmem>>[vector<16xi32>], vector<16xf32>,
        %gather3A_604 = tpu.vector_load_idx %arg10[%select_n3A_602] : memref<8192xf32, #tpu.memory_space<vmem>>[vector<16xi32>], vector<16xf32>,
        %gather3A_605 = tpu.vector_load_idx %arg11[%select_n3A_602] : memref<8192xf32, #tpu.memory_space<vmem>>[vector<16xi32>], vector<16xf32>,
        %sub3A_606 = arith.subf %gather3A_67, %gather3A_603 : vector<16xf32>
        %sub3A_607 = arith.subf %gather3A_70, %gather3A_604 : vector<16xf32>
        %sub3A_608 = arith.subf %gather3A_73, %gather3A_605 : vector<16xf32>
        %mul3A_609 = arith.mulf %sub3A_606, %sub3A_606 : vector<16xf32>
        %mul3A_610 = arith.mulf %sub3A_607, %sub3A_607 : vector<16xf32>
        %add3A_611 = arith.addf %mul3A_609, %mul3A_610 : vector<16xf32>
        %mul3A_612 = arith.mulf %sub3A_608, %sub3A_608 : vector<16xf32>
        %add3A_613 = arith.addf %add3A_611, %mul3A_612 : vector<16xf32>
        %jit3A_614 = arith.constant 0x7F800000 : f32
        %broadcast_in_dim3A_615 = vector.broadcast %jit3A_614 : f32 to vector<16xf32>
        %select_n3A_616 = arith.select %lt3A_599, %add3A_613, %broadcast_in_dim3A_615 : vector<16xi1>, vector<16xf32>
        %masked_sort3A_617 = arith.constant dense<true> : vector<16xi1>
        %masked_sort3A_618, %masked_sort3A_619, %masked_sort3A_620 = tpu.sort %select_n3A_616, %select_n3A_602 masked %masked_sort3A_617 : (vector<16xf32>, vector<16xi32>, vector<16xi1>) -> (vector<16xi1>, vector<16xf32>, vector<16xi32>)
        %lt3A_621 = arith.cmpf olt, %masked_sort3A_619, %while3A_591 : vector<16xf32>
        %select_n3A_622 = arith.select %lt3A_621, %masked_sort3A_619, %while3A_591 : vector<16xi1>, vector<16xf32>
        %select_n3A_623 = arith.select %lt3A_621, %masked_sort3A_620, %while3A_592 : vector<16xi1>, vector<16xi32>
        %masked_sort3A_624 = arith.constant dense<true> : vector<16xi1>
        %masked_sort3A_625, %masked_sort3A_626, %masked_sort3A_627 = tpu.sort %select_n3A_622, %select_n3A_623 masked %masked_sort3A_624 {descending = true} : (vector<16xf32>, vector<16xi32>, vector<16xi1>) -> (vector<16xi1>, vector<16xf32>, vector<16xi32>)
        scf.yield %masked_sort3A_626, %masked_sort3A_627 : vector<16xf32>, vector<16xi32>
      }
      %masked_sort3A_341 = arith.constant dense<true> : vector<16xi1>
      %masked_sort3A_342, %masked_sort3A_343, %masked_sort3A_344 = tpu.sort %while3A_340#0, %while3A_340#1 masked %masked_sort3A_341 : (vector<16xf32>, vector<16xi32>, vector<16xi1>) -> (vector<16xi1>, vector<16xf32>, vector<16xi32>)
      %add3A_345 = arith.constant 2 : i32
      %add3A_346 = arith.addi %mul3A_13, %add3A_345 : i32
      %swap3A_347 = arith.index_cast %add3A_346 : i32 to index
      %swap3A_348 = arith.constant 0 : index
      %swap3A_349 = tpu.vector_load %arg23[%swap3A_347, %swap3A_348] {strides = array<i32>} : memref<128x16xi32, #tpu.memory_space<vmem>>, vector<16xi32>,
      tpu.vector_store %arg23[%swap3A_347, %swap3A_348], %masked_sort3A_344 {strides = array<i32>} : memref<128x16xi32, #tpu.memory_space<vmem>>, vector<16xi32>,
      %add3A_350 = arith.constant 16 : i32
      %add3A_351 = arith.addi %squeeze3A_200, %add3A_350 : i32
      %sub3A_352 = arith.constant 1 : i32
      %sub3A_353 = arith.subi %add3A_351, %sub3A_352 : i32
      %jit3A_354 = arith.constant 16 : i32
      %div3A_355 = arith.divsi %sub3A_353, %jit3A_354 : i32
      %sign3A_356 = arith.constant 0 : i32
      %sign3A_357 = arith.cmpi sgt, %sub3A_353, %sign3A_356 : i32
      %sign3A_358 = arith.extui %sign3A_357 : i1 to i32
      %sign3A_359 = arith.constant 0 : i32
      %sign3A_360 = arith.cmpi slt, %sub3A_353, %sign3A_359 : i32
      %sign3A_361 = arith.extui %sign3A_360 : i1 to i32
      %sign3A_362 = arith.subi %sign3A_358, %sign3A_361 : i32
      %sign3A_363 = arith.constant 0 : i32
      %sign3A_364 = arith.cmpi sgt, %jit3A_354, %sign3A_363 : i32
      %sign3A_365 = arith.extui %sign3A_364 : i1 to i32
      %sign3A_366 = arith.constant 0 : i32
      %sign3A_367 = arith.cmpi slt, %jit3A_354, %sign3A_366 : i32
      %sign3A_368 = arith.extui %sign3A_367 : i1 to i32
      %sign3A_369 = arith.subi %sign3A_365, %sign3A_368 : i32
      %ne3A_370 = arith.cmpi ne, %sign3A_362, %sign3A_369 : i32
      %rem3A_371 = arith.remsi %sub3A_353, %jit3A_354 : i32
      %ne3A_372 = arith.constant 0 : i32
      %ne3A_373 = arith.cmpi ne, %rem3A_371, %ne3A_372 : i32
      %and3A_374 = arith.andi %ne3A_370, %ne3A_373 : i1
      %sub3A_375 = arith.constant 1 : i32
      %sub3A_376 = arith.subi %div3A_355, %sub3A_375 : i32
      %select_n3A_377 = arith.select %and3A_374, %sub3A_376, %div3A_355 : i32
      %while3A_378 = arith.constant 0 : i32
      %while3A_379 = arith.subi %select_n3A_377, %while3A_378 : i32
      %while3A_380 = arith.addi %while3A_378, %while3A_379 : i32
      %while3A_381 = arith.constant 1 : i32
      %while3A_382 = arith.divsi %while3A_379, %while3A_381 : i32
      %while3A_383 = arith.muli %while3A_382, %while3A_381 : i32
      %while3A_384 = arith.addi %while3A_378, %while3A_383 : i32
      %while3A_385 = arith.constant 1 : i32
      %while3A_386:2 = scf.for %while3A_590 = %while3A_378 to %while3A_384 step %while3A_385 iter_args(%while3A_591 = %broadcast_in_dim3A_3, %while3A_592 = %broadcast_in_dim3A_5) -> (vector<16xf32>, vector<16xi32>)  : i32 {
        %mul3A_593 = arith.constant 16 : i32
        %mul3A_594 = arith.muli %while3A_590, %mul3A_593 : i32
        %get3A_595 = arith.index_cast %mul3A_594 : i32 to index
        %get3A_596 = tpu.vector_load %arg18[%get3A_595] {strides = array<i32>} : memref<8192xi32, #tpu.memory_space<vmem>>, vector<16xi32>,
        %add3A_597 = vector.broadcast %mul3A_594 : i32 to vector<16xi32>
        %add3A_598 = arith.addi %add3A_597, %iota3A : vector<16xi32>
        %lt3A = vector.broadcast %squeeze3A_200 : i32 to vector<16xi32>
        %lt3A_599 = arith.cmpi slt, %add3A_598, %lt3A : vector<16xi32>
        %jit3A_600 = arith.constant 0 : i32
        %broadcast_in_dim3A_601 = vector.broadcast %jit3A_600 : i32 to vector<16xi32>
        %select_n3A_602 = arith.select %lt3A_599, %get3A_596, %broadcast_in_dim3A_601 : vector<16xi1>, vector<16xi32>
        %gather3A_603 = tpu.vector_load_idx %arg9[%select_n3A_602] : memref<8192xf32, #tpu.memory_space<vmem>>[vector<16xi32>], vector<16xf32>,
        %gather3A_604 = tpu.vector_load_idx %arg10[%select_n3A_602] : memref<8192xf32, #tpu.memory_space<vmem>>[vector<16xi32>], vector<16xf32>,
        %gather3A_605 = tpu.vector_load_idx %arg11[%select_n3A_602] : memref<8192xf32, #tpu.memory_space<vmem>>[vector<16xi32>], vector<16xf32>,
        %sub3A_606 = arith.subf %gather3A_80, %gather3A_603 : vector<16xf32>
        %sub3A_607 = arith.subf %gather3A_83, %gather3A_604 : vector<16xf32>
        %sub3A_608 = arith.subf %gather3A_86, %gather3A_605 : vector<16xf32>
        %mul3A_609 = arith.mulf %sub3A_606, %sub3A_606 : vector<16xf32>
        %mul3A_610 = arith.mulf %sub3A_607, %sub3A_607 : vector<16xf32>
        %add3A_611 = arith.addf %mul3A_609, %mul3A_610 : vector<16xf32>
        %mul3A_612 = arith.mulf %sub3A_608, %sub3A_608 : vector<16xf32>
        %add3A_613 = arith.addf %add3A_611, %mul3A_612 : vector<16xf32>
        %jit3A_614 = arith.constant 0x7F800000 : f32
        %broadcast_in_dim3A_615 = vector.broadcast %jit3A_614 : f32 to vector<16xf32>
        %select_n3A_616 = arith.select %lt3A_599, %add3A_613, %broadcast_in_dim3A_615 : vector<16xi1>, vector<16xf32>
        %masked_sort3A_617 = arith.constant dense<true> : vector<16xi1>
        %masked_sort3A_618, %masked_sort3A_619, %masked_sort3A_620 = tpu.sort %select_n3A_616, %select_n3A_602 masked %masked_sort3A_617 : (vector<16xf32>, vector<16xi32>, vector<16xi1>) -> (vector<16xi1>, vector<16xf32>, vector<16xi32>)
        %lt3A_621 = arith.cmpf olt, %masked_sort3A_619, %while3A_591 : vector<16xf32>
        %select_n3A_622 = arith.select %lt3A_621, %masked_sort3A_619, %while3A_591 : vector<16xi1>, vector<16xf32>
        %select_n3A_623 = arith.select %lt3A_621, %masked_sort3A_620, %while3A_592 : vector<16xi1>, vector<16xi32>
        %masked_sort3A_624 = arith.constant dense<true> : vector<16xi1>
        %masked_sort3A_625, %masked_sort3A_626, %masked_sort3A_627 = tpu.sort %select_n3A_622, %select_n3A_623 masked %masked_sort3A_624 {descending = true} : (vector<16xf32>, vector<16xi32>, vector<16xi1>) -> (vector<16xi1>, vector<16xf32>, vector<16xi32>)
        scf.yield %masked_sort3A_626, %masked_sort3A_627 : vector<16xf32>, vector<16xi32>
      }
      %while3A_387 = arith.constant 1 : i32
      %while3A_388:2 = scf.for %while3A_590 = %while3A_384 to %while3A_380 step %while3A_387 iter_args(%while3A_591 = %while3A_386#0, %while3A_592 = %while3A_386#1) -> (vector<16xf32>, vector<16xi32>)  : i32 {
        %mul3A_593 = arith.constant 16 : i32
        %mul3A_594 = arith.muli %while3A_590, %mul3A_593 : i32
        %get3A_595 = arith.index_cast %mul3A_594 : i32 to index
        %get3A_596 = tpu.vector_load %arg18[%get3A_595] {strides = array<i32>} : memref<8192xi32, #tpu.memory_space<vmem>>, vector<16xi32>,
        %add3A_597 = vector.broadcast %mul3A_594 : i32 to vector<16xi32>
        %add3A_598 = arith.addi %add3A_597, %iota3A : vector<16xi32>
        %lt3A = vector.broadcast %squeeze3A_200 : i32 to vector<16xi32>
        %lt3A_599 = arith.cmpi slt, %add3A_598, %lt3A : vector<16xi32>
        %jit3A_600 = arith.constant 0 : i32
        %broadcast_in_dim3A_601 = vector.broadcast %jit3A_600 : i32 to vector<16xi32>
        %select_n3A_602 = arith.select %lt3A_599, %get3A_596, %broadcast_in_dim3A_601 : vector<16xi1>, vector<16xi32>
        %gather3A_603 = tpu.vector_load_idx %arg9[%select_n3A_602] : memref<8192xf32, #tpu.memory_space<vmem>>[vector<16xi32>], vector<16xf32>,
        %gather3A_604 = tpu.vector_load_idx %arg10[%select_n3A_602] : memref<8192xf32, #tpu.memory_space<vmem>>[vector<16xi32>], vector<16xf32>,
        %gather3A_605 = tpu.vector_load_idx %arg11[%select_n3A_602] : memref<8192xf32, #tpu.memory_space<vmem>>[vector<16xi32>], vector<16xf32>,
        %sub3A_606 = arith.subf %gather3A_80, %gather3A_603 : vector<16xf32>
        %sub3A_607 = arith.subf %gather3A_83, %gather3A_604 : vector<16xf32>
        %sub3A_608 = arith.subf %gather3A_86, %gather3A_605 : vector<16xf32>
        %mul3A_609 = arith.mulf %sub3A_606, %sub3A_606 : vector<16xf32>
        %mul3A_610 = arith.mulf %sub3A_607, %sub3A_607 : vector<16xf32>
        %add3A_611 = arith.addf %mul3A_609, %mul3A_610 : vector<16xf32>
        %mul3A_612 = arith.mulf %sub3A_608, %sub3A_608 : vector<16xf32>
        %add3A_613 = arith.addf %add3A_611, %mul3A_612 : vector<16xf32>
        %jit3A_614 = arith.constant 0x7F800000 : f32
        %broadcast_in_dim3A_615 = vector.broadcast %jit3A_614 : f32 to vector<16xf32>
        %select_n3A_616 = arith.select %lt3A_599, %add3A_613, %broadcast_in_dim3A_615 : vector<16xi1>, vector<16xf32>
        %masked_sort3A_617 = arith.constant dense<true> : vector<16xi1>
        %masked_sort3A_618, %masked_sort3A_619, %masked_sort3A_620 = tpu.sort %select_n3A_616, %select_n3A_602 masked %masked_sort3A_617 : (vector<16xf32>, vector<16xi32>, vector<16xi1>) -> (vector<16xi1>, vector<16xf32>, vector<16xi32>)
        %lt3A_621 = arith.cmpf olt, %masked_sort3A_619, %while3A_591 : vector<16xf32>
        %select_n3A_622 = arith.select %lt3A_621, %masked_sort3A_619, %while3A_591 : vector<16xi1>, vector<16xf32>
        %select_n3A_623 = arith.select %lt3A_621, %masked_sort3A_620, %while3A_592 : vector<16xi1>, vector<16xi32>
        %masked_sort3A_624 = arith.constant dense<true> : vector<16xi1>
        %masked_sort3A_625, %masked_sort3A_626, %masked_sort3A_627 = tpu.sort %select_n3A_622, %select_n3A_623 masked %masked_sort3A_624 {descending = true} : (vector<16xf32>, vector<16xi32>, vector<16xi1>) -> (vector<16xi1>, vector<16xf32>, vector<16xi32>)
        scf.yield %masked_sort3A_626, %masked_sort3A_627 : vector<16xf32>, vector<16xi32>
      }
      %masked_sort3A_389 = arith.constant dense<true> : vector<16xi1>
      %masked_sort3A_390, %masked_sort3A_391, %masked_sort3A_392 = tpu.sort %while3A_388#0, %while3A_388#1 masked %masked_sort3A_389 : (vector<16xf32>, vector<16xi32>, vector<16xi1>) -> (vector<16xi1>, vector<16xf32>, vector<16xi32>)
      %add3A_393 = arith.constant 3 : i32
      %add3A_394 = arith.addi %mul3A_13, %add3A_393 : i32
      %swap3A_395 = arith.index_cast %add3A_394 : i32 to index
      %swap3A_396 = arith.constant 0 : index
      %swap3A_397 = tpu.vector_load %arg23[%swap3A_395, %swap3A_396] {strides = array<i32>} : memref<128x16xi32, #tpu.memory_space<vmem>>, vector<16xi32>,
      tpu.vector_store %arg23[%swap3A_395, %swap3A_396], %masked_sort3A_392 {strides = array<i32>} : memref<128x16xi32, #tpu.memory_space<vmem>>, vector<16xi32>,
      %add3A_398 = arith.constant 16 : i32
      %add3A_399 = arith.addi %squeeze3A_202, %add3A_398 : i32
      %sub3A_400 = arith.constant 1 : i32
      %sub3A_401 = arith.subi %add3A_399, %sub3A_400 : i32
      %jit3A_402 = arith.constant 16 : i32
      %div3A_403 = arith.divsi %sub3A_401, %jit3A_402 : i32
      %sign3A_404 = arith.constant 0 : i32
      %sign3A_405 = arith.cmpi sgt, %sub3A_401, %sign3A_404 : i32
      %sign3A_406 = arith.extui %sign3A_405 : i1 to i32
      %sign3A_407 = arith.constant 0 : i32
      %sign3A_408 = arith.cmpi slt, %sub3A_401, %sign3A_407 : i32
      %sign3A_409 = arith.extui %sign3A_408 : i1 to i32
      %sign3A_410 = arith.subi %sign3A_406, %sign3A_409 : i32
      %sign3A_411 = arith.constant 0 : i32
      %sign3A_412 = arith.cmpi sgt, %jit3A_402, %sign3A_411 : i32
      %sign3A_413 = arith.extui %sign3A_412 : i1 to i32
      %sign3A_414 = arith.constant 0 : i32
      %sign3A_415 = arith.cmpi slt, %jit3A_402, %sign3A_414 : i32
      %sign3A_416 = arith.extui %sign3A_415 : i1 to i32
      %sign3A_417 = arith.subi %sign3A_413, %sign3A_416 : i32
      %ne3A_418 = arith.cmpi ne, %sign3A_410, %sign3A_417 : i32
      %rem3A_419 = arith.remsi %sub3A_401, %jit3A_402 : i32
      %ne3A_420 = arith.constant 0 : i32
      %ne3A_421 = arith.cmpi ne, %rem3A_419, %ne3A_420 : i32
      %and3A_422 = arith.andi %ne3A_418, %ne3A_421 : i1
      %sub3A_423 = arith.constant 1 : i32
      %sub3A_424 = arith.subi %div3A_403, %sub3A_423 : i32
      %select_n3A_425 = arith.select %and3A_422, %sub3A_424, %div3A_403 : i32
      %while3A_426 = arith.constant 0 : i32
      %while3A_427 = arith.subi %select_n3A_425, %while3A_426 : i32
      %while3A_428 = arith.addi %while3A_426, %while3A_427 : i32
      %while3A_429 = arith.constant 1 : i32
      %while3A_430 = arith.divsi %while3A_427, %while3A_429 : i32
      %while3A_431 = arith.muli %while3A_430, %while3A_429 : i32
      %while3A_432 = arith.addi %while3A_426, %while3A_431 : i32
      %while3A_433 = arith.constant 1 : i32
      %while3A_434:2 = scf.for %while3A_590 = %while3A_426 to %while3A_432 step %while3A_433 iter_args(%while3A_591 = %broadcast_in_dim3A_3, %while3A_592 = %broadcast_in_dim3A_5) -> (vector<16xf32>, vector<16xi32>)  : i32 {
        %mul3A_593 = arith.constant 16 : i32
        %mul3A_594 = arith.muli %while3A_590, %mul3A_593 : i32
        %get3A_595 = arith.index_cast %mul3A_594 : i32 to index
        %get3A_596 = tpu.vector_load %arg19[%get3A_595] {strides = array<i32>} : memref<8192xi32, #tpu.memory_space<vmem>>, vector<16xi32>,
        %add3A_597 = vector.broadcast %mul3A_594 : i32 to vector<16xi32>
        %add3A_598 = arith.addi %add3A_597, %iota3A : vector<16xi32>
        %lt3A = vector.broadcast %squeeze3A_202 : i32 to vector<16xi32>
        %lt3A_599 = arith.cmpi slt, %add3A_598, %lt3A : vector<16xi32>
        %jit3A_600 = arith.constant 0 : i32
        %broadcast_in_dim3A_601 = vector.broadcast %jit3A_600 : i32 to vector<16xi32>
        %select_n3A_602 = arith.select %lt3A_599, %get3A_596, %broadcast_in_dim3A_601 : vector<16xi1>, vector<16xi32>
        %gather3A_603 = tpu.vector_load_idx %arg9[%select_n3A_602] : memref<8192xf32, #tpu.memory_space<vmem>>[vector<16xi32>], vector<16xf32>,
        %gather3A_604 = tpu.vector_load_idx %arg10[%select_n3A_602] : memref<8192xf32, #tpu.memory_space<vmem>>[vector<16xi32>], vector<16xf32>,
        %gather3A_605 = tpu.vector_load_idx %arg11[%select_n3A_602] : memref<8192xf32, #tpu.memory_space<vmem>>[vector<16xi32>], vector<16xf32>,
        %sub3A_606 = arith.subf %gather3A_93, %gather3A_603 : vector<16xf32>
        %sub3A_607 = arith.subf %gather3A_96, %gather3A_604 : vector<16xf32>
        %sub3A_608 = arith.subf %gather3A_99, %gather3A_605 : vector<16xf32>
        %mul3A_609 = arith.mulf %sub3A_606, %sub3A_606 : vector<16xf32>
        %mul3A_610 = arith.mulf %sub3A_607, %sub3A_607 : vector<16xf32>
        %add3A_611 = arith.addf %mul3A_609, %mul3A_610 : vector<16xf32>
        %mul3A_612 = arith.mulf %sub3A_608, %sub3A_608 : vector<16xf32>
        %add3A_613 = arith.addf %add3A_611, %mul3A_612 : vector<16xf32>
        %jit3A_614 = arith.constant 0x7F800000 : f32
        %broadcast_in_dim3A_615 = vector.broadcast %jit3A_614 : f32 to vector<16xf32>
        %select_n3A_616 = arith.select %lt3A_599, %add3A_613, %broadcast_in_dim3A_615 : vector<16xi1>, vector<16xf32>
        %masked_sort3A_617 = arith.constant dense<true> : vector<16xi1>
        %masked_sort3A_618, %masked_sort3A_619, %masked_sort3A_620 = tpu.sort %select_n3A_616, %select_n3A_602 masked %masked_sort3A_617 : (vector<16xf32>, vector<16xi32>, vector<16xi1>) -> (vector<16xi1>, vector<16xf32>, vector<16xi32>)
        %lt3A_621 = arith.cmpf olt, %masked_sort3A_619, %while3A_591 : vector<16xf32>
        %select_n3A_622 = arith.select %lt3A_621, %masked_sort3A_619, %while3A_591 : vector<16xi1>, vector<16xf32>
        %select_n3A_623 = arith.select %lt3A_621, %masked_sort3A_620, %while3A_592 : vector<16xi1>, vector<16xi32>
        %masked_sort3A_624 = arith.constant dense<true> : vector<16xi1>
        %masked_sort3A_625, %masked_sort3A_626, %masked_sort3A_627 = tpu.sort %select_n3A_622, %select_n3A_623 masked %masked_sort3A_624 {descending = true} : (vector<16xf32>, vector<16xi32>, vector<16xi1>) -> (vector<16xi1>, vector<16xf32>, vector<16xi32>)
        scf.yield %masked_sort3A_626, %masked_sort3A_627 : vector<16xf32>, vector<16xi32>
      }
      %while3A_435 = arith.constant 1 : i32
      %while3A_436:2 = scf.for %while3A_590 = %while3A_432 to %while3A_428 step %while3A_435 iter_args(%while3A_591 = %while3A_434#0, %while3A_592 = %while3A_434#1) -> (vector<16xf32>, vector<16xi32>)  : i32 {
        %mul3A_593 = arith.constant 16 : i32
        %mul3A_594 = arith.muli %while3A_590, %mul3A_593 : i32
        %get3A_595 = arith.index_cast %mul3A_594 : i32 to index
        %get3A_596 = tpu.vector_load %arg19[%get3A_595] {strides = array<i32>} : memref<8192xi32, #tpu.memory_space<vmem>>, vector<16xi32>,
        %add3A_597 = vector.broadcast %mul3A_594 : i32 to vector<16xi32>
        %add3A_598 = arith.addi %add3A_597, %iota3A : vector<16xi32>
        %lt3A = vector.broadcast %squeeze3A_202 : i32 to vector<16xi32>
        %lt3A_599 = arith.cmpi slt, %add3A_598, %lt3A : vector<16xi32>
        %jit3A_600 = arith.constant 0 : i32
        %broadcast_in_dim3A_601 = vector.broadcast %jit3A_600 : i32 to vector<16xi32>
        %select_n3A_602 = arith.select %lt3A_599, %get3A_596, %broadcast_in_dim3A_601 : vector<16xi1>, vector<16xi32>
        %gather3A_603 = tpu.vector_load_idx %arg9[%select_n3A_602] : memref<8192xf32, #tpu.memory_space<vmem>>[vector<16xi32>], vector<16xf32>,
        %gather3A_604 = tpu.vector_load_idx %arg10[%select_n3A_602] : memref<8192xf32, #tpu.memory_space<vmem>>[vector<16xi32>], vector<16xf32>,
        %gather3A_605 = tpu.vector_load_idx %arg11[%select_n3A_602] : memref<8192xf32, #tpu.memory_space<vmem>>[vector<16xi32>], vector<16xf32>,
        %sub3A_606 = arith.subf %gather3A_93, %gather3A_603 : vector<16xf32>
        %sub3A_607 = arith.subf %gather3A_96, %gather3A_604 : vector<16xf32>
        %sub3A_608 = arith.subf %gather3A_99, %gather3A_605 : vector<16xf32>
        %mul3A_609 = arith.mulf %sub3A_606, %sub3A_606 : vector<16xf32>
        %mul3A_610 = arith.mulf %sub3A_607, %sub3A_607 : vector<16xf32>
        %add3A_611 = arith.addf %mul3A_609, %mul3A_610 : vector<16xf32>
        %mul3A_612 = arith.mulf %sub3A_608, %sub3A_608 : vector<16xf32>
        %add3A_613 = arith.addf %add3A_611, %mul3A_612 : vector<16xf32>
        %jit3A_614 = arith.constant 0x7F800000 : f32
        %broadcast_in_dim3A_615 = vector.broadcast %jit3A_614 : f32 to vector<16xf32>
        %select_n3A_616 = arith.select %lt3A_599, %add3A_613, %broadcast_in_dim3A_615 : vector<16xi1>, vector<16xf32>
        %masked_sort3A_617 = arith.constant dense<true> : vector<16xi1>
        %masked_sort3A_618, %masked_sort3A_619, %masked_sort3A_620 = tpu.sort %select_n3A_616, %select_n3A_602 masked %masked_sort3A_617 : (vector<16xf32>, vector<16xi32>, vector<16xi1>) -> (vector<16xi1>, vector<16xf32>, vector<16xi32>)
        %lt3A_621 = arith.cmpf olt, %masked_sort3A_619, %while3A_591 : vector<16xf32>
        %select_n3A_622 = arith.select %lt3A_621, %masked_sort3A_619, %while3A_591 : vector<16xi1>, vector<16xf32>
        %select_n3A_623 = arith.select %lt3A_621, %masked_sort3A_620, %while3A_592 : vector<16xi1>, vector<16xi32>
        %masked_sort3A_624 = arith.constant dense<true> : vector<16xi1>
        %masked_sort3A_625, %masked_sort3A_626, %masked_sort3A_627 = tpu.sort %select_n3A_622, %select_n3A_623 masked %masked_sort3A_624 {descending = true} : (vector<16xf32>, vector<16xi32>, vector<16xi1>) -> (vector<16xi1>, vector<16xf32>, vector<16xi32>)
        scf.yield %masked_sort3A_626, %masked_sort3A_627 : vector<16xf32>, vector<16xi32>
      }
      %masked_sort3A_437 = arith.constant dense<true> : vector<16xi1>
      %masked_sort3A_438, %masked_sort3A_439, %masked_sort3A_440 = tpu.sort %while3A_436#0, %while3A_436#1 masked %masked_sort3A_437 : (vector<16xf32>, vector<16xi32>, vector<16xi1>) -> (vector<16xi1>, vector<16xf32>, vector<16xi32>)
      %add3A_441 = arith.constant 4 : i32
      %add3A_442 = arith.addi %mul3A_13, %add3A_441 : i32
      %swap3A_443 = arith.index_cast %add3A_442 : i32 to index
      %swap3A_444 = arith.constant 0 : index
      %swap3A_445 = tpu.vector_load %arg23[%swap3A_443, %swap3A_444] {strides = array<i32>} : memref<128x16xi32, #tpu.memory_space<vmem>>, vector<16xi32>,
      tpu.vector_store %arg23[%swap3A_443, %swap3A_444], %masked_sort3A_440 {strides = array<i32>} : memref<128x16xi32, #tpu.memory_space<vmem>>, vector<16xi32>,
      %add3A_446 = arith.constant 16 : i32
      %add3A_447 = arith.addi %squeeze3A_204, %add3A_446 : i32
      %sub3A_448 = arith.constant 1 : i32
      %sub3A_449 = arith.subi %add3A_447, %sub3A_448 : i32
      %jit3A_450 = arith.constant 16 : i32
      %div3A_451 = arith.divsi %sub3A_449, %jit3A_450 : i32
      %sign3A_452 = arith.constant 0 : i32
      %sign3A_453 = arith.cmpi sgt, %sub3A_449, %sign3A_452 : i32
      %sign3A_454 = arith.extui %sign3A_453 : i1 to i32
      %sign3A_455 = arith.constant 0 : i32
      %sign3A_456 = arith.cmpi slt, %sub3A_449, %sign3A_455 : i32
      %sign3A_457 = arith.extui %sign3A_456 : i1 to i32
      %sign3A_458 = arith.subi %sign3A_454, %sign3A_457 : i32
      %sign3A_459 = arith.constant 0 : i32
      %sign3A_460 = arith.cmpi sgt, %jit3A_450, %sign3A_459 : i32
      %sign3A_461 = arith.extui %sign3A_460 : i1 to i32
      %sign3A_462 = arith.constant 0 : i32
      %sign3A_463 = arith.cmpi slt, %jit3A_450, %sign3A_462 : i32
      %sign3A_464 = arith.extui %sign3A_463 : i1 to i32
      %sign3A_465 = arith.subi %sign3A_461, %sign3A_464 : i32
      %ne3A_466 = arith.cmpi ne, %sign3A_458, %sign3A_465 : i32
      %rem3A_467 = arith.remsi %sub3A_449, %jit3A_450 : i32
      %ne3A_468 = arith.constant 0 : i32
      %ne3A_469 = arith.cmpi ne, %rem3A_467, %ne3A_468 : i32
      %and3A_470 = arith.andi %ne3A_466, %ne3A_469 : i1
      %sub3A_471 = arith.constant 1 : i32
      %sub3A_472 = arith.subi %div3A_451, %sub3A_471 : i32
      %select_n3A_473 = arith.select %and3A_470, %sub3A_472, %div3A_451 : i32
      %while3A_474 = arith.constant 0 : i32
      %while3A_475 = arith.subi %select_n3A_473, %while3A_474 : i32
      %while3A_476 = arith.addi %while3A_474, %while3A_475 : i32
      %while3A_477 = arith.constant 1 : i32
      %while3A_478 = arith.divsi %while3A_475, %while3A_477 : i32
      %while3A_479 = arith.muli %while3A_478, %while3A_477 : i32
      %while3A_480 = arith.addi %while3A_474, %while3A_479 : i32
      %while3A_481 = arith.constant 1 : i32
      %while3A_482:2 = scf.for %while3A_590 = %while3A_474 to %while3A_480 step %while3A_481 iter_args(%while3A_591 = %broadcast_in_dim3A_3, %while3A_592 = %broadcast_in_dim3A_5) -> (vector<16xf32>, vector<16xi32>)  : i32 {
        %mul3A_593 = arith.constant 16 : i32
        %mul3A_594 = arith.muli %while3A_590, %mul3A_593 : i32
        %get3A_595 = arith.index_cast %mul3A_594 : i32 to index
        %get3A_596 = tpu.vector_load %arg20[%get3A_595] {strides = array<i32>} : memref<8192xi32, #tpu.memory_space<vmem>>, vector<16xi32>,
        %add3A_597 = vector.broadcast %mul3A_594 : i32 to vector<16xi32>
        %add3A_598 = arith.addi %add3A_597, %iota3A : vector<16xi32>
        %lt3A = vector.broadcast %squeeze3A_204 : i32 to vector<16xi32>
        %lt3A_599 = arith.cmpi slt, %add3A_598, %lt3A : vector<16xi32>
        %jit3A_600 = arith.constant 0 : i32
        %broadcast_in_dim3A_601 = vector.broadcast %jit3A_600 : i32 to vector<16xi32>
        %select_n3A_602 = arith.select %lt3A_599, %get3A_596, %broadcast_in_dim3A_601 : vector<16xi1>, vector<16xi32>
        %gather3A_603 = tpu.vector_load_idx %arg9[%select_n3A_602] : memref<8192xf32, #tpu.memory_space<vmem>>[vector<16xi32>], vector<16xf32>,
        %gather3A_604 = tpu.vector_load_idx %arg10[%select_n3A_602] : memref<8192xf32, #tpu.memory_space<vmem>>[vector<16xi32>], vector<16xf32>,
        %gather3A_605 = tpu.vector_load_idx %arg11[%select_n3A_602] : memref<8192xf32, #tpu.memory_space<vmem>>[vector<16xi32>], vector<16xf32>,
        %sub3A_606 = arith.subf %gather3A_106, %gather3A_603 : vector<16xf32>
        %sub3A_607 = arith.subf %gather3A_109, %gather3A_604 : vector<16xf32>
        %sub3A_608 = arith.subf %gather3A_112, %gather3A_605 : vector<16xf32>
        %mul3A_609 = arith.mulf %sub3A_606, %sub3A_606 : vector<16xf32>
        %mul3A_610 = arith.mulf %sub3A_607, %sub3A_607 : vector<16xf32>
        %add3A_611 = arith.addf %mul3A_609, %mul3A_610 : vector<16xf32>
        %mul3A_612 = arith.mulf %sub3A_608, %sub3A_608 : vector<16xf32>
        %add3A_613 = arith.addf %add3A_611, %mul3A_612 : vector<16xf32>
        %jit3A_614 = arith.constant 0x7F800000 : f32
        %broadcast_in_dim3A_615 = vector.broadcast %jit3A_614 : f32 to vector<16xf32>
        %select_n3A_616 = arith.select %lt3A_599, %add3A_613, %broadcast_in_dim3A_615 : vector<16xi1>, vector<16xf32>
        %masked_sort3A_617 = arith.constant dense<true> : vector<16xi1>
        %masked_sort3A_618, %masked_sort3A_619, %masked_sort3A_620 = tpu.sort %select_n3A_616, %select_n3A_602 masked %masked_sort3A_617 : (vector<16xf32>, vector<16xi32>, vector<16xi1>) -> (vector<16xi1>, vector<16xf32>, vector<16xi32>)
        %lt3A_621 = arith.cmpf olt, %masked_sort3A_619, %while3A_591 : vector<16xf32>
        %select_n3A_622 = arith.select %lt3A_621, %masked_sort3A_619, %while3A_591 : vector<16xi1>, vector<16xf32>
        %select_n3A_623 = arith.select %lt3A_621, %masked_sort3A_620, %while3A_592 : vector<16xi1>, vector<16xi32>
        %masked_sort3A_624 = arith.constant dense<true> : vector<16xi1>
        %masked_sort3A_625, %masked_sort3A_626, %masked_sort3A_627 = tpu.sort %select_n3A_622, %select_n3A_623 masked %masked_sort3A_624 {descending = true} : (vector<16xf32>, vector<16xi32>, vector<16xi1>) -> (vector<16xi1>, vector<16xf32>, vector<16xi32>)
        scf.yield %masked_sort3A_626, %masked_sort3A_627 : vector<16xf32>, vector<16xi32>
      }
      %while3A_483 = arith.constant 1 : i32
      %while3A_484:2 = scf.for %while3A_590 = %while3A_480 to %while3A_476 step %while3A_483 iter_args(%while3A_591 = %while3A_482#0, %while3A_592 = %while3A_482#1) -> (vector<16xf32>, vector<16xi32>)  : i32 {
        %mul3A_593 = arith.constant 16 : i32
        %mul3A_594 = arith.muli %while3A_590, %mul3A_593 : i32
        %get3A_595 = arith.index_cast %mul3A_594 : i32 to index
        %get3A_596 = tpu.vector_load %arg20[%get3A_595] {strides = array<i32>} : memref<8192xi32, #tpu.memory_space<vmem>>, vector<16xi32>,
        %add3A_597 = vector.broadcast %mul3A_594 : i32 to vector<16xi32>
        %add3A_598 = arith.addi %add3A_597, %iota3A : vector<16xi32>
        %lt3A = vector.broadcast %squeeze3A_204 : i32 to vector<16xi32>
        %lt3A_599 = arith.cmpi slt, %add3A_598, %lt3A : vector<16xi32>
        %jit3A_600 = arith.constant 0 : i32
        %broadcast_in_dim3A_601 = vector.broadcast %jit3A_600 : i32 to vector<16xi32>
        %select_n3A_602 = arith.select %lt3A_599, %get3A_596, %broadcast_in_dim3A_601 : vector<16xi1>, vector<16xi32>
        %gather3A_603 = tpu.vector_load_idx %arg9[%select_n3A_602] : memref<8192xf32, #tpu.memory_space<vmem>>[vector<16xi32>], vector<16xf32>,
        %gather3A_604 = tpu.vector_load_idx %arg10[%select_n3A_602] : memref<8192xf32, #tpu.memory_space<vmem>>[vector<16xi32>], vector<16xf32>,
        %gather3A_605 = tpu.vector_load_idx %arg11[%select_n3A_602] : memref<8192xf32, #tpu.memory_space<vmem>>[vector<16xi32>], vector<16xf32>,
        %sub3A_606 = arith.subf %gather3A_106, %gather3A_603 : vector<16xf32>
        %sub3A_607 = arith.subf %gather3A_109, %gather3A_604 : vector<16xf32>
        %sub3A_608 = arith.subf %gather3A_112, %gather3A_605 : vector<16xf32>
        %mul3A_609 = arith.mulf %sub3A_606, %sub3A_606 : vector<16xf32>
        %mul3A_610 = arith.mulf %sub3A_607, %sub3A_607 : vector<16xf32>
        %add3A_611 = arith.addf %mul3A_609, %mul3A_610 : vector<16xf32>
        %mul3A_612 = arith.mulf %sub3A_608, %sub3A_608 : vector<16xf32>
        %add3A_613 = arith.addf %add3A_611, %mul3A_612 : vector<16xf32>
        %jit3A_614 = arith.constant 0x7F800000 : f32
        %broadcast_in_dim3A_615 = vector.broadcast %jit3A_614 : f32 to vector<16xf32>
        %select_n3A_616 = arith.select %lt3A_599, %add3A_613, %broadcast_in_dim3A_615 : vector<16xi1>, vector<16xf32>
        %masked_sort3A_617 = arith.constant dense<true> : vector<16xi1>
        %masked_sort3A_618, %masked_sort3A_619, %masked_sort3A_620 = tpu.sort %select_n3A_616, %select_n3A_602 masked %masked_sort3A_617 : (vector<16xf32>, vector<16xi32>, vector<16xi1>) -> (vector<16xi1>, vector<16xf32>, vector<16xi32>)
        %lt3A_621 = arith.cmpf olt, %masked_sort3A_619, %while3A_591 : vector<16xf32>
        %select_n3A_622 = arith.select %lt3A_621, %masked_sort3A_619, %while3A_591 : vector<16xi1>, vector<16xf32>
        %select_n3A_623 = arith.select %lt3A_621, %masked_sort3A_620, %while3A_592 : vector<16xi1>, vector<16xi32>
        %masked_sort3A_624 = arith.constant dense<true> : vector<16xi1>
        %masked_sort3A_625, %masked_sort3A_626, %masked_sort3A_627 = tpu.sort %select_n3A_622, %select_n3A_623 masked %masked_sort3A_624 {descending = true} : (vector<16xf32>, vector<16xi32>, vector<16xi1>) -> (vector<16xi1>, vector<16xf32>, vector<16xi32>)
        scf.yield %masked_sort3A_626, %masked_sort3A_627 : vector<16xf32>, vector<16xi32>
      }
      %masked_sort3A_485 = arith.constant dense<true> : vector<16xi1>
      %masked_sort3A_486, %masked_sort3A_487, %masked_sort3A_488 = tpu.sort %while3A_484#0, %while3A_484#1 masked %masked_sort3A_485 : (vector<16xf32>, vector<16xi32>, vector<16xi1>) -> (vector<16xi1>, vector<16xf32>, vector<16xi32>)
      %add3A_489 = arith.constant 5 : i32
      %add3A_490 = arith.addi %mul3A_13, %add3A_489 : i32
      %swap3A_491 = arith.index_cast %add3A_490 : i32 to index
      %swap3A_492 = arith.constant 0 : index
      %swap3A_493 = tpu.vector_load %arg23[%swap3A_491, %swap3A_492] {strides = array<i32>} : memref<128x16xi32, #tpu.memory_space<vmem>>, vector<16xi32>,
      tpu.vector_store %arg23[%swap3A_491, %swap3A_492], %masked_sort3A_488 {strides = array<i32>} : memref<128x16xi32, #tpu.memory_space<vmem>>, vector<16xi32>,
      %add3A_494 = arith.constant 16 : i32
      %add3A_495 = arith.addi %squeeze3A_206, %add3A_494 : i32
      %sub3A_496 = arith.constant 1 : i32
      %sub3A_497 = arith.subi %add3A_495, %sub3A_496 : i32
      %jit3A_498 = arith.constant 16 : i32
      %div3A_499 = arith.divsi %sub3A_497, %jit3A_498 : i32
      %sign3A_500 = arith.constant 0 : i32
      %sign3A_501 = arith.cmpi sgt, %sub3A_497, %sign3A_500 : i32
      %sign3A_502 = arith.extui %sign3A_501 : i1 to i32
      %sign3A_503 = arith.constant 0 : i32
      %sign3A_504 = arith.cmpi slt, %sub3A_497, %sign3A_503 : i32
      %sign3A_505 = arith.extui %sign3A_504 : i1 to i32
      %sign3A_506 = arith.subi %sign3A_502, %sign3A_505 : i32
      %sign3A_507 = arith.constant 0 : i32
      %sign3A_508 = arith.cmpi sgt, %jit3A_498, %sign3A_507 : i32
      %sign3A_509 = arith.extui %sign3A_508 : i1 to i32
      %sign3A_510 = arith.constant 0 : i32
      %sign3A_511 = arith.cmpi slt, %jit3A_498, %sign3A_510 : i32
      %sign3A_512 = arith.extui %sign3A_511 : i1 to i32
      %sign3A_513 = arith.subi %sign3A_509, %sign3A_512 : i32
      %ne3A_514 = arith.cmpi ne, %sign3A_506, %sign3A_513 : i32
      %rem3A_515 = arith.remsi %sub3A_497, %jit3A_498 : i32
      %ne3A_516 = arith.constant 0 : i32
      %ne3A_517 = arith.cmpi ne, %rem3A_515, %ne3A_516 : i32
      %and3A_518 = arith.andi %ne3A_514, %ne3A_517 : i1
      %sub3A_519 = arith.constant 1 : i32
      %sub3A_520 = arith.subi %div3A_499, %sub3A_519 : i32
      %select_n3A_521 = arith.select %and3A_518, %sub3A_520, %div3A_499 : i32
      %while3A_522 = arith.constant 0 : i32
      %while3A_523 = arith.subi %select_n3A_521, %while3A_522 : i32
      %while3A_524 = arith.addi %while3A_522, %while3A_523 : i32
      %while3A_525 = arith.constant 1 : i32
      %while3A_526 = arith.divsi %while3A_523, %while3A_525 : i32
      %while3A_527 = arith.muli %while3A_526, %while3A_525 : i32
      %while3A_528 = arith.addi %while3A_522, %while3A_527 : i32
      %while3A_529 = arith.constant 1 : i32
      %while3A_530:2 = scf.for %while3A_590 = %while3A_522 to %while3A_528 step %while3A_529 iter_args(%while3A_591 = %broadcast_in_dim3A_3, %while3A_592 = %broadcast_in_dim3A_5) -> (vector<16xf32>, vector<16xi32>)  : i32 {
        %mul3A_593 = arith.constant 16 : i32
        %mul3A_594 = arith.muli %while3A_590, %mul3A_593 : i32
        %get3A_595 = arith.index_cast %mul3A_594 : i32 to index
        %get3A_596 = tpu.vector_load %arg21[%get3A_595] {strides = array<i32>} : memref<8192xi32, #tpu.memory_space<vmem>>, vector<16xi32>,
        %add3A_597 = vector.broadcast %mul3A_594 : i32 to vector<16xi32>
        %add3A_598 = arith.addi %add3A_597, %iota3A : vector<16xi32>
        %lt3A = vector.broadcast %squeeze3A_206 : i32 to vector<16xi32>
        %lt3A_599 = arith.cmpi slt, %add3A_598, %lt3A : vector<16xi32>
        %jit3A_600 = arith.constant 0 : i32
        %broadcast_in_dim3A_601 = vector.broadcast %jit3A_600 : i32 to vector<16xi32>
        %select_n3A_602 = arith.select %lt3A_599, %get3A_596, %broadcast_in_dim3A_601 : vector<16xi1>, vector<16xi32>
        %gather3A_603 = tpu.vector_load_idx %arg9[%select_n3A_602] : memref<8192xf32, #tpu.memory_space<vmem>>[vector<16xi32>], vector<16xf32>,
        %gather3A_604 = tpu.vector_load_idx %arg10[%select_n3A_602] : memref<8192xf32, #tpu.memory_space<vmem>>[vector<16xi32>], vector<16xf32>,
        %gather3A_605 = tpu.vector_load_idx %arg11[%select_n3A_602] : memref<8192xf32, #tpu.memory_space<vmem>>[vector<16xi32>], vector<16xf32>,
        %sub3A_606 = arith.subf %gather3A_119, %gather3A_603 : vector<16xf32>
        %sub3A_607 = arith.subf %gather3A_122, %gather3A_604 : vector<16xf32>
        %sub3A_608 = arith.subf %gather3A_125, %gather3A_605 : vector<16xf32>
        %mul3A_609 = arith.mulf %sub3A_606, %sub3A_606 : vector<16xf32>
        %mul3A_610 = arith.mulf %sub3A_607, %sub3A_607 : vector<16xf32>
        %add3A_611 = arith.addf %mul3A_609, %mul3A_610 : vector<16xf32>
        %mul3A_612 = arith.mulf %sub3A_608, %sub3A_608 : vector<16xf32>
        %add3A_613 = arith.addf %add3A_611, %mul3A_612 : vector<16xf32>
        %jit3A_614 = arith.constant 0x7F800000 : f32
        %broadcast_in_dim3A_615 = vector.broadcast %jit3A_614 : f32 to vector<16xf32>
        %select_n3A_616 = arith.select %lt3A_599, %add3A_613, %broadcast_in_dim3A_615 : vector<16xi1>, vector<16xf32>
        %masked_sort3A_617 = arith.constant dense<true> : vector<16xi1>
        %masked_sort3A_618, %masked_sort3A_619, %masked_sort3A_620 = tpu.sort %select_n3A_616, %select_n3A_602 masked %masked_sort3A_617 : (vector<16xf32>, vector<16xi32>, vector<16xi1>) -> (vector<16xi1>, vector<16xf32>, vector<16xi32>)
        %lt3A_621 = arith.cmpf olt, %masked_sort3A_619, %while3A_591 : vector<16xf32>
        %select_n3A_622 = arith.select %lt3A_621, %masked_sort3A_619, %while3A_591 : vector<16xi1>, vector<16xf32>
        %select_n3A_623 = arith.select %lt3A_621, %masked_sort3A_620, %while3A_592 : vector<16xi1>, vector<16xi32>
        %masked_sort3A_624 = arith.constant dense<true> : vector<16xi1>
        %masked_sort3A_625, %masked_sort3A_626, %masked_sort3A_627 = tpu.sort %select_n3A_622, %select_n3A_623 masked %masked_sort3A_624 {descending = true} : (vector<16xf32>, vector<16xi32>, vector<16xi1>) -> (vector<16xi1>, vector<16xf32>, vector<16xi32>)
        scf.yield %masked_sort3A_626, %masked_sort3A_627 : vector<16xf32>, vector<16xi32>
      }
      %while3A_531 = arith.constant 1 : i32
      %while3A_532:2 = scf.for %while3A_590 = %while3A_528 to %while3A_524 step %while3A_531 iter_args(%while3A_591 = %while3A_530#0, %while3A_592 = %while3A_530#1) -> (vector<16xf32>, vector<16xi32>)  : i32 {
        %mul3A_593 = arith.constant 16 : i32
        %mul3A_594 = arith.muli %while3A_590, %mul3A_593 : i32
        %get3A_595 = arith.index_cast %mul3A_594 : i32 to index
        %get3A_596 = tpu.vector_load %arg21[%get3A_595] {strides = array<i32>} : memref<8192xi32, #tpu.memory_space<vmem>>, vector<16xi32>,
        %add3A_597 = vector.broadcast %mul3A_594 : i32 to vector<16xi32>
        %add3A_598 = arith.addi %add3A_597, %iota3A : vector<16xi32>
        %lt3A = vector.broadcast %squeeze3A_206 : i32 to vector<16xi32>
        %lt3A_599 = arith.cmpi slt, %add3A_598, %lt3A : vector<16xi32>
        %jit3A_600 = arith.constant 0 : i32
        %broadcast_in_dim3A_601 = vector.broadcast %jit3A_600 : i32 to vector<16xi32>
        %select_n3A_602 = arith.select %lt3A_599, %get3A_596, %broadcast_in_dim3A_601 : vector<16xi1>, vector<16xi32>
        %gather3A_603 = tpu.vector_load_idx %arg9[%select_n3A_602] : memref<8192xf32, #tpu.memory_space<vmem>>[vector<16xi32>], vector<16xf32>,
        %gather3A_604 = tpu.vector_load_idx %arg10[%select_n3A_602] : memref<8192xf32, #tpu.memory_space<vmem>>[vector<16xi32>], vector<16xf32>,
        %gather3A_605 = tpu.vector_load_idx %arg11[%select_n3A_602] : memref<8192xf32, #tpu.memory_space<vmem>>[vector<16xi32>], vector<16xf32>,
        %sub3A_606 = arith.subf %gather3A_119, %gather3A_603 : vector<16xf32>
        %sub3A_607 = arith.subf %gather3A_122, %gather3A_604 : vector<16xf32>
        %sub3A_608 = arith.subf %gather3A_125, %gather3A_605 : vector<16xf32>
        %mul3A_609 = arith.mulf %sub3A_606, %sub3A_606 : vector<16xf32>
        %mul3A_610 = arith.mulf %sub3A_607, %sub3A_607 : vector<16xf32>
        %add3A_611 = arith.addf %mul3A_609, %mul3A_610 : vector<16xf32>
        %mul3A_612 = arith.mulf %sub3A_608, %sub3A_608 : vector<16xf32>
        %add3A_613 = arith.addf %add3A_611, %mul3A_612 : vector<16xf32>
        %jit3A_614 = arith.constant 0x7F800000 : f32
        %broadcast_in_dim3A_615 = vector.broadcast %jit3A_614 : f32 to vector<16xf32>
        %select_n3A_616 = arith.select %lt3A_599, %add3A_613, %broadcast_in_dim3A_615 : vector<16xi1>, vector<16xf32>
        %masked_sort3A_617 = arith.constant dense<true> : vector<16xi1>
        %masked_sort3A_618, %masked_sort3A_619, %masked_sort3A_620 = tpu.sort %select_n3A_616, %select_n3A_602 masked %masked_sort3A_617 : (vector<16xf32>, vector<16xi32>, vector<16xi1>) -> (vector<16xi1>, vector<16xf32>, vector<16xi32>)
        %lt3A_621 = arith.cmpf olt, %masked_sort3A_619, %while3A_591 : vector<16xf32>
        %select_n3A_622 = arith.select %lt3A_621, %masked_sort3A_619, %while3A_591 : vector<16xi1>, vector<16xf32>
        %select_n3A_623 = arith.select %lt3A_621, %masked_sort3A_620, %while3A_592 : vector<16xi1>, vector<16xi32>
        %masked_sort3A_624 = arith.constant dense<true> : vector<16xi1>
        %masked_sort3A_625, %masked_sort3A_626, %masked_sort3A_627 = tpu.sort %select_n3A_622, %select_n3A_623 masked %masked_sort3A_624 {descending = true} : (vector<16xf32>, vector<16xi32>, vector<16xi1>) -> (vector<16xi1>, vector<16xf32>, vector<16xi32>)
        scf.yield %masked_sort3A_626, %masked_sort3A_627 : vector<16xf32>, vector<16xi32>
      }
      %masked_sort3A_533 = arith.constant dense<true> : vector<16xi1>
      %masked_sort3A_534, %masked_sort3A_535, %masked_sort3A_536 = tpu.sort %while3A_532#0, %while3A_532#1 masked %masked_sort3A_533 : (vector<16xf32>, vector<16xi32>, vector<16xi1>) -> (vector<16xi1>, vector<16xf32>, vector<16xi32>)
      %add3A_537 = arith.constant 6 : i32
      %add3A_538 = arith.addi %mul3A_13, %add3A_537 : i32
      %swap3A_539 = arith.index_cast %add3A_538 : i32 to index
      %swap3A_540 = arith.constant 0 : index
      %swap3A_541 = tpu.vector_load %arg23[%swap3A_539, %swap3A_540] {strides = array<i32>} : memref<128x16xi32, #tpu.memory_space<vmem>>, vector<16xi32>,
      tpu.vector_store %arg23[%swap3A_539, %swap3A_540], %masked_sort3A_536 {strides = array<i32>} : memref<128x16xi32, #tpu.memory_space<vmem>>, vector<16xi32>,
      %add3A_542 = arith.constant 16 : i32
      %add3A_543 = arith.addi %squeeze3A_208, %add3A_542 : i32
      %sub3A_544 = arith.constant 1 : i32
      %sub3A_545 = arith.subi %add3A_543, %sub3A_544 : i32
      %jit3A_546 = arith.constant 16 : i32
      %div3A_547 = arith.divsi %sub3A_545, %jit3A_546 : i32
      %sign3A_548 = arith.constant 0 : i32
      %sign3A_549 = arith.cmpi sgt, %sub3A_545, %sign3A_548 : i32
      %sign3A_550 = arith.extui %sign3A_549 : i1 to i32
      %sign3A_551 = arith.constant 0 : i32
      %sign3A_552 = arith.cmpi slt, %sub3A_545, %sign3A_551 : i32
      %sign3A_553 = arith.extui %sign3A_552 : i1 to i32
      %sign3A_554 = arith.subi %sign3A_550, %sign3A_553 : i32
      %sign3A_555 = arith.constant 0 : i32
      %sign3A_556 = arith.cmpi sgt, %jit3A_546, %sign3A_555 : i32
      %sign3A_557 = arith.extui %sign3A_556 : i1 to i32
      %sign3A_558 = arith.constant 0 : i32
      %sign3A_559 = arith.cmpi slt, %jit3A_546, %sign3A_558 : i32
      %sign3A_560 = arith.extui %sign3A_559 : i1 to i32
      %sign3A_561 = arith.subi %sign3A_557, %sign3A_560 : i32
      %ne3A_562 = arith.cmpi ne, %sign3A_554, %sign3A_561 : i32
      %rem3A_563 = arith.remsi %sub3A_545, %jit3A_546 : i32
      %ne3A_564 = arith.constant 0 : i32
      %ne3A_565 = arith.cmpi ne, %rem3A_563, %ne3A_564 : i32
      %and3A_566 = arith.andi %ne3A_562, %ne3A_565 : i1
      %sub3A_567 = arith.constant 1 : i32
      %sub3A_568 = arith.subi %div3A_547, %sub3A_567 : i32
      %select_n3A_569 = arith.select %and3A_566, %sub3A_568, %div3A_547 : i32
      %while3A_570 = arith.constant 0 : i32
      %while3A_571 = arith.subi %select_n3A_569, %while3A_570 : i32
      %while3A_572 = arith.addi %while3A_570, %while3A_571 : i32
      %while3A_573 = arith.constant 1 : i32
      %while3A_574 = arith.divsi %while3A_571, %while3A_573 : i32
      %while3A_575 = arith.muli %while3A_574, %while3A_573 : i32
      %while3A_576 = arith.addi %while3A_570, %while3A_575 : i32
      %while3A_577 = arith.constant 1 : i32
      %while3A_578:2 = scf.for %while3A_590 = %while3A_570 to %while3A_576 step %while3A_577 iter_args(%while3A_591 = %broadcast_in_dim3A_3, %while3A_592 = %broadcast_in_dim3A_5) -> (vector<16xf32>, vector<16xi32>)  : i32 {
        %mul3A_593 = arith.constant 16 : i32
        %mul3A_594 = arith.muli %while3A_590, %mul3A_593 : i32
        %get3A_595 = arith.index_cast %mul3A_594 : i32 to index
        %get3A_596 = tpu.vector_load %arg22[%get3A_595] {strides = array<i32>} : memref<8192xi32, #tpu.memory_space<vmem>>, vector<16xi32>,
        %add3A_597 = vector.broadcast %mul3A_594 : i32 to vector<16xi32>
        %add3A_598 = arith.addi %add3A_597, %iota3A : vector<16xi32>
        %lt3A = vector.broadcast %squeeze3A_208 : i32 to vector<16xi32>
        %lt3A_599 = arith.cmpi slt, %add3A_598, %lt3A : vector<16xi32>
        %jit3A_600 = arith.constant 0 : i32
        %broadcast_in_dim3A_601 = vector.broadcast %jit3A_600 : i32 to vector<16xi32>
        %select_n3A_602 = arith.select %lt3A_599, %get3A_596, %broadcast_in_dim3A_601 : vector<16xi1>, vector<16xi32>
        %gather3A_603 = tpu.vector_load_idx %arg9[%select_n3A_602] : memref<8192xf32, #tpu.memory_space<vmem>>[vector<16xi32>], vector<16xf32>,
        %gather3A_604 = tpu.vector_load_idx %arg10[%select_n3A_602] : memref<8192xf32, #tpu.memory_space<vmem>>[vector<16xi32>], vector<16xf32>,
        %gather3A_605 = tpu.vector_load_idx %arg11[%select_n3A_602] : memref<8192xf32, #tpu.memory_space<vmem>>[vector<16xi32>], vector<16xf32>,
        %sub3A_606 = arith.subf %gather3A_132, %gather3A_603 : vector<16xf32>
        %sub3A_607 = arith.subf %gather3A_135, %gather3A_604 : vector<16xf32>
        %sub3A_608 = arith.subf %gather3A_138, %gather3A_605 : vector<16xf32>
        %mul3A_609 = arith.mulf %sub3A_606, %sub3A_606 : vector<16xf32>
        %mul3A_610 = arith.mulf %sub3A_607, %sub3A_607 : vector<16xf32>
        %add3A_611 = arith.addf %mul3A_609, %mul3A_610 : vector<16xf32>
        %mul3A_612 = arith.mulf %sub3A_608, %sub3A_608 : vector<16xf32>
        %add3A_613 = arith.addf %add3A_611, %mul3A_612 : vector<16xf32>
        %jit3A_614 = arith.constant 0x7F800000 : f32
        %broadcast_in_dim3A_615 = vector.broadcast %jit3A_614 : f32 to vector<16xf32>
        %select_n3A_616 = arith.select %lt3A_599, %add3A_613, %broadcast_in_dim3A_615 : vector<16xi1>, vector<16xf32>
        %masked_sort3A_617 = arith.constant dense<true> : vector<16xi1>
        %masked_sort3A_618, %masked_sort3A_619, %masked_sort3A_620 = tpu.sort %select_n3A_616, %select_n3A_602 masked %masked_sort3A_617 : (vector<16xf32>, vector<16xi32>, vector<16xi1>) -> (vector<16xi1>, vector<16xf32>, vector<16xi32>)
        %lt3A_621 = arith.cmpf olt, %masked_sort3A_619, %while3A_591 : vector<16xf32>
        %select_n3A_622 = arith.select %lt3A_621, %masked_sort3A_619, %while3A_591 : vector<16xi1>, vector<16xf32>
        %select_n3A_623 = arith.select %lt3A_621, %masked_sort3A_620, %while3A_592 : vector<16xi1>, vector<16xi32>
        %masked_sort3A_624 = arith.constant dense<true> : vector<16xi1>
        %masked_sort3A_625, %masked_sort3A_626, %masked_sort3A_627 = tpu.sort %select_n3A_622, %select_n3A_623 masked %masked_sort3A_624 {descending = true} : (vector<16xf32>, vector<16xi32>, vector<16xi1>) -> (vector<16xi1>, vector<16xf32>, vector<16xi32>)
        scf.yield %masked_sort3A_626, %masked_sort3A_627 : vector<16xf32>, vector<16xi32>
      }
      %while3A_579 = arith.constant 1 : i32
      %while3A_580:2 = scf.for %while3A_590 = %while3A_576 to %while3A_572 step %while3A_579 iter_args(%while3A_591 = %while3A_578#0, %while3A_592 = %while3A_578#1) -> (vector<16xf32>, vector<16xi32>)  : i32 {
        %mul3A_593 = arith.constant 16 : i32
        %mul3A_594 = arith.muli %while3A_590, %mul3A_593 : i32
        %get3A_595 = arith.index_cast %mul3A_594 : i32 to index
        %get3A_596 = tpu.vector_load %arg22[%get3A_595] {strides = array<i32>} : memref<8192xi32, #tpu.memory_space<vmem>>, vector<16xi32>,
        %add3A_597 = vector.broadcast %mul3A_594 : i32 to vector<16xi32>
        %add3A_598 = arith.addi %add3A_597, %iota3A : vector<16xi32>
        %lt3A = vector.broadcast %squeeze3A_208 : i32 to vector<16xi32>
        %lt3A_599 = arith.cmpi slt, %add3A_598, %lt3A : vector<16xi32>
        %jit3A_600 = arith.constant 0 : i32
        %broadcast_in_dim3A_601 = vector.broadcast %jit3A_600 : i32 to vector<16xi32>
        %select_n3A_602 = arith.select %lt3A_599, %get3A_596, %broadcast_in_dim3A_601 : vector<16xi1>, vector<16xi32>
        %gather3A_603 = tpu.vector_load_idx %arg9[%select_n3A_602] : memref<8192xf32, #tpu.memory_space<vmem>>[vector<16xi32>], vector<16xf32>,
        %gather3A_604 = tpu.vector_load_idx %arg10[%select_n3A_602] : memref<8192xf32, #tpu.memory_space<vmem>>[vector<16xi32>], vector<16xf32>,
        %gather3A_605 = tpu.vector_load_idx %arg11[%select_n3A_602] : memref<8192xf32, #tpu.memory_space<vmem>>[vector<16xi32>], vector<16xf32>,
        %sub3A_606 = arith.subf %gather3A_132, %gather3A_603 : vector<16xf32>
        %sub3A_607 = arith.subf %gather3A_135, %gather3A_604 : vector<16xf32>
        %sub3A_608 = arith.subf %gather3A_138, %gather3A_605 : vector<16xf32>
        %mul3A_609 = arith.mulf %sub3A_606, %sub3A_606 : vector<16xf32>
        %mul3A_610 = arith.mulf %sub3A_607, %sub3A_607 : vector<16xf32>
        %add3A_611 = arith.addf %mul3A_609, %mul3A_610 : vector<16xf32>
        %mul3A_612 = arith.mulf %sub3A_608, %sub3A_608 : vector<16xf32>
        %add3A_613 = arith.addf %add3A_611, %mul3A_612 : vector<16xf32>
        %jit3A_614 = arith.constant 0x7F800000 : f32
        %broadcast_in_dim3A_615 = vector.broadcast %jit3A_614 : f32 to vector<16xf32>
        %select_n3A_616 = arith.select %lt3A_599, %add3A_613, %broadcast_in_dim3A_615 : vector<16xi1>, vector<16xf32>
        %masked_sort3A_617 = arith.constant dense<true> : vector<16xi1>
        %masked_sort3A_618, %masked_sort3A_619, %masked_sort3A_620 = tpu.sort %select_n3A_616, %select_n3A_602 masked %masked_sort3A_617 : (vector<16xf32>, vector<16xi32>, vector<16xi1>) -> (vector<16xi1>, vector<16xf32>, vector<16xi32>)
        %lt3A_621 = arith.cmpf olt, %masked_sort3A_619, %while3A_591 : vector<16xf32>
        %select_n3A_622 = arith.select %lt3A_621, %masked_sort3A_619, %while3A_591 : vector<16xi1>, vector<16xf32>
        %select_n3A_623 = arith.select %lt3A_621, %masked_sort3A_620, %while3A_592 : vector<16xi1>, vector<16xi32>
        %masked_sort3A_624 = arith.constant dense<true> : vector<16xi1>
        %masked_sort3A_625, %masked_sort3A_626, %masked_sort3A_627 = tpu.sort %select_n3A_622, %select_n3A_623 masked %masked_sort3A_624 {descending = true} : (vector<16xf32>, vector<16xi32>, vector<16xi1>) -> (vector<16xi1>, vector<16xf32>, vector<16xi32>)
        scf.yield %masked_sort3A_626, %masked_sort3A_627 : vector<16xf32>, vector<16xi32>
      }
      %masked_sort3A_581 = arith.constant dense<true> : vector<16xi1>
      %masked_sort3A_582, %masked_sort3A_583, %masked_sort3A_584 = tpu.sort %while3A_580#0, %while3A_580#1 masked %masked_sort3A_581 : (vector<16xf32>, vector<16xi32>, vector<16xi1>) -> (vector<16xi1>, vector<16xf32>, vector<16xi32>)
      %add3A_585 = arith.constant 7 : i32
      %add3A_586 = arith.addi %mul3A_13, %add3A_585 : i32
      %swap3A_587 = arith.index_cast %add3A_586 : i32 to index
      %swap3A_588 = arith.constant 0 : index
      %swap3A_589 = tpu.vector_load %arg23[%swap3A_587, %swap3A_588] {strides = array<i32>} : memref<128x16xi32, #tpu.memory_space<vmem>>, vector<16xi32>,
      tpu.vector_store %arg23[%swap3A_587, %swap3A_588], %masked_sort3A_584 {strides = array<i32>} : memref<128x16xi32, #tpu.memory_space<vmem>>, vector<16xi32>,
    }
    %scan3A_10 = arith.constant 16 : i32
    "tpu.region"() ({
      %run_scoped3A = tpu.sem_alloc : memref<!tpu.dma_semaphore, #tpu.memory_space<semaphore_mem>>
      %dma_start3A = arith.constant 0 : i32
      %dma_start3A_11 = tpu.memref_slice %arg8[%mul3A_2, %dma_start3A] : memref<4096x16xi32, #tpu.memory_space<hbm>> -> memref<128x16xi32, #tpu.memory_space<hbm>>
      %dma_start3A_12 = arith.constant 0 : i32
      %dma_start3A_13 = tpu.memref_slice %arg8[%mul3A_2, %dma_start3A_12] : memref<4096x16xi32, #tpu.memory_space<hbm>> -> memref<128x16xi32, #tpu.memory_space<hbm>>
      tpu.enqueue_dma source(%arg23 : memref<128x16xi32, #tpu.memory_space<vmem>>) target(%dma_start3A_13 : memref<128x16xi32, #tpu.memory_space<hbm>>) target_semaphore(%run_scoped3A : memref<!tpu.dma_semaphore, #tpu.memory_space<semaphore_mem>>)
      %dma_wait3A = arith.constant 0 : i32
      %dma_wait3A_14 = tpu.memref_slice %arg8[%mul3A_2, %dma_wait3A] : memref<4096x16xi32, #tpu.memory_space<hbm>> -> memref<128x16xi32, #tpu.memory_space<hbm>>
      %dma_wait3A_15 = arith.constant 0 : i32
      %dma_wait3A_16 = tpu.memref_slice %arg8[%mul3A_2, %dma_wait3A_15] : memref<4096x16xi32, #tpu.memory_space<hbm>> -> memref<128x16xi32, #tpu.memory_space<hbm>>
      tpu.wait_dma2 semaphore(%run_scoped3A : memref<!tpu.dma_semaphore, #tpu.memory_space<semaphore_mem>>) src(%arg23 : memref<128x16xi32, #tpu.memory_space<vmem>>) dst(%dma_wait3A_16 : memref<128x16xi32, #tpu.memory_space<hbm>>)
      tpu.yield
    }) : () -> ()
    return
  }
}

</mosaic_0001>

<sc_bundles>
// kernel: _knn.3.cloned.1.call-start
scs
__scs_entry_jumppad:
0x0: {  	(pc) =	sbr.rel $0x88, $3  }
0x1: {  	(tag) =	ssettag $0x0;
	lr =	simm.s32 $0x1  }
0x2: {  	[smem:$0x3F9B] =	sst lr;
	_ =	strace $0xD0000000  }
0x3: {  	_ = 	snop  }
0x4: {  	_ = 	snop  }
0x5: {  	_ = 	snop  }
0x6: {  	_ = 	snop  }
0x7: {  	_ = 	snop  }
__scs_overlays_trampoline_lowered:
0x8: {  	[smem:$0x3FAA] =	sst s0  }
0x9: {  	[smem:$0x3FAB] =	sst s1  }
0xa: {  	[smem:$0x3FAC] =	sst s2  }
0xb: {  	[smem:$0x3FAD] =	sst s3  }
0xc: {  	[smem:$0x3FAE] =	sst s4  }
0xd: {  	[smem:$0x3FAF] =	sst s5  }
0xe: {  	[smem:$0x3FB0] =	sst s6  }
0xf: {  	[smem:$0x3FB1] =	sst s7  }
0x10: {  	[smem:$0x3FB2] =	sst s8  }
0x11: {  	[smem:$0x3FB3] =	sst s9;
	s0 =	simm.s32 @!p0 $0x0  }
0x12: {  	s1 =	sld [smem:$0x3F99];
	s0 =	simm.s32 @p0 $0x1  }
0x13: {  	[smem:$0x3FB4] =	sst s0;
	s0 =	simm.s32 @!p1 $0x0  }
0x14: {  	s2 =	sld [smem:$0x3F98];
	s0 =	simm.s32 @p1 $0x1  }
0x15: {  	[smem:$0x3FB5] =	sst s0;
	s0 =	simm.s32 @!p2 $0x0  }
0x16: {  	s3 =	sld [smem:$0x3FDB];
	s0 =	simm.s32 @p2 $0x1  }
0x17: {  	s4 =	simm.s32 $0x1BF5;
	[smem:$0x3FB7] =	sst s0  }
0x18: {  	s0 =	sld [smem:$0x3F9A];
	_ =	swait.ge [sflag:s4], $0x0  }
0x19: {  	s7 =	sld [smem:$0x3F9B]  }
0x1a: {  	s8 =	sadd.s32 $0xFFFFE003, lr  }
0x1b: {  	s9 =	sadd.s32 $0xFFFFFEF7, lr;
	s5 =	simm.s32 $0xFFFFFFFF;
	p2 =	slt.u32 s8, $0xFFFFF086  }
0x1c: {  	p1 =	slt.u32 s9, $0xF7A;
	s5 =	simm.s32 @!p2 $0x0  }
0x1d: {  	s5 =	simm.s32 @p1 $0x1;
	p0 =	seq.s32 s7, s2  }
0x1e: {  	s7 =	smul.u32 @!p0 $0xF7A, s2;
	p2 =	seq.s32 @!p0 s5, $0x0  }
0x1f: {  	s9 =	smul.u32 $0xF7A, s1;
	s8 =	simm.s32 @!p0 $0x1BF5;
	p2 =	por !p2, p0  }
0x20: {  	[sflag:s8] =	ssyncset.s32 @!p0 $0xFFFFF086;
	s6 =	sadd.s32 @!p0 s3, s7;
	s7 =	simm.s32 @!p0 $0x108  }
0x21: {  	s3 =	sadd.s32 s3, s9;
	s6 =	sadd.s32 @!p0 $0x88, s6;
	s7 =	simm.s32 @p2 $0x1082  }
0x22: {  	[simem:s7], [sflag:s8] =	dma.local @!p0 [hbm:s6], $0xF7A  }
0x23: {  	s9 =	sor.u32 $0xD0000000, s2;
	s6 =	simm.s32 $0x108;
	_ =	swait.ge @!p0 [sflag:s8], $0x0  }
0x24: {  	s3 =	sadd.s32 $0x88, s3;
	s6 =	simm.s32 @!p1 $0x1082;
	[sflag:s4] =	ssyncset.s32 $0xFFFFF086  }
0x25: {  	[simem:s6], [sflag:s4] =	dma.local [hbm:s3], $0xF7A  }
0x26: {  	[smem:$0x3F9B] =	sst s1;
	(tag) =	ssettag s2;
	_ =	strace s9  }
0x27: {  	s1 =	sld [smem:$0x3FAB]  }
0x28: {  	s2 =	sld [smem:$0x3FAC]  }
0x29: {  	s4 =	sld [smem:$0x3FAE]  }
0x2a: {  	p0 =	seq.s32 s5, $0x0;
	s5 =	sld [smem:$0x3FAF]  }
0x2b: {  	s6 =	sld [smem:$0x3FB0]  }
0x2c: {  	s7 =	sld [smem:$0x3FB1]  }
0x2d: {  	s3 =	simm.s32 $0x108;
	s8 =	sld [smem:$0x3FB2]  }
0x2e: {  	s3 =	simm.s32 @!p0 $0x1082;
	s9 =	sld [smem:$0x3FB3]  }
0x2f: {  	lr =	sadd.s32 s0, s3;
	s0 =	sld [smem:$0x3FAA]  }
0x30: {  	s3 =	sld [smem:$0x3FAD]  }
0x31: {  	[smem:$0x3FB6] =	sst s10  }
0x32: {  	s10 =	sld [smem:$0x3FB4];
	_ =	sdelay $0x3  }
0x33: {  	p0 =	seq.s32 s10, $0x1;
	s10 =	sld [smem:$0x3FB6];
	_ =	sdelay $0x3  }
0x34: {  	[smem:$0x3FB6] =	sst s10  }
0x35: {  	s10 =	sld [smem:$0x3FB5];
	_ =	sdelay $0x3  }
0x36: {  	p1 =	seq.s32 s10, $0x1;
	s10 =	sld [smem:$0x3FB6];
	_ =	sdelay $0x3  }
0x37: {  	[smem:$0x3FB6] =	sst s10  }
0x38: {  	s10 =	sld [smem:$0x3FB7]  }
0x39: {  	_ = 	snop;
	(pc) =	sbr.ind lr, $3  }
0x3a: {  	_ = 	snop  }
0x3b: {  	_ = 	snop  }
0x3c: {  	p2 =	seq.s32 s10, $0x1;
	s10 =	sld [smem:$0x3FB6]  }
0x3d: {  	_ =	shalt  }
0x3e: {  	_ =	shalt  }
0x3f: {  	_ =	shalt  }
0x40: {  	_ =	shalt  }
0x41: {  	_ =	shalt  }
0x42: {  	_ =	shalt  }
0x43: {  	_ =	shalt  }
0x44: {  	_ =	shalt  }
0x45: {  	_ =	shalt  }
0x46: {  	_ =	shalt  }
0x47: {  	_ =	shalt  }
0x48: {  	_ =	shalt  }
0x49: {  	_ =	shalt  }
0x4a: {  	_ =	shalt  }
0x4b: {  	_ =	shalt  }
0x4c: {  	_ =	shalt  }
0x4d: {  	_ =	shalt  }
0x4e: {  	_ =	shalt  }
0x4f: {  	_ =	shalt  }
0x50: {  	_ =	shalt  }
0x51: {  	_ =	shalt  }
0x52: {  	_ =	shalt  }
0x53: {  	_ =	shalt  }
0x54: {  	_ =	shalt  }
0x55: {  	_ =	shalt  }
0x56: {  	_ =	shalt  }
0x57: {  	_ =	shalt  }
0x58: {  	_ =	shalt  }
0x59: {  	_ =	shalt  }
0x5a: {  	_ =	shalt  }
0x5b: {  	_ =	shalt  }
0x5c: {  	_ =	shalt  }
0x5d: {  	_ =	shalt  }
0x5e: {  	_ =	shalt  }
0x5f: {  	_ =	shalt  }
0x60: {  	_ =	shalt  }
0x61: {  	_ =	shalt  }
0x62: {  	_ =	shalt  }
0x63: {  	_ =	shalt  }
0x64: {  	_ =	shalt  }
0x65: {  	_ =	shalt  }
0x66: {  	_ =	shalt  }
0x67: {  	_ =	shalt  }
0x68: {  	_ =	shalt  }
0x69: {  	_ =	shalt  }
0x6a: {  	_ =	shalt  }
0x6b: {  	_ =	shalt  }
0x6c: {  	_ =	shalt  }
0x6d: {  	_ =	shalt  }
0x6e: {  	_ =	shalt  }
0x6f: {  	_ =	shalt  }
0x70: {  	_ =	shalt  }
0x71: {  	_ =	shalt  }
0x72: {  	_ =	shalt  }
0x73: {  	_ =	shalt  }
0x74: {  	_ =	shalt  }
0x75: {  	_ =	shalt  }
0x76: {  	_ =	shalt  }
0x77: {  	_ =	shalt  }
0x78: {  	_ =	shalt  }
0x79: {  	_ =	shalt  }
0x7a: {  	_ =	shalt  }
0x7b: {  	_ =	shalt  }
0x7c: {  	_ =	shalt  }
0x7d: {  	_ =	shalt  }
0x7e: {  	_ =	shalt  }
0x7f: {  	_ =	shalt  }
0x80: {  	_ =	shalt  }
0x81: {  	_ =	shalt  }
0x82: {  	_ =	shalt  }
0x83: {  	_ =	shalt  }
0x84: {  	_ =	shalt  }
0x85: {  	_ =	shalt  }
0x86: {  	_ =	shalt  }
0x87: {  	_ =	shalt  }
.Lfunc_end0:
.L_simem_size_0:
called_computation_lowered:
.L_overlay_start_0:
0x88: {  	s2 =	sld [smem:$0x3FD9]  }
0x89: {  	s3 =	sld [smem:$0x3FFE];
	_ =	sdelay $0x1  }
0x8a: {  	s1 =	srdreg.scid  }
0x8b: {  	s0 =	sand.u32 $0x1, s1  }
0x8c: {  	s17 =	sshll.u32 s0, $0xA;
	s2 =	sadd.s32 s3, s2  }
0x8d: {  	s2 =	sadd.s32 s2, s17  }
0x8e: {  	[smem:$0x3FC2] =	sst s2  }
0x8f: {  	_ = 	snop  }
0x90: {  	s2 =	sld [smem:$0x3FC9]  }
0x91: {  	s18 =	sld [smem:$0x3FC8]  }
0x92: {  	s4 =	sld [smem:$0x3FC7]  }
0x93: {  	s5 =	sld [smem:$0x3FC6]  }
0x94: {  	s6 =	sld [smem:$0x3FC5]  }
0x95: {  	s7 =	sld [smem:$0x3FC4];
	(tm) =	ssettm $0x1  }
0x96: {  	s8 =	sld [smem:$0x3FFB];
	_ =	sdelay $0x3  }
0x97: {  	_ =	strace s8  }
0x98: {  	s8 =	sld [smem:$0x3FFC];
	_ =	sdelay $0x3  }
0x99: {  	_ =	strace s8  }
0x9a: {  	s8 =	sld [smem:$0x3FFD];
	_ =	sdelay $0x3  }
0x9b: {  	_ =	strace s8  }
0x9c: {  	_ =	strace $0x8FFFFFFF  }
0x9d: {  	s19 =	sld [smem:$0x3FDB];
	_ =	sdelay $0x1  }
0x9e: {  	s9 =	simm.s32 $_scs_section_size  }
0x9f: {  	s10 =	simm.s32 $_size__tile_overlayer_lowered;
	s11 =	simm.s32 $_tile_overlayer_lowered  }
0xa0: {  	s22 =	simm.s32 $0x1BFF;
	s21 =	sshll.u32 s11, $0x1;
	s8 =	sadd.s32 s9, s19  }
0xa1: {  	s12 =	simm.s32 $0x0;
	s20 =	sshll.u32 s10, $0x1;
	s10 =	sadd.s32 s21, s8  }
0xa2: {  	[timem:s12], [sflag:s22] =	dma.local [hbm:s10], s20  }
0xa3: {  	_ =	swait.ge [sflag:s22], s20  }
0xa4: {  	s9 =	ssub.s32 $0x0, s20;
	[sflag:s22] =	ssyncset.done $0x0  }
0xa5: {  	[sflag:s22] =	ssyncadd.s32 s9;
	_ =	sdelay $0x1  }
0xa6: {  	s23 =	simm.s32 $0x1B8B  }
0xa7: {  	_ =	swait.ge [sflag:s23], $0x1  }
0xa8: {  	[sflag:s23] =	ssyncset.done $0x0  }
0xa9: {  	s25 =	simm.s32 $0x1B8E;
	s24 =	sld [smem:$0x3FFE];
	[sflag:s23] =	ssyncadd.s32 $0xFFFFFFFF  }
0xaa: {  	s26 =	simm.s32 $execute0_lowered;
	[smem:$0x3FD2] =	sst s25  }
0xab: {  	s10 =	sshll.u32 s26, $0x1;
	_ =	strace $0x80000046;
	[dreg:$0x1] =	wrdreg $0xFFFFFFFF  }
0xac: {  	s28 =	simm.s32 $_size_execute0_lowered;
	s8 =	sadd.s32 s8, s10;
	[dreg:$0x0] =	wrdreg $0x0  }
0xad: {  	s10 =	sshll.u32 s28, $0x1;
	[dreg:$0x2] =	wrdreg s8  }
0xae: {  	[dreg:$0x3] =	wrdreg s10  }
0xaf: {  	[dreg:$0x4] =	wrdreg $0xC0  }
0xb0: {  	_ =	task [dreg:s12], $0x5FFFF  }
0xb1: {  	[dreg:$0x1] =	wrdreg $0xFFFFFFFF  }
0xb2: {  	[dreg:$0x0] =	wrdreg $0x60  }
0xb3: {  	[dreg:$0x2] =	wrdreg s2  }
0xb4: {  	[dreg:$0x3] =	wrdreg s18  }
0xb5: {  	[dreg:$0x4] =	wrdreg s4  }
0xb6: {  	[dreg:$0x5] =	wrdreg s5  }
0xb7: {  	[dreg:$0x6] =	wrdreg s6  }
0xb8: {  	[dreg:$0x7] =	wrdreg s7  }
0xb9: {  	[dreg:$0x8] =	wrdreg s24  }
0xba: {  	[dreg:$0x9] =	wrdreg $0x9  }
0xbb: {  	_ =	task.clear_ibuf [dreg:s12], $0xAFFFF;
	_ =	strace $0x90000046  }
0xbc: {  	s29 =	simm.s32 $0x9;
	_ =	strace $0x80000048  }
0xbd: {  	_ =	swait.ge [sflag:s29], $0x1  }
0xbe: {  	[sflag:s29] =	ssyncadd.s32 $0xFFFFFFFF  }
0xbf: {  	_ =	strace $0x90000048  }
0xc0: {  	_ =	sfence  }
0xc1: {  	s30 =	sld [smem:$0x0];
	_ =	sdelay $0x2  }
0xc2: {  	s31 =	sshll.u32 s1, $0xD;
	s1 =	sshrl.u32 s1, $0x2  }
0xc3: {  	s3 =	sand.u32 $0x4000, s31;
	s1 =	sadd.s32 s1, s30  }
0xc4: {  	s0 =	sor.u32 s3, s0;
	s1 =	sshll.u32 s1, $0x11  }
0xc5: {  	s0 =	sor.u32 s1, s0  }
0xc6: {  	s0 =	sadd.s32 $0x8F2B, s0  }
0xc7: {  	[sflag:s0] =	ssyncadd.remote.s32 $0x1  }
0xc8: {  	_ =	sfence.sel $0xFFFF  }
0xc9: {  	[dreg:$0x0] =	wrdreg $0xFFFFFFFF;
	(pc) =	sbr.abs _section_cstart, $3  }
0xca: {  	[dreg:$0x1] =	wrdreg $0xFFFFFFFF  }
0xcb: {  	_ =	task.clear_ibuf [dreg:s12], $0x2FFFF;
	_ =	strace $0x9FFFFFFF  }
0xcc: {  	(tm) =	ssettm $0x7FFFFFFF  }
0xcd: {  	_ =	shalt  }
tec
execute0_lowered:
.L_overlay_start_1:
0x0: {  	(tag) =	ssettag $0x1  }
0x1: {  	s0 =	rddreg [dreg:$0x3]  }
0x2: {  	s1 =	rddreg [dreg:$0x4]  }
0x3: {  	s2 =	rddreg [dreg:$0x5]  }
0x4: {  	s3 =	rddreg [dreg:$0x6]  }
0x5: {  	s4 =	srdreg.scid;
	s6 =	stileid.u32  }
0x6: {  	s5 =	simm.s32 $0x0;
	s11 =	simm.s32 $0x1;
	s12 =	simm.s32 $0x2000  }
0x7: {  	s13 =	simm.s32 $0x4000;
	s16 =	simm.s32 $0x6100;
	s17 =	simm.s32 $0x6180  }
0x8: {  	s18 =	simm.s32 $0x8180;
	s19 =	simm.s32 $0xA180;
	s20 =	simm.s32 $0xC180  }
0x9: {  	s21 =	simm.s32 $0xE180;
	s22 =	simm.s32 $0x10180;
	s23 =	simm.s32 $0x12180  }
0xa: {  	s24 =	simm.s32 $0x14180;
	s25 =	simm.s32 $0x16180;
	s26 =	simm.s32 $0x0  }
0xb: {  	s4 =	sand.u32 $0x1, s4;
	s6 =	sshll.u32 s6, $0x8;
	[smem:$0x7FF] =	sst s5  }
.Ltmp0:
0xc: {  	s7 =	sshll.u32 s4, $0x7;
	s4 =	ssub.s32 $0x2, s4;
	(pc) =	sbr.rel .LBB2_1-.Ltmp0, $4  }
0xd: {  	_ =	strace $0x80000047;
	s6 =	sor.u32 s7, s6;
	s8 =	sshrl.u32 s4, $0x1  }
0xe: {  	s7 =	sshll.u32 s6, $0x4;
	s4 =	ssub.s32 s4, s8;
	s31 =	sshrl.u32 s6, $0x3  }
0xf: {  	s3 =	sadd.s32 s7, s3;
	s6 =	sadd.s32 s0, s31;
	s7 =	sadd.s32 s1, s31  }
0x10: {  	v19 =	vimm.s32 $0x0;
	s8 =	sadd.s32 s2, s31;
	s10 =	smax.u32 s4, $0x1;
	s9 =	sadd.s32 $0x400, s3  }
.LBB2_89:
0x11: {  	s26 =	sadd.s32 $0x1, s26  }
0x12: {  	p0 =	sne.s32 s26, s10  }
.Ltmp1:
0x13: {  	_ = 	snop;
	(pc) =	sbr.rel @!p0 .LBB2_90-.Ltmp1, $4  }
0x14: {  	[hbm4b:s9+s5] =	stream.linear.scatter [tilespmem:s25], [sflag:$0x1], $0x4000, $0x38;
	[tilespmem:$0x1A180] =	vst v63  }
0x15: {  	_ =	swait.ge [sflag:s11], $0x4000  }
0x16: {  	[sflag:s11] =	ssyncset.done $0x0  }
0x17: {  	[sflag:s11] =	ssyncadd.s32 $0xFFFFC000  }
.LBB2_1:
0x18: {  	s0 =	rddreg [dreg:$0x0]  }
0x19: {  	[tilespmem:s5], [sflag:$0x1] =	stream.linear.gather [hbm4b:s0+s5], $0x2000, $0x38;
	[tilespmem:$0x1A180] =	vst v63  }
0x1a: {  	_ =	swait.ge [sflag:s11], $0x2000  }
0x1b: {  	[sflag:s11] =	ssyncset.done $0x0  }
0x1c: {  	[sflag:s11] =	ssyncadd.s32 $0xFFFFE000  }
0x1d: {  	s15 =	rddreg [dreg:$0x1]  }
0x1e: {  	[tilespmem:s12], [sflag:$0x1] =	stream.linear.gather [hbm4b:s15+s5], $0x2000, $0x38;
	[tilespmem:$0x1A180] =	vst v63  }
0x1f: {  	_ =	swait.ge [sflag:s11], $0x2000  }
0x20: {  	[sflag:s11] =	ssyncset.done $0x0  }
0x21: {  	[sflag:s11] =	ssyncadd.s32 $0xFFFFE000  }
0x22: {  	s29 =	rddreg [dreg:$0x2]  }
0x23: {  	[tilespmem:s13], [sflag:$0x1] =	stream.linear.gather [hbm4b:s29+s5], $0x2000, $0x38;
	[tilespmem:$0x1A180] =	vst v63  }
0x24: {  	_ =	swait.ge [sflag:s11], $0x2000  }
0x25: {  	[sflag:s11] =	ssyncset.done $0x0  }
0x26: {  	s30 =	simm.s32 $0x6000;
	[sflag:s11] =	ssyncadd.s32 $0xFFFFE000  }
0x27: {  	[tilespmem:s30], [sflag:$0x1] =	stream.linear.gather [hbm4b:s6+s5], $0x80, $0x38;
	[tilespmem:$0x1A180] =	vst v63  }
0x28: {  	_ =	swait.ge [sflag:s11], $0x80  }
0x29: {  	[sflag:s11] =	ssyncset.done $0x0  }
0x2a: {  	s31 =	simm.s32 $0x6080;
	[sflag:s11] =	ssyncadd.s32 $0xFFFFFF80  }
0x2b: {  	[tilespmem:s31], [sflag:$0x1] =	stream.linear.gather [hbm4b:s7+s5], $0x80, $0x38;
	[tilespmem:$0x1A180] =	vst v63  }
0x2c: {  	_ =	swait.ge [sflag:s11], $0x80  }
0x2d: {  	[sflag:s11] =	ssyncset.done $0x0  }
.Ltmp2:
0x2e: {  	[sflag:s11] =	ssyncadd.s32 $0xFFFFFF80;
	(pc) =	sbr.rel .LBB2_2-.Ltmp2, $4  }
0x2f: {  	[tilespmem:s16], [sflag:$0x1] =	stream.linear.gather [hbm4b:s8+s5], $0x80, $0x38;
	[tilespmem:$0x1A180] =	vst v63  }
0x30: {  	_ =	swait.ge [sflag:s11], $0x80  }
0x31: {  	[sflag:s11] =	ssyncset.done $0x0  }
0x32: {  	s28 =	simm.s32 $0x0;
	[sflag:s11] =	ssyncadd.s32 $0xFFFFFF80  }
.LBB2_80:
0x33: {  	_ = 	snop  }
.LBB2_87:
0x34: {  	v4 =	vmul.f32 @p0 v7, v7  }
0x35: {  	v1 =	vadd.f32 @p0 v9, v8;
	_ =	sdelay $0x2  }
0x36: {  	v7 =	vor.u32 s0, v42;
	v8, v9, _ =	vpop @p1 (xrf1)  }
0x37: {  	vm1 =	vlt.s32 v7, v0;
	v0 =	vadd.f32 @p0 v4, v1;
	v1, v4, _ =	vpop @p2 (xrf1)  }
0x38: {  	v3 =	vnsel vm1, $0x0, v3;
	v1 =	vpsel p2, v1, v6  }
0x39: {  	v0 =	vnsel @p0 vm0, $0x7F800000, v0;
	v4 =	vpsel p2, v4, v5;
	vm0 =	vlt.f32 @p1 v8, v1  }
0x3a: {  	(xrf1) =	vsort.ascd.msk.f32 @p0 $0xffff, v0, v2;
	v0 =	vsel @p1 vm0, v8, v1;
	v1 =	vsel @p1 vm0, v9, v4  }
0x3b: {  	(xrf1) =	vsort.dscd.msk.f32 @p1 $0xffff, v0, v1;
	_ =	sdelay $0x1  }
0x3c: {  	v60 =	vld.idx.msk [tilespmem:v3+s5+$0x0], $0xffff  }
0x3d: {  	v61 =	vld.idx.msk [tilespmem:v3+s12+$0x0], $0xffff  }
0x3e: {  	v62 =	vld.idx.msk [tilespmem:v3+s13+$0x0], $0xffff;
	_ =	sdelay $0x3  }
0x3f: {  	v0 =	vsub.f32 v17, v60;
	v1 =	vsub.f32 v21, v61  }
0x40: {  	v2 =	vsub.f32 v25, v62  }
0x41: {  	v0 =	vmul.f32 v0, v0;
	v1 =	vmul.f32 v1, v1;
	_ =	sdelay $0x1  }
0x42: {  	v63 =	vmul.f32 v2, v2;
	v0 =	vadd.f32 v1, v0  }
0x43: {  	v2, v4, _ =	vpop @p0 (xrf1)  }
0x44: {  	v0 =	vadd.f32 v63, v0;
	v1, v7, _ =	vpop @p1 (xrf1)  }
0x45: {  	vm14 =	vmmov vm1;
	v1 =	vpsel p1, v1, v6  }
0x46: {  	v0 =	vnsel vm14, $0x7F800000, v0;
	v7 =	vpsel p1, v7, v5;
	vm0 =	vlt.f32 @p0 v2, v1  }
0x47: {  	(xrf1) =	vsort.ascd.msk.f32 $0xffff, v0, v3;
	v0 =	vsel @p0 vm0, v2, v1;
	v1 =	vsel @p0 vm0, v4, v7  }
0x48: {  	(xrf1) =	vsort.dscd.msk.f32 @p0 $0xffff, v0, v1;
	_ =	sdelay $0xc  }
0x49: {  	v0, v1, _ =	vpop (xrf1)  }
0x4a: {  	v2, v3, _ =	vpop @p0 (xrf1)  }
0x4b: {  	v2 =	vpsel p0, v2, v6  }
0x4c: {  	v3 =	vpsel p0, v3, v5;
	vm15 =	vlt.f32 v0, v2  }
0x4d: {  	v0 =	vsel vm15, v0, v2;
	v1 =	vsel vm15, v1, v3  }
0x4e: {  	(xrf1) =	vsort.dscd.msk.f32 $0xffff, v0, v1;
	_ =	sdelay $0xd  }
0x4f: {  	v9, v8, _ =	vpop (xrf1)  }
.LBB2_88:
0x50: {  	(xrf1) =	vsort.ascd.msk.f32 $0xffff, v9, v8;
	_ =	sdelay $0x8  }
0x51: {  	s28 =	sadd.s32 $0x1, s28  }
0x52: {  	p0 =	sne.s32 s28, $0x10  }
.Ltmp3:
0x53: {  	_ = 	snop;
	(pc) =	sbr.rel @!p0 .LBB2_89-.Ltmp3, $3  }
0x54: {  	_ =	sdelay $0x1  }
0x55: {  	_, v0, _ =	vpop (xrf1)  }
0x56: {  	v19 =	vimm.s32 $0x0;
	[tilespmem:s30+$0x16500] =	vst v0  }
.LBB2_2:
0x57: {  	s0 =	sshll.u32 s28, $0x3  }
0x58: {  	s1 =	sand.u32 $0x70, s0  }
0x59: {  	v0 =	vld [tilespmem:s1+$0x6000]  }
0x5a: {  	v2 =	vld [tilespmem:s1+$0x6080]  }
0x5b: {  	v3 =	vld [tilespmem:s1+$0x6100];
	_ =	sdelay $0x1  }
0x5c: {  	s0 =	sand.u32 $0x8, s0  }
0x5d: {  	v4 =	vmov s0;
	s14 =	sor.u32 $0x2, s0  }
0x5e: {  	v5 =	vmov s14;
	v56 =	vperm.xlane v0, v4;
	v57 =	vperm.xlane v2, v4  }
0x5f: {  	s31 =	sor.u32 $0x6, s0;
	v58 =	vperm.xlane v3, v4;
	v16 =	vperm.xlane v0, v5  }
0x60: {  	s2 =	simm.s32 $0x0;
	s4 =	sor.u32 $0x1, s0;
	v7 =	vmov s31;
	v18 =	vperm.xlane v2, v5;
	v20 =	vperm.xlane v3, v5  }
0x61: {  	v17 =	vld [tilespmem:s2+$0x0];
	v4 =	vmov s4;
	v8 =	vperm.xlane v0, v7;
	v9 =	vperm.xlane v2, v7  }
0x62: {  	v25 =	vld [tilespmem:s2+$0x2000];
	s29 =	sor.u32 $0x4, s0;
	v24 =	vperm.xlane v3, v7;
	v1 =	vperm.xlane v0, v4  }
0x63: {  	s15 =	sor.u32 $0x3, s0;
	v5 =	vmov s29;
	v22 =	vperm.xlane v2, v4;
	v23 =	vperm.xlane v3, v4  }
0x64: {  	v29 =	vld [tilespmem:s2+$0x4000];
	v4 =	vmov s15;
	v12 =	vperm.xlane v0, v5;
	v13 =	vperm.xlane v2, v5  }
0x65: {  	v27 =	vperm.xlane v3, v5;
	v14 =	vperm.xlane v0, v4  }
0x66: {  	v21 =	vimm.f32 $+Inf;
	s30 =	sor.u32 $0x5, s0;
	v15 =	vperm.xlane v2, v4;
	v28 =	vperm.xlane v3, v4  }
0x67: {  	v4 =	vmov s30;
	v31 =	vsub.f32 v57, v25;
	v34 =	vsub.f32 v16, v17  }
0x68: {  	v35 =	vsub.f32 v18, v25;
	v40 =	vsub.f32 v8, v17;
	v10 =	vperm.xlane v0, v4  }
0x69: {  	s0 =	sor.u32 $0x7, s0;
	v43 =	vsub.f32 v20, v29;
	v11 =	vperm.xlane v2, v4;
	v26 =	vperm.xlane v3, v4  }
0x6a: {  	v4 =	vmov s0;
	v32 =	vsub.f32 v22, v25;
	v37 =	vsub.f32 v12, v17  }
0x6b: {  	v62 =	vsub.f32 v13, v25;
	v42 =	vsub.f32 v23, v29;
	v5 =	vperm.xlane v0, v4  }
0x6c: {  	v48 =	vsub.f32 v27, v29;
	v6 =	vperm.xlane v2, v4;
	v4 =	vperm.xlane v3, v4  }
0x6d: {  	v0 =	vsub.f32 v56, v17;
	v2 =	vsub.f32 v1, v17;
	v31 =	vmul.f32 v31, v31  }
0x6e: {  	v36 =	vsub.f32 v14, v17;
	v61 =	vsub.f32 v15, v25;
	v41 =	vmul.f32 v35, v35  }
0x6f: {  	v45 =	vsub.f32 v28, v29;
	v47 =	vmul.f32 v40, v40;
	v40 =	vmul.f32 v43, v43  }
0x70: {  	v38 =	vmul.f32 v32, v32;
	v63 =	vsub.f32 v10, v17;
	v39 =	vsub.f32 v11, v25  }
0x71: {  	v37 =	vmul.f32 v37, v37;
	v44 =	vmul.f32 v62, v62;
	v49 =	vsub.f32 v26, v29  }
0x72: {  	v43 =	vmul.f32 v48, v48;
	v3 =	vsub.f32 v5, v17;
	v30 =	vsub.f32 v6, v25  }
0x73: {  	v32 =	vsub.f32 v24, v29;
	v0 =	vmul.f32 v0, v0;
	v2 =	vmul.f32 v2, v2  }
0x74: {  	v33 =	vsub.f32 v4, v29;
	v3 =	vmul.f32 v3, v3;
	v30 =	vmul.f32 v30, v30  }
0x75: {  	v25 =	vsub.f32 v9, v25;
	v36 =	vmul.f32 v36, v36;
	v46 =	vmul.f32 v39, v39  }
0x76: {  	v37 =	vadd.f32 v44, v37;
	v3 =	vadd.f32 v30, v3;
	v30 =	vmul.f32 v33, v33  }
0x77: {  	v25 =	vmul.f32 v25, v25;
	v0 =	vadd.f32 v31, v0;
	v35 =	vadd.f32 v38, v2  }
0x78: {  	v38 =	vmul.f32 v42, v42;
	v42 =	vmul.f32 v49, v49;
	v3 =	vadd.f32 v30, v3  }
0x79: {  	v2 =	vimm.f32 $+Inf;
	v33 =	vmul.f32 v61, v61;
	v30 =	vmul.f32 v34, v34  }
0x7a: {  	v34 =	vmul.f32 v63, v63;
	v17 =	vmin.f32 v21, v3;
	v3 =	vsub.f32 v58, v29  }
0x7b: {  	v36 =	vadd.f32 v33, v36;
	v39 =	vadd.f32 v41, v30;
	v41 =	vmul.f32 v45, v45  }
0x7c: {  	v33 =	vadd.f32 v46, v34;
	v34 =	vadd.f32 v25, v47;
	v3 =	vmul.f32 v3, v3  }
0x7d: {  	s1 =	simm.s32 $0x10;
	v29 =	vimm.f32 $+Inf;
	v30 =	vimm.f32 $+Inf;
	v25 =	vimm.f32 $+Inf  }
0x7e: {  	s0 =	simm.s32 $0x80;
	v31 =	vld [tilespmem:s1+$0x0];
	v44 =	vadd.f32 v3, v0;
	v3 =	vimm.f32 $+Inf;
	v0 =	vimm.f32 $+Inf  }
.LBB2_3:
0x7f: {  	p0 =	sne.s32 s0, $0xFC0;
	v45 =	vld [tilespmem:s1+$0x2000];
	v35 =	vadd.f32 v38, v35;
	v38 =	vadd.f32 v40, v39;
	v32 =	vmul.f32 v32, v32  }
0x80: {  	v36 =	vadd.f32 v41, v36;
	v21 =	vmin.f32 v21, v44;
	v37 =	vadd.f32 v43, v37  }
0x81: {  	v33 =	vadd.f32 v42, v33;
	v39 =	vld [tilespmem:s1+$0x4000];
	v29 =	vmin.f32 v29, v35;
	v32 =	vadd.f32 v32, v34  }
0x82: {  	v2 =	vmin.f32 v2, v38;
	v3 =	vmin.f32 v3, v36;
	v30 =	vmin.f32 v30, v37  }
0x83: {  	v25 =	vmin.f32 v25, v33;
	v34 =	vsub.f32 v56, v31;
	v35 =	vsub.f32 v1, v31  }
0x84: {  	v33 =	vsub.f32 v5, v31;
	v0 =	vmin.f32 v0, v32;
	v36 =	vsub.f32 v6, v45  }
0x85: {  	v32 =	vsub.f32 v57, v45;
	v37 =	vsub.f32 v22, v45;
	v34 =	vmul.f32 v34, v34  }
0x86: {  	v33 =	vmul.f32 v33, v33;
	v38 =	vsub.f32 v4, v39;
	v36 =	vmul.f32 v36, v36  }
0x87: {  	v40 =	vsub.f32 v16, v31;
	v41 =	vsub.f32 v18, v45;
	v32 =	vmul.f32 v32, v32  }
0x88: {  	v42 =	vsub.f32 v14, v31;
	v33 =	vadd.f32 v36, v33;
	v36 =	vmul.f32 v38, v38  }
0x89: {  	v43 =	vsub.f32 v12, v31;
	v35 =	vmul.f32 v35, v35;
	v38 =	vsub.f32 v15, v45  }
0x8a: {  	v44 =	vsub.f32 v13, v45;
	v37 =	vmul.f32 v37, v37;
	v33 =	vadd.f32 v36, v33  }
0x8b: {  	v46 =	vsub.f32 v11, v45;
	v36 =	vmul.f32 v40, v40;
	v40 =	vsub.f32 v10, v31  }
0x8c: {  	v45 =	vsub.f32 v9, v45;
	v31 =	vsub.f32 v8, v31;
	v17 =	vmin.f32 v17, v33  }
0x8d: {  	v42 =	vmul.f32 v42, v42;
	v41 =	vmul.f32 v41, v41;
	v33 =	vsub.f32 v58, v39  }
0x8e: {  	v43 =	vmul.f32 v43, v43;
	v47 =	vsub.f32 v23, v39;
	v48 =	vmul.f32 v38, v38  }
0x8f: {  	v49 =	vsub.f32 v20, v39;
	v44 =	vmul.f32 v44, v44;
	v50 =	vmul.f32 v40, v40  }
0x90: {  	v51 =	vsub.f32 v28, v39;
	v46 =	vmul.f32 v46, v46;
	v31 =	vmul.f32 v31, v31  }
0x91: {  	v52 =	vsub.f32 v27, v39;
	v53 =	vsub.f32 v26, v39;
	v45 =	vmul.f32 v45, v45  }
.Ltmp4:
0x92: {  	v54 =	vadd.f32 v32, v34;
	v32 =	vsub.f32 v24, v39;
	v55 =	vmul.f32 v33, v33;
	(pc) =	sbr.rel @p0 .LBB2_3-.Ltmp4, $4  }
0x93: {  	v35 =	vadd.f32 v37, v35;
	v38 =	vmul.f32 v47, v47;
	v39 =	vadd.f32 v41, v36  }
0x94: {  	v37 =	vadd.f32 v44, v43;
	v40 =	vmul.f32 v49, v49;
	v36 =	vadd.f32 v48, v42  }
0x95: {  	s1 =	sshra.s32 s0, $0x2;
	v41 =	vmul.f32 v51, v51;
	v33 =	vadd.f32 v46, v50;
	v34 =	vadd.f32 v45, v31  }
0x96: {  	s0 =	sadd.s32 $0x40, s0;
	v43 =	vmul.f32 v52, v52;
	v42 =	vmul.f32 v53, v53;
	v44 =	vadd.f32 v55, v54;
	v31 =	vld [tilespmem:s1+$0x0]  }
0x97: {  	_ = 	snop  }
0x98: {  	v35 =	vadd.f32 v38, v35;
	v48 =	vadd.f32 v40, v39;
	v32 =	vmul.f32 v32, v32  }
0x99: {  	v36 =	vadd.f32 v41, v36;
	v37 =	vadd.f32 v43, v37  }
0x9a: {  	v45 =	vld [tilespmem:s1+$0x2000];
	v33 =	vadd.f32 v42, v33;
	v32 =	vadd.f32 v32, v34  }
0x9b: {  	v39 =	vld [tilespmem:s1+$0x4000];
	v21 =	vmin.f32 v21, v44;
	v49 =	vsub.f32 v56, v31;
	v50 =	vsub.f32 v1, v31  }
0x9c: {  	v29 =	vmin.f32 v29, v35;
	v51 =	vsub.f32 v5, v31;
	v59 =	vsub.f32 v16, v31  }
0x9d: {  	v2 =	vmin.f32 v2, v48;
	v61 =	vsub.f32 v14, v31;
	v63 =	vsub.f32 v12, v31  }
0x9e: {  	v3 =	vmin.f32 v3, v36;
	v46 =	vsub.f32 v10, v31;
	v31 =	vsub.f32 v8, v31  }
0x9f: {  	v30 =	vmin.f32 v30, v37;
	v52 =	vsub.f32 v6, v45;
	v53 =	vsub.f32 v57, v45  }
0xa0: {  	v25 =	vmin.f32 v25, v33;
	v54 =	vsub.f32 v22, v45;
	v55 =	vsub.f32 v4, v39  }
0xa1: {  	v0 =	vmin.f32 v0, v32;
	v60 =	vsub.f32 v18, v45;
	v62 =	vsub.f32 v15, v45  }
0xa2: {  	v7 =	vsub.f32 v13, v45;
	v33 =	vmul.f32 v51, v51;
	v34 =	vmul.f32 v49, v49  }
0xa3: {  	v47 =	vsub.f32 v11, v45;
	v35 =	vmul.f32 v50, v50;
	v40 =	vmul.f32 v59, v59  }
0xa4: {  	v45 =	vsub.f32 v9, v45;
	v42 =	vmul.f32 v61, v61;
	v43 =	vmul.f32 v63, v63  }
0xa5: {  	v48 =	vsub.f32 v58, v39;
	v46 =	vmul.f32 v46, v46;
	v31 =	vmul.f32 v31, v31  }
0xa6: {  	v49 =	vsub.f32 v23, v39;
	v36 =	vmul.f32 v52, v52;
	v32 =	vmul.f32 v53, v53  }
0xa7: {  	v50 =	vsub.f32 v20, v39;
	v37 =	vmul.f32 v54, v54;
	v41 =	vmul.f32 v60, v60  }
0xa8: {  	v51 =	vsub.f32 v28, v39;
	v38 =	vmul.f32 v62, v62;
	v44 =	vmul.f32 v7, v7  }
0xa9: {  	v47 =	vmul.f32 v47, v47;
	v52 =	vsub.f32 v27, v39;
	v53 =	vsub.f32 v26, v39  }
0xaa: {  	v45 =	vmul.f32 v45, v45;
	v48 =	vmul.f32 v48, v48;
	v39 =	vsub.f32 v24, v39  }
0xab: {  	v49 =	vmul.f32 v49, v49;
	v33 =	vadd.f32 v36, v33;
	v32 =	vadd.f32 v32, v34  }
0xac: {  	v54 =	vmul.f32 v50, v50;
	v35 =	vadd.f32 v37, v35;
	v40 =	vadd.f32 v41, v40  }
0xad: {  	v36 =	vmul.f32 v55, v55;
	v38 =	vadd.f32 v38, v42;
	v55 =	vadd.f32 v44, v43  }
0xae: {  	v60 =	vmul.f32 v51, v51;
	v59 =	vadd.f32 v47, v46;
	v32 =	vadd.f32 v48, v32  }
0xaf: {  	v31 =	vadd.f32 v45, v31;
	v61 =	vmul.f32 v52, v52;
	v35 =	vadd.f32 v49, v35  }
0xb0: {  	v62 =	vmul.f32 v53, v53;
	v63 =	vadd.f32 v54, v40;
	v21 =	vmin.f32 v21, v32  }
0xb1: {  	v7 =	vadd.f32 v60, v38;
	v29 =	vmin.f32 v29, v35;
	(xrf1) =	vsort.ascd.msk.f32 $0xffff, v21, v21  }
0xb2: {  	v39 =	vmul.f32 v39, v39;
	v2 =	vmin.f32 v2, v63;
	(xrf1) =	vsort.ascd.msk.f32 $0xffff, v29, v29  }
0xb3: {  	s0 =	simm.s32 $0x4010;
	v3 =	vmin.f32 v3, v7;
	v21 =	vadd.f32 v61, v55;
	(xrf1) =	vsort.ascd.msk.f32 $0xffff, v2, v2  }
0xb4: {  	v29 =	vadd.f32 v62, v59;
	(xrf1) =	vsort.ascd.msk.f32 $0xffff, v3, v3;
	v3 =	vld [tilespmem:s0+$0xFFFFFFF0]  }
0xb5: {  	v2 =	vadd.f32 v39, v31;
	v21 =	vmin.f32 v30, v21  }
0xb6: {  	v25 =	vmin.f32 v25, v29;
	(xrf1) =	vsort.ascd.msk.f32 $0xffff, v21, v21  }
0xb7: {  	v30 =	vadd.f32 v36, v33;
	v0 =	vmin.f32 v0, v2;
	(xrf1) =	vsort.ascd.msk.f32 $0xffff, v25, v25  }
0xb8: {  	(xrf1) =	vsort.ascd.msk.f32 $0xffff, v0, v0;
	v0 =	vld [tilespmem:s0+$0x0]  }
0xb9: {  	v2 =	vmin.f32 v17, v30;
	v17 =	vsub.f32 v58, v3  }
0xba: {  	s15 =	simm.s32 $0x2010;
	v40 =	vsub.f32 v23, v3;
	v42 =	vsub.f32 v20, v3  }
0xbb: {  	v41 =	vld [tilespmem:s15+$0xFFFFFFF0];
	v21 =	vsub.f32 v28, v3;
	v31 =	vsub.f32 v27, v3  }
0xbc: {  	v25 =	vsub.f32 v26, v3;
	v29 =	vsub.f32 v24, v3  }
0xbd: {  	(xrf1) =	vsort.ascd.msk.f32 $0xffff, v2, v2;
	v2 =	vsub.f32 v4, v3;
	v3 =	vsub.f32 v58, v0  }
0xbe: {  	s2 =	simm.s32 $0x10  }
0xbf: {  	v30 =	vld [tilespmem:s2+$0xFFFFFFF0];
	[tilespmem:$0x1FB20] =	vst v3;
	v3 =	vsub.f32 v23, v0  }
0xc0: {  	v50 =	vsub.f32 v57, v41  }
0xc1: {  	v52 =	vsub.f32 v22, v41;
	[tilespmem:$0x1FB30] =	vst v3;
	v3 =	vsub.f32 v20, v0  }
0xc2: {  	v54 =	vsub.f32 v18, v41;
	v59 =	vsub.f32 v13, v41  }
0xc3: {  	v62 =	vsub.f32 v11, v41;
	[tilespmem:$0x1FB60] =	vst v3;
	v3 =	vsub.f32 v28, v0  }
0xc4: {  	v37 =	vmovc v56;
	v50 =	vmul.f32 v50, v50;
	v52 =	vmul.f32 v52, v52;
	v49 =	vsub.f32 v56, v30  }
0xc5: {  	v54 =	vmul.f32 v54, v54;
	v51 =	vsub.f32 v1, v30;
	[tilespmem:$0x1FB90] =	vst v3;
	v3 =	vsub.f32 v27, v0  }
0xc6: {  	v7 =	vmovc v57;
	v59 =	vmul.f32 v59, v59;
	v53 =	vsub.f32 v16, v30;
	v55 =	vsub.f32 v14, v30  }
0xc7: {  	v62 =	vmul.f32 v62, v62;
	v56 =	vsub.f32 v15, v41;
	v38, _, _ =	vpop (xrf1);
	[tilespmem:$0x1FBB0] =	vst v3;
	v3 =	vsub.f32 v26, v0  }
0xc8: {  	v57 =	vsub.f32 v12, v30;
	v2 =	vmul.f32 v2, v2;
	v49 =	vmul.f32 v49, v49;
	v39, _, _ =	vpop (xrf1)  }
0xc9: {  	v51 =	vmul.f32 v51, v51;
	v43, _, _ =	vpop (xrf1);
	[tilespmem:$0x1FBE0] =	vst v3;
	v3 =	vsub.f32 v24, v0;
	v0 =	vsub.f32 v4, v0  }
0xca: {  	[tilespmem:$0x1FC10] =	vst v58;
	v63 =	vsub.f32 v8, v30;
	v53 =	vmul.f32 v53, v53;
	v55 =	vmul.f32 v55, v55;
	v44, _, _ =	vpop (xrf1)  }
0xcb: {  	v56 =	vmul.f32 v56, v56;
	v45, _, _ =	vpop (xrf1);
	[tilespmem:$0x1FC00] =	vst v0;
	v0 =	vbroadcast v43, $0x7  }
0xcc: {  	v57 =	vmul.f32 v57, v57;
	v63 =	vmul.f32 v63, v63;
	v46, _, _ =	vpop (xrf1);
	[tilespmem:$0x1FBF0] =	vst v3  }
0xcd: {  	v60 =	vsub.f32 v10, v30;
	v32 =	vbroadcast v38, $0x7;
	v33 =	vbroadcast v39, $0x7;
	v47, _, _ =	vpop (xrf1);
	[tilespmem:$0x1FD80] =	vst v0  }
0xce: {  	v49 =	vadd.f32 v50, v49;
	v34 =	vbroadcast v44, $0x7;
	v35 =	vbroadcast v45, $0x7;
	v48, _, _ =	vpop (xrf1);
	v58 =	vld [tilespmem:s2+$0x0]  }
0xcf: {  	v50 =	vadd.f32 v52, v51;
	v39 =	vbroadcast v48, $0x7;
	v3 =	vmul.f32 v17, v17;
	v61 =	vld [tilespmem:s15+$0x0]  }
0xd0: {  	v59 =	vadd.f32 v59, v57;
	v48 =	vmul.f32 v31, v31;
	v17 =	vmul.f32 v42, v42  }
0xd1: {  	v52 =	vadd.f32 v56, v55;
	v36 =	vbroadcast v46, $0x7;
	[tilespmem:$0x1FB40] =	vst v3;
	v3 =	vmul.f32 v40, v40  }
0xd2: {  	v38 =	vbroadcast v47, $0x7;
	v48 =	vadd.f32 v48, v59;
	v43 =	vsub.f32 v5, v30;
	[tilespmem:$0x1FB70] =	vst v17  }
0xd3: {  	v0 =	vsub.f32 v9, v41;
	v17 =	vmul.f32 v21, v21;
	[tilespmem:$0x1FB50] =	vst v3;
	v3 =	vsub.f32 v6, v41  }
0xd4: {  	v46 =	vmul.f32 v43, v43;
	v44 =	vsub.f32 v37, v58;
	v42 =	vsub.f32 v7, v61  }
0xd5: {  	[tilespmem:$0x1FB80] =	vst v17;
	v17 =	vmul.f32 v25, v25;
	v40 =	vsub.f32 v1, v58;
	v31 =	vsub.f32 v22, v61  }
0xd6: {  	v47 =	vmul.f32 v0, v0;
	v41 =	vsub.f32 v16, v58;
	v21 =	vsub.f32 v18, v61  }
0xd7: {  	[tilespmem:$0x1FBA0] =	vst v17;
	v17 =	vmul.f32 v29, v29;
	v30 =	vsub.f32 v14, v58;
	v29 =	vsub.f32 v15, v61  }
0xd8: {  	v45 =	vmul.f32 v3, v3;
	v25 =	vsub.f32 v12, v58;
	v0 =	vsub.f32 v13, v61  }
0xd9: {  	[tilespmem:$0x1FBD0] =	vst v2;
	v2 =	vsub.f32 v10, v58;
	v3 =	vsub.f32 v11, v61;
	v43 =	vmul.f32 v42, v42  }
0xda: {  	[tilespmem:$0x1FBC0] =	vst v17;
	v17 =	vsub.f32 v8, v58;
	v42 =	vmul.f32 v40, v40;
	v40 =	vmul.f32 v31, v31  }
0xdb: {  	v55 =	vld [tilespmem:$0x1FB90];
	v58 =	vsub.f32 v5, v58;
	v31 =	vmul.f32 v21, v21;
	v30 =	vmul.f32 v30, v30  }
0xdc: {  	v59 =	vld [tilespmem:$0x1FBD0];
	v45 =	vadd.f32 v45, v46;
	v29 =	vmul.f32 v29, v29;
	v25 =	vmul.f32 v25, v25  }
0xdd: {  	v56 =	vld [tilespmem:$0x1FBA0];
	v21 =	vsub.f32 v9, v61;
	v0 =	vmul.f32 v0, v0;
	v2 =	vmul.f32 v2, v2  }
0xde: {  	v46 =	vld [tilespmem:$0x1FB50];
	v61 =	vsub.f32 v6, v61;
	v3 =	vmul.f32 v3, v3;
	v17 =	vmul.f32 v17, v17  }
0xdf: {  	v47 =	vadd.f32 v47, v63;
	v63 =	vmul.f32 v58, v58;
	v58 =	vld [tilespmem:$0x1FBC0];
	v21 =	vmul.f32 v21, v21  }
0xe0: {  	v29 =	vadd.f32 v29, v30;
	v30 =	vmul.f32 v61, v61;
	v0 =	vadd.f32 v0, v25;
	v25 =	vld [tilespmem:$0x1FB20]  }
0xe1: {  	v41 =	vmul.f32 v41, v41;
	v2 =	vadd.f32 v3, v2;
	v3 =	vadd.f32 v21, v17;
	v17 =	vld [tilespmem:$0x1FB30]  }
0xe2: {  	v60 =	vmul.f32 v60, v60;
	v51 =	vadd.f32 v54, v53;
	v21 =	vadd.f32 v30, v63;
	v30 =	vld [tilespmem:$0x1FB40]  }
0xe3: {  	v44 =	vmul.f32 v44, v44;
	v31 =	vadd.f32 v31, v41;
	v41 =	vadd.f32 v46, v50;
	v50 =	vld [tilespmem:$0x1FB70]  }
0xe4: {  	v62 =	vadd.f32 v62, v60;
	v45 =	vadd.f32 v59, v45;
	v61 =	vld [tilespmem:$0x1FBF0]  }
0xe5: {  	v53 =	vimm.s32 $0x0;
	v57 =	vld [tilespmem:$0x1FBB0];
	v43 =	vadd.f32 v43, v44;
	v40 =	vadd.f32 v40, v42  }
0xe6: {  	v60 =	vld [tilespmem:$0x1FBE0];
	vm5 =	vle.f32 v45, v39;
	v47 =	vadd.f32 v58, v47;
	v25 =	vmul.f32 v25, v25  }
0xe7: {  	vm0 =	vle.f32 v41, v33;
	v17 =	vmul.f32 v17, v17;
	v30 =	vadd.f32 v30, v49;
	v49 =	vld [tilespmem:$0x1FB60]  }
0xe8: {  	v63 =	vmpcnt.ones.xlane vm0;
	v44 =	vadd.f32 v50, v51;
	v51 =	vld [tilespmem:$0x1FB80];
	v25 =	vadd.f32 v25, v43  }
0xe9: {  	v50 =	vadd.f32 v56, v62;
	v17 =	vadd.f32 v17, v40;
	v40 =	vmul.f32 v61, v61  }
0xea: {  	vm6 =	vle.f32 v47, v38;
	vm4 =	vle.f32 v30, v32;
	vm9 =	vle.f32 v25, v32  }
0xeb: {  	v62 =	vld [tilespmem:$0x1FC00];
	vm7 =	vle.f32 v50, v36;
	v3 =	vadd.f32 v40, v3;
	vm2 =	vle.f32 v17, v33  }
0xec: {  	v30 =	vld [tilespmem:$0x1FD80];
	v17 =	vimm.s32 $0x0;
	v42 =	vmul.f32 v49, v49;
	v49 =	vmul.f32 v55, v55  }
0xed: {  	v46 =	vadd.f32 v51, v52;
	v51 =	vmul.f32 v57, v57;
	v52 =	vmul.f32 v60, v60  }
0xee: {  	v17 =	vsel vm9, $0xFFFFFFFF, v17;
	v25 =	vmpcnt.ones.xlane vm2;
	vm3 =	vmmov vm2  }
0xef: {  	[tilespmem:$0x1FDA0] =	vst v17;
	v17 =	vimm.s32 $0x0;
	vm14 =	vle.f32 v3, v38;
	v31 =	vadd.f32 v42, v31  }
0xf0: {  	v29 =	vadd.f32 v49, v29;
	v42 =	vmul.f32 v62, v62;
	v0 =	vadd.f32 v51, v0  }
0xf1: {  	v2 =	vadd.f32 v52, v2;
	vm1 =	vle.f32 v44, v30;
	v17 =	vsel vm2, $0xFFFFFFFF, v17  }
0xf2: {  	vm10 =	vle.f32 v46, v34;
	vm2 =	vle.f32 v48, v35;
	v46 =	vadd.s32 v53, v63  }
0xf3: {  	v51 =	vmpcnt.ones.xlane vm5;
	v52 =	vsel vm4, $0x1, v19;
	v48 =	vmpcnt.ones.xlane vm10  }
0xf4: {  	v49 =	vmpcnt.ones.xlane vm2;
	v21 =	vadd.f32 v42, v21;
	vm12 =	vle.f32 v31, v30  }
0xf5: {  	vm13 =	vle.f32 v29, v34;
	vm8 =	vle.f32 v0, v35;
	v0 =	vmpcnt.ones.xlane vm9  }
0xf6: {  	v31 =	vmpcnt.ones.xlane vm14;
	vm15 =	vle.f32 v21, v39;
	v21 =	vmpcnt.ones.xlane vm4  }
0xf7: {  	[tilespmem:$0x1FD90] =	vst v34;
	vm11 =	vle.f32 v2, v36;
	v34 =	vmpcnt.ones.xlane vm1;
	v2 =	vmpcnt.ones.xlane vm12  }
0xf8: {  	[tilespmem:$0x1FDB0] =	vst v17;
	v29 =	vmpcnt.ones.xlane vm13;
	v3 =	vmpcnt.ones.xlane vm8;
	v54 =	vadd.s32 v53, v21  }
0xf9: {  	(xrf0) =	vadd.scan.msk.s32 $0xffff, v52;
	v58 =	vadd.s32 v53, v48;
	v57 =	vadd.s32 v53, v34;
	v0 =	vadd.s32 v54, v0  }
0xfa: {  	v34 =	vadd.s32 v53, v49;
	v17 =	vmpcnt.ones.xlane vm15;
	[tilespmem:$0x1FDF0] =	vst v0;
	v0 =	vadd.s32 v46, v25  }
0xfb: {  	v43 =	vadd.s32 v57, v2;
	v2 =	vadd.s32 v58, v29;
	[tilespmem:$0x1FE30] =	vst v0;
	v0 =	vsel vm0, $0x1, v19  }
0xfc: {  	v21 =	vmpcnt.ones.xlane vm6;
	[tilespmem:$0x1FDE0] =	vst v2;
	v25 =	vsel vm1, $0x1, v19;
	(xrf0) =	vadd.scan.msk.s32 $0xffff, v0  }
0xfd: {  	v2 =	vadd.s32 v34, v3;
	[tilespmem:$0x1FC70] =	vst v17;
	v0 =	vsel vm10, $0x1, v19;
	(xrf0) =	vadd.scan.msk.s32 $0xffff, v25  }
0xfe: {  	s30 =	simm.s32 $0x4030;
	v3 =	vsel vm2, $0x1, v19;
	[tilespmem:$0x1FD70] =	vst v2;
	v2 =	vadd.s32 v53, v51;
	(xrf0) =	vadd.scan.msk.s32 $0xffff, v0  }
0xff: {  	s4 =	simm.s32 $0x30;
	v41 =	vadd.s32 v53, v21;
	v17 =	vld [tilespmem:s30+$0xFFFFFFF0];
	v25 =	vsel vm6, $0x1, v19;
	v0 =	vsel vm7, $0x1, v19;
	(xrf0) =	vadd.scan.msk.s32 $0xffff, v3  }
0x100: {  	s29 =	simm.s32 $0x2030;
	v3 =	vld [tilespmem:s4+$0xFFFFFFF0];
	[tilespmem:$0x1FC80] =	vst v2;
	(xrf0) =	vadd.scan.msk.s32 $0xffff, v0;
	v0 =	vadd.s32 v41, v31  }
0x101: {  	v29, _, _ =	vpop (xrf0);
	v59 =	vld [tilespmem:s29+$0xFFFFFFF0];
	[tilespmem:$0x1FD20] =	vst v0;
	v0 =	vsel vm5, $0x1, v19;
	(xrf0) =	vadd.scan.msk.s32 $0xffff, v25  }
0x102: {  	v25, _, _ =	vpop (xrf0);
	(xrf0) =	vadd.scan.msk.s32 $0xffff, v0;
	v0 =	vadd.s32 v29, v53  }
0x103: {  	[tilespmem:$0x1FC90] =	vst v0;
	v0 =	vadd.s32 v25, v53;
	_ =	sdelay $0x1  }
0x104: {  	v42 =	vld [tilespmem:$0x1FC10]  }
0x105: {  	[tilespmem:$0x1FCA0] =	vst v0;
	v0, _, _ =	vpop (xrf0)  }
0x106: {  	v50 =	vmpcnt.ones.xlane vm7;
	v0 =	vadd.s32 v0, v53;
	_ =	sdelay $0x1  }
0x107: {  	v45 =	vadd.s32 v53, v50;
	v55 =	vsel vm3, $0x1, v19;
	v30 =	vmpcnt.ones.xlane vm11  }
0x108: {  	v56 =	vsel vm12, $0x1, v19;
	v47 =	vsel vm13, $0x1, v19;
	v2 =	vsub.f32 v42, v17;
	[tilespmem:$0x1FCB0] =	vst v0;
	v0, _, _ =	vpop (xrf0)  }
0x109: {  	v62 =	vsub.f32 v37, v3;
	v49 =	vsub.f32 v16, v3;
	v0 =	vadd.s32 v0, v53  }
0x10a: {  	v61 =	vsel vm8, $0x1, v19;
	v60 =	vsub.f32 v14, v3;
	v29 =	vsub.f32 v10, v3  }
0x10b: {  	v44 =	vadd.s32 v45, v30;
	v51 =	vsub.f32 v8, v3;
	v50 =	vsub.f32 v5, v3  }
0x10c: {  	v31 =	vsel vm9, $0x1, v19;
	v63 =	vsub.f32 v7, v59;
	v30 =	vsub.f32 v18, v59;
	[tilespmem:$0x1FCC0] =	vst v0;
	v0, _, _ =	vpop (xrf0)  }
0x10d: {  	[tilespmem:$0x1FC60] =	vst v2;
	v48 =	vsub.f32 v15, v59;
	v62 =	vmul.f32 v62, v62;
	v0 =	vadd.s32 v0, v53  }
0x10e: {  	v25 =	vsub.f32 v13, v59;
	(xrf0) =	vadd.scan.msk.s32 $0xffff, v31;
	v49 =	vmul.f32 v49, v49;
	v60 =	vmul.f32 v60, v60  }
0x10f: {  	v31 =	vsub.f32 v22, v59;
	v29 =	vmul.f32 v29, v29;
	v51 =	vmul.f32 v51, v51;
	(xrf0) =	vadd.scan.msk.s32 $0xffff, v55  }
0x110: {  	v63 =	vmul.f32 v63, v63;
	v30 =	vmul.f32 v30, v30;
	(xrf0) =	vadd.scan.msk.s32 $0xffff, v56;
	[tilespmem:$0x1FCD0] =	vst v0;
	v0, _, _ =	vpop (xrf0)  }
0x111: {  	v48 =	vmul.f32 v48, v48;
	v55 =	vsub.f32 v12, v3;
	(xrf0) =	vadd.scan.msk.s32 $0xffff, v47;
	v0 =	vadd.s32 v0, v53  }
0x112: {  	v25 =	vmul.f32 v25, v25;
	v31 =	vmul.f32 v31, v31;
	v56 =	vsub.f32 v1, v3;
	v40, _, _ =	vpop (xrf0);
	[tilespmem:$0x1FCE0] =	vst v0  }
0x113: {  	v62 =	vadd.f32 v63, v62;
	v55 =	vmul.f32 v55, v55;
	v0 =	vadd.s32 v40, v53;
	v47, _, _ =	vpop (xrf0);
	v2 =	vld [tilespmem:s4+$0x0]  }
0x114: {  	v52 =	vadd.f32 v30, v49;
	v56 =	vmul.f32 v56, v56;
	[tilespmem:$0x1FCF0] =	vst v0;
	v21 =	vadd.s32 v47, v53;
	v40, _, _ =	vpop (xrf0)  }
0x115: {  	v48 =	vadd.f32 v48, v60;
	v25 =	vadd.f32 v25, v55;
	v0 =	vld [tilespmem:s29+$0x0];
	[tilespmem:$0x1FD00] =	vst v21;
	v21 =	vadd.s32 v40, v54;
	v47, _, _ =	vpop (xrf0)  }
0x116: {  	v31 =	vadd.f32 v31, v56;
	[tilespmem:$0x1FD30] =	vst v21;
	v21 =	vsub.f32 v11, v59;
	v54 =	vadd.s32 v47, v46;
	v40, _, _ =	vpop (xrf0)  }
0x117: {  	v46 =	vsub.f32 v9, v59;
	v59 =	vsub.f32 v6, v59;
	v3 =	vadd.s32 v40, v57;
	v40, _, _ =	vpop (xrf0)  }
0x118: {  	[tilespmem:$0x1FC20] =	vst v37;
	v47 =	vsub.f32 v37, v2;
	v37 =	vadd.s32 v40, v58;
	v58 =	vsub.f32 v1, v2  }
0x119: {  	v50 =	vmul.f32 v50, v50;
	v40 =	vsub.f32 v16, v2;
	v49 =	vsub.f32 v14, v2  }
0x11a: {  	[tilespmem:$0x1FD50] =	vst v3;
	v21 =	vmul.f32 v21, v21;
	v57 =	vsub.f32 v7, v0;
	v3 =	vsub.f32 v22, v0  }
0x11b: {  	[tilespmem:$0x1FC30] =	vst v7;
	v46 =	vmul.f32 v46, v46;
	v56 =	vsub.f32 v18, v0;
	v7 =	vsub.f32 v15, v0  }
0x11c: {  	v59 =	vmul.f32 v59, v59;
	v21 =	vadd.f32 v21, v29;
	v29 =	vsub.f32 v12, v2  }
0x11d: {  	v63 =	vsel vm11, $0x1, v19;
	(xrf0) =	vadd.scan.msk.s32 $0xffff, v61;
	v46 =	vadd.f32 v46, v51;
	v51 =	vsub.f32 v13, v0  }
0x11e: {  	v50 =	vadd.f32 v59, v50;
	v47 =	vmul.f32 v47, v47;
	v58 =	vmul.f32 v58, v58  }
0x11f: {  	v59 =	vsub.f32 v10, v2;
	v40 =	vmul.f32 v40, v40;
	v49 =	vmul.f32 v49, v49  }
0x120: {  	[tilespmem:$0x1FC50] =	vst v13;
	v13 =	vsub.f32 v11, v0;
	v57 =	vmul.f32 v57, v57;
	v3 =	vmul.f32 v3, v3  }
0x121: {  	v56 =	vmul.f32 v56, v56;
	v55 =	vmul.f32 v7, v7;
	v7 =	vsub.f32 v9, v0  }
0x122: {  	v29 =	vmul.f32 v29, v29;
	v51 =	vmul.f32 v51, v51;
	v0 =	vsub.f32 v6, v0  }
0x123: {  	[tilespmem:$0x1FC40] =	vst v12;
	v12, _, _ =	vpop (xrf0);
	v59 =	vmul.f32 v59, v59;
	v47 =	vadd.f32 v57, v47;
	v30 =	vadd.f32 v3, v58  }
0x124: {  	v57 =	vadd.s32 v12, v34;
	v34 =	vsub.f32 v8, v2;
	v40 =	vadd.f32 v56, v40  }
0x125: {  	v49 =	vadd.f32 v55, v49;
	v2 =	vsub.f32 v5, v2;
	v58 =	vmul.f32 v13, v13;
	v3 =	vld [tilespmem:$0x1FC60]  }
0x126: {  	v55 =	vmul.f32 v7, v7;
	v12 =	vsub.f32 v23, v17;
	v61 =	vmul.f32 v34, v34  }
0x127: {  	[tilespmem:$0x1FD40] =	vst v54;
	v29 =	vadd.f32 v51, v29;
	v0 =	vmul.f32 v0, v0;
	v13 =	vsub.f32 v20, v17  }
0x128: {  	v2 =	vmul.f32 v2, v2;
	v51 =	vmul.f32 v12, v12;
	v55 =	vadd.f32 v55, v61;
	v61 =	vld [tilespmem:s30+$0x0]  }
0x129: {  	v58 =	vadd.f32 v58, v59;
	v59 =	vmul.f32 v13, v13;
	v12 =	vsub.f32 v27, v17  }
0x12a: {  	v13 =	vsub.f32 v26, v17;
	v31 =	vadd.f32 v51, v31;
	v34 =	vmul.f32 v3, v3  }
0x12b: {  	(xrf0) =	vadd.scan.msk.s32 $0xffff, v63;
	v3 =	vadd.f32 v0, v2;
	v2 =	vsub.f32 v28, v17  }
0x12c: {  	v62 =	vadd.f32 v34, v62;
	v34 =	vsub.f32 v24, v17  }
0x12d: {  	v60 =	vsel vm14, $0x1, v19;
	v17 =	vsub.f32 v4, v17;
	v0 =	vsub.f32 v27, v61  }
0x12e: {  	v63 =	vmul.f32 v12, v12;
	v51 =	vmul.f32 v13, v13;
	v13 =	vsub.f32 v28, v61  }
0x12f: {  	(xrf0) =	vadd.scan.msk.s32 $0xffff, v60;
	v56 =	vsel vm15, $0x1, v19;
	v17 =	vmul.f32 v17, v17;
	v0 =	vmul.f32 v0, v0  }
0x130: {  	(xrf0) =	vadd.scan.msk.s32 $0xffff, v56;
	v54 =	vadd.f32 v63, v25;
	v25 =	vadd.f32 v51, v21;
	v56 =	vmul.f32 v13, v13;
	v13 =	vld [tilespmem:$0x1FC80]  }
0x131: {  	v7, _, _ =	vpop (xrf0);
	v21 =	vadd.f32 v17, v50;
	v17 =	vadd.f32 v0, v29;
	v0 =	vld [tilespmem:$0x1FC70]  }
0x132: {  	v60 =	vadd.s32 v7, v45;
	v7 =	vsub.f32 v23, v61;
	_ =	sdelay $0x1  }
0x133: {  	v12 =	vsub.f32 v20, v61;
	v63 =	vmul.f32 v7, v7;
	v7 =	vsub.f32 v24, v61;
	_ =	sdelay $0x1  }
0x134: {  	v51 =	vmul.f32 v12, v12;
	v12 =	vmul.f32 v7, v7;
	v7 =	vadd.s32 v13, v0;
	v0 =	vld [tilespmem:$0x1FC90];
	_ =	sdelay $0x4  }
0x135: {  	v45 =	vadd.s32 $0xFFFFFFFF, v0;
	v0 =	vld [tilespmem:$0x1FCA0]  }
0x136: {  	v2 =	vmul.f32 v2, v2;
	v42 =	vsub.f32 v42, v61;
	_ =	sdelay $0x1  }
0x137: {  	v53 =	vadd.f32 v2, v48;
	v48 =	vmul.f32 v42, v42  }
0x138: {  	vm3 =	vmmov vm11  }
0x139: {  	v48 =	vadd.f32 v48, v47;
	v47 =	vadd.s32 $0xFFFFFFFF, v0;
	v0 =	vimm.s32 $0x0  }
0x13a: {  	v0 =	vsel vm3, $0xFFFFFFFF, v0  }
0x13b: {  	vm3 =	vmmov vm14;
	[tilespmem:$0x1FE20] =	vst v0;
	v0 =	vimm.s32 $0x0  }
0x13c: {  	v0 =	vsel vm3, $0xFFFFFFFF, v0  }
0x13d: {  	[tilespmem:$0x1FE40] =	vst v0;
	v0 =	vld [tilespmem:$0x1FCB0];
	_ =	sdelay $0x2  }
0x13e: {  	v42 =	vsub.f32 v26, v61  }
0x13f: {  	v40 =	vadd.f32 v51, v40;
	v51 =	vadd.f32 v12, v55  }
0x140: {  	vm3 =	vmmov vm15;
	v12 =	vadd.s32 $0xFFFFFFFF, v0;
	v0 =	vimm.s32 $0x0  }
0x141: {  	v0 =	vsel vm3, $0xFFFFFFFF, v0  }
0x142: {  	v50 =	vmul.f32 v42, v42;
	v42 =	vsub.f32 v4, v61;
	[tilespmem:$0x1FE60] =	vst v0;
	v0 =	vld [tilespmem:$0x1FCC0]  }
0x143: {  	v52 =	vadd.f32 v59, v52;
	v59 =	vmul.f32 v34, v34  }
0x144: {  	v55 =	vmul.f32 v42, v42  }
0x145: {  	s31 =	simm.s32 $0x0;
	v46 =	vadd.f32 v59, v46;
	v34, _, _ =	vpop (xrf0);
	v42 =	vlaneseq.u32  }
0x146: {  	v59 =	vadd.s32 v34, v41;
	v34, _, _ =	vpop (xrf0);
	v3 =	vadd.f32 v55, v3;
	v55 =	vor.u32 s31, v42  }
0x147: {  	v29 =	vadd.f32 v50, v58;
	v50 =	vadd.s32 v34, v13;
	v13 =	vadd.s32 $0xFFFFFFFF, v0;
	v0 =	vld [tilespmem:$0x1FCD0];
	[tilespmem:v45+s17+$0x0] =	vst.idx.msk vm4, v55  }
0x148: {  	v2 =	vld [tilespmem:$0x1FCE0];
	_ =	sdelay $0x3  }
0x149: {  	[tilespmem:v47+s18+$0x0] =	vst.idx.msk vm0, v55  }
0x14a: {  	v49 =	vadd.f32 v56, v49;
	v56 =	vadd.s32 $0xFFFFFFFF, v2;
	v2 =	vld [tilespmem:$0x1FCF0];
	_ =	sdelay $0x3  }
0x14b: {  	vm9 =	vmmov vm12;
	vm12 =	vmmov vm13  }
0x14c: {  	vm13 =	vmmov vm8;
	vm8 =	vle.f32 v31, v33;
	v31 =	vadd.s32 $0xFFFFFFFF, v2;
	v2 =	vld [tilespmem:$0x1FD00];
	_ =	sdelay $0x2  }
0x14d: {  	[tilespmem:$0x1FD10] =	vst v32  }
0x14e: {  	vm15 =	vle.f32 v62, v32;
	vm0 =	vle.f32 v48, v32;
	v32 =	vld [tilespmem:$0x1FD20];
	[tilespmem:v12+s19+$0x0] =	vst.idx.msk vm1, v55  }
0x14f: {  	v41 =	vadd.s32 $0xFFFFFFFF, v2;
	v2 =	vld [tilespmem:$0x1FD30];
	_ =	sdelay $0x4  }
0x150: {  	v48 =	vadd.s32 $0xFFFFFFFF, v2;
	v2 =	vld [tilespmem:$0x1FD40]  }
0x151: {  	v0 =	vadd.s32 $0xFFFFFFFF, v0;
	_ =	sdelay $0x3  }
0x152: {  	v30 =	vadd.f32 v63, v30;
	v45 =	vadd.s32 $0xFFFFFFFF, v2;
	v2 =	vld [tilespmem:$0x1FD50];
	[tilespmem:v13+s20+$0x0] =	vst.idx.msk vm10, v55  }
0x153: {  	[tilespmem:v0+s21+$0x0] =	vst.idx.msk vm2, v55  }
0x154: {  	vm1 =	vle.f32 v30, v33;
	[tilespmem:$0x1FD60] =	vst v33;
	v33 =	vld [tilespmem:$0x1FD70]  }
0x155: {  	v47 =	vld [tilespmem:$0x1FD80];
	[tilespmem:v56+s22+$0x0] =	vst.idx.msk vm7, v55  }
0x156: {  	v63 =	vadd.s32 $0xFFFFFFFF, v37;
	v37 =	vld [tilespmem:$0x1FD90];
	_ =	sdelay $0x4  }
0x157: {  	v30 =	vimm.s32 $0x0;
	vm2 =	vle.f32 v49, v37  }
0x158: {  	v30 =	vsel vm2, $0xFFFFFFFF, v30  }
0x159: {  	[tilespmem:$0x1FE90] =	vst v30  }
0x15a: {  	[tilespmem:v31+s23+$0x0] =	vst.idx.msk vm6, v55  }
0x15b: {  	[tilespmem:v41+s24+$0x0] =	vst.idx.msk vm5, v55  }
0x15c: {  	v41 =	vld [tilespmem:$0x1FDA0];
	_ =	sdelay $0x4  }
0x15d: {  	vm6 =	vle.f32 v29, v36;
	v29 =	vmpcnt.ones.xlane vm2;
	vm2 =	vnez.u8 v41;
	_ =	sdelay $0x4  }
0x15e: {  	v62 =	vor.u32 s2, v42  }
0x15f: {  	[tilespmem:v48+s17+$0x0] =	vst.idx.msk vm2, v62  }
0x160: {  	vm2 =	vle.f32 v3, v39;
	v3 =	vld [tilespmem:$0x1FDB0];
	_ =	sdelay $0x4  }
0x161: {  	vm10 =	vnez.u8 v3;
	_ =	sdelay $0x1  }
0x162: {  	v2 =	vadd.s32 $0xFFFFFFFF, v2;
	_ =	sdelay $0x3  }
0x163: {  	v57 =	vadd.s32 $0xFFFFFFFF, v57;
	[tilespmem:v45+s18+$0x0] =	vst.idx.msk vm10, v62  }
0x164: {  	[tilespmem:v2+s19+$0x0] =	vst.idx.msk vm9, v62  }
0x165: {  	[tilespmem:v63+s20+$0x0] =	vst.idx.msk vm12, v62  }
0x166: {  	[tilespmem:$0x1FDC0] =	vst v35  }
0x167: {  	[tilespmem:$0x1FDD0] =	vst v36  }
0x168: {  	vm12 =	vle.f32 v25, v36;
	v36 =	vld [tilespmem:$0x1FDE0];
	[tilespmem:v57+s21+$0x0] =	vst.idx.msk vm13, v62  }
0x169: {  	vm14 =	vle.f32 v54, v35;
	vm7 =	vle.f32 v17, v35;
	v35 =	vld [tilespmem:$0x1FE20];
	_ =	sdelay $0x4  }
0x16a: {  	vm3 =	vnez.u8 v35  }
0x16b: {  	v60 =	vadd.s32 $0xFFFFFFFF, v60;
	_ =	sdelay $0x2  }
0x16c: {  	[tilespmem:$0x1FE00] =	vst v38  }
0x16d: {  	[tilespmem:$0x1FE10] =	vst v39  }
0x16e: {  	v13 =	vld [tilespmem:$0x1FDF0];
	[tilespmem:v60+s22+$0x0] =	vst.idx.msk vm3, v62  }
0x16f: {  	v12 =	vld [tilespmem:$0x1FE30];
	_ =	sdelay $0x2  }
0x170: {  	v45 =	vmpcnt.ones.xlane vm15;
	v2 =	vmpcnt.ones.xlane vm8  }
0x171: {  	v17 =	vmpcnt.ones.xlane vm1;
	v30 =	vmpcnt.ones.xlane vm0  }
0x172: {  	v58 =	vadd.s32 v13, v45;
	v56 =	vadd.s32 v12, v2  }
0x173: {  	v34 =	vadd.s32 v58, v30;
	v30 =	vadd.s32 v56, v17;
	v17 =	vld [tilespmem:$0x1FE40];
	_ =	sdelay $0x4  }
0x174: {  	vm3 =	vnez.u8 v17  }
0x175: {  	v0 =	vadd.s32 $0xFFFFFFFF, v59  }
0x176: {  	vm10 =	vle.f32 v52, v47  }
0x177: {  	vm4 =	vle.f32 v40, v47;
	v47 =	vmpcnt.ones.xlane vm10;
	vm13 =	vle.f32 v46, v38  }
0x178: {  	v31 =	vmpcnt.ones.xlane vm4;
	vm5 =	vle.f32 v51, v38;
	v2 =	vmpcnt.ones.xlane vm13  }
0x179: {  	v59 =	vmpcnt.ones.xlane vm5;
	v57 =	vadd.s32 v43, v47  }
0x17a: {  	v35 =	vadd.s32 v57, v31;
	v31 =	vadd.s32 v32, v2;
	[tilespmem:v0+s23+$0x0] =	vst.idx.msk vm3, v62;
	v0 =	vsel vm15, $0x1, v19  }
0x17b: {  	(xrf0) =	vadd.scan.msk.s32 $0xffff, v0;
	v0 =	vadd.s32 v31, v59  }
0x17c: {  	[tilespmem:$0x1FE50] =	vst v0;
	v0 =	vld [tilespmem:$0x1FE60];
	_ =	sdelay $0x4  }
0x17d: {  	vm3 =	vnez.u8 v0  }
0x17e: {  	v50 =	vadd.s32 $0xFFFFFFFF, v50  }
0x17f: {  	vm11 =	vle.f32 v21, v39  }
0x180: {  	v21 =	vmpcnt.ones.xlane vm11  }
0x181: {  	v3 =	vmpcnt.ones.xlane vm2  }
0x182: {  	v51 =	vadd.s32 v7, v21  }
0x183: {  	v0 =	vadd.s32 v51, v3;
	[tilespmem:v50+s24+$0x0] =	vst.idx.msk vm3, v62  }
0x184: {  	[tilespmem:$0x1FE70] =	vst v0  }
0x185: {  	[tilespmem:$0x1FED0] =	vst v5  }
0x186: {  	[tilespmem:$0x1FEE0] =	vst v6  }
0x187: {  	[tilespmem:$0x1FEF0] =	vst v4  }
0x188: {  	[tilespmem:$0x1FF00] =	vst v8  }
0x189: {  	[tilespmem:$0x1FF10] =	vst v9  }
0x18a: {  	[tilespmem:$0x1FF20] =	vst v10  }
0x18b: {  	[tilespmem:$0x1FF30] =	vst v11  }
0x18c: {  	[tilespmem:$0x1FF40] =	vst v14  }
0x18d: {  	[tilespmem:$0x1FF50] =	vst v15  }
0x18e: {  	v54 =	vimm.s32 $0x0;
	v49 =	vmpcnt.ones.xlane vm7;
	v41 =	vsel vm11, $0x1, v19;
	[tilespmem:$0x1FF60] =	vst v16  }
0x18f: {  	v48 =	vmpcnt.ones.xlane vm6;
	vm9 =	vle.f32 v53, v37;
	v53 =	vimm.s32 $0x0;
	[tilespmem:$0x1FF70] =	vst v18  }
0x190: {  	v61 =	vmpcnt.ones.xlane vm9;
	v25 =	vmpcnt.ones.xlane vm14;
	v17 =	vsel vm8, $0x1, v19;
	[tilespmem:$0x1FF80] =	vst v1  }
0x191: {  	v63 =	vmpcnt.ones.xlane vm12;
	(xrf0) =	vadd.scan.msk.s32 $0xffff, v17;
	v0 =	vsel vm10, $0x1, v19;
	[tilespmem:$0x1FF90] =	vst v22  }
0x192: {  	v37 =	vsel vm12, $0x1, v19;
	[tilespmem:$0x1FFA0] =	vst v24;
	(xrf0) =	vadd.scan.msk.s32 $0xffff, v0;
	v0 =	vimm.s32 $0x0  }
0x193: {  	v38 =	vadd.s32 v33, v25;
	v46 =	vadd.s32 v44, v63;
	[tilespmem:$0x1FFB0] =	vst v26;
	v0 =	vsel vm0, $0xFFFFFFFF, v0  }
0x194: {  	v40 =	vsel vm13, $0x1, v19;
	v63 =	vimm.s32 $0x0;
	v25 =	vadd.s32 v38, v49;
	[tilespmem:$0x1FE80] =	vst v0;
	v0 =	vld [tilespmem:$0x1FE90]  }
0x195: {  	v47 =	vadd.s32 v46, v48;
	v55 =	vadd.s32 v36, v61;
	v61 =	vsel vm1, $0x1, v19;
	[tilespmem:$0x1FFC0] =	vst v27  }
0x196: {  	v39 =	vadd.s32 v55, v29;
	v45 =	vsel vm0, $0x1, v19;
	v2 =	vsel vm9, $0x1, v19;
	[tilespmem:$0x1FFD0] =	vst v28  }
0x197: {  	v59 =	vsel vm7, $0x1, v19;
	v3 =	vsel vm14, $0x1, v19;
	v50 =	vsel vm4, $0x1, v19;
	[tilespmem:$0x1FFE0] =	vst v20  }
0x198: {  	[tilespmem:$0x1FFF0] =	vst v23;
	(xrf0) =	vadd.scan.msk.s32 $0xffff, v2;
	v2 =	vsel vm5, $0x1, v19;
	vm0 =	vmmov vm4  }
0x199: {  	vm4 =	vmmov vm6;
	(xrf0) =	vadd.scan.msk.s32 $0xffff, v3;
	v3 =	vsel vm6, $0x1, v19;
	vm3 =	vnez.u8 v0;
	v0, _, _ =	vpop (xrf0)  }
0x19a: {  	(xrf0) =	vadd.scan.msk.s32 $0xffff, v37;
	v60 =	vsel vm3, $0x1, v19;
	v52 =	vadd.s32 v0, v13;
	v0, _, _ =	vpop (xrf0);
	vm3 =	vmmov vm3  }
0x19b: {  	(xrf0) =	vadd.scan.msk.s32 $0xffff, v40;
	v48 =	vadd.s32 v0, v12;
	v0 =	vsel vm2, $0x1, v19;
	v12 =	vsel vm0, $0xFFFFFFFF, v53  }
0x19c: {  	(xrf0) =	vadd.scan.msk.s32 $0xffff, v41;
	[tilespmem:$0x1FEA0] =	vst v12;
	v12 =	vsel vm3, $0xFFFFFFFF, v54;
	vm3 =	vmmov vm7  }
0x19d: {  	v29 =	vmovc v7;
	vm2 =	vmmov vm2;
	v62 =	vadd.s32 $0xFFFFFFFF, v52;
	[tilespmem:$0x1FEB0] =	vst v12;
	v12 =	vsel vm3, $0xFFFFFFFF, v63  }
0x19e: {  	s1 =	simm.s32 $0x4050;
	s0 =	simm.s32 $0x2;
	v49, _, _ =	vpop (xrf0);
	v19 =	vimm.s32 $0x0;
	(xrf0) =	vadd.scan.msk.s32 $0xffff, v45;
	vm3 =	vmmov vm5;
	[tilespmem:$0x1FEC0] =	vst v12  }
.LBB2_5:
0x19f: {  	[tilespmem:$0x1FAA0] =	vst v34;
	v63 =	vld [tilespmem:s1+$0xFFFFFFF0]  }
0x1a0: {  	[tilespmem:$0x1FAC0] =	vst v35;
	v10, _, _ =	vpop (xrf0);
	v17 =	vld [tilespmem:$0x1FC30]  }
0x1a1: {  	v4 =	vadd.s32 $0xFFFFFFFF, v48;
	v41 =	vadd.s32 v49, v43;
	(xrf0) =	vadd.scan.msk.s32 $0xffff, v61;
	v6 =	vmov v34;
	s2 =	sadd.s32 $0x20, s2;
	v21 =	vld [tilespmem:$0x1FF70];
	v45, _, _ =	vpop (xrf0)  }
0x1a2: {  	v1 =	vmov v30;
	v54 =	vld [tilespmem:$0x1FF30];
	[tilespmem:$0x1FB00] =	vst v6;
	v5 =	vadd.s32 $0xFFFFFFFF, v41;
	v11 =	vadd.s32 v10, v36;
	s3 =	sadd.s32 $0xFFFFFFF0, s2;
	v13, _, _ =	vpop (xrf0)  }
0x1a3: {  	(xrf0) =	vadd.scan.msk.s32 $0xffff, v50;
	[tilespmem:$0x1FB10] =	vst v1;
	v1 =	vld [tilespmem:$0x1FC10];
	v12 =	vadd.s32 v45, v33;
	v45 =	vor.u32 s3, v42;
	v15, _, _ =	vpop (xrf0)  }
0x1a4: {  	v50 =	vor.u32 s2, v42;
	v6 =	vadd.s32 $0xFFFFFFFF, v11;
	v33 =	vld [tilespmem:s1+$0x0];
	v7 =	vadd.s32 $0xFFFFFFFF, v12;
	[tilespmem:v62+s17+$0x0] =	vst.idx.msk vm15, v45;
	v36, _, _ =	vpop (xrf0)  }
0x1a5: {  	v43 =	vld [tilespmem:$0x1FF00];
	(xrf0) =	vadd.scan.msk.s32 $0xffff, v60;
	v14 =	vadd.s32 v13, v44;
	v42 =	vadd.s32 v36, v29;
	v29 =	vsub.f32 v23, v63  }
0x1a6: {  	v40 =	vld [tilespmem:$0x1FED0];
	(xrf0) =	vadd.scan.msk.s32 $0xffff, v59;
	v34 =	vadd.s32 v15, v32;
	v10 =	vsub.f32 v20, v63;
	v12 =	vsub.f32 v28, v63  }
0x1a7: {  	s29 =	sadd.s32 $0x20, s29;
	v41 =	vld [tilespmem:$0x1FC50];
	(xrf0) =	vadd.scan.msk.s32 $0xffff, v3;
	v8 =	vadd.s32 $0xFFFFFFFF, v14;
	v3, _, _ =	vpop (xrf0);
	v13 =	vsub.f32 v27, v63;
	v14 =	vsub.f32 v26, v63  }
0x1a8: {  	s4 =	sadd.s32 $0x20, s4;
	v18 =	vld [tilespmem:s29+$0xFFFFFFF0];
	(xrf0) =	vadd.scan.msk.s32 $0xffff, v2;
	v15 =	vsub.f32 v24, v63;
	v52 =	vsub.f32 v1, v63;
	v11 =	vadd.s32 v3, v58;
	v2, _, _ =	vpop (xrf0)  }
0x1a9: {  	v36 =	vld [tilespmem:s4+$0x0];
	(xrf0) =	vadd.scan.msk.s32 $0xffff, v0;
	v0 =	vadd.s32 v2, v56;
	v58 =	vsub.f32 v1, v33;
	v61 =	vsub.f32 v20, v33  }
0x1aa: {  	v9 =	vadd.s32 $0xFFFFFFFF, v34;
	v56 =	vld [tilespmem:s4+$0xFFFFFFF0];
	v62 =	vsub.f32 v28, v33;
	v1 =	vsub.f32 v27, v33;
	[tilespmem:v4+s18+$0x0] =	vst.idx.msk vm8, v45  }
0x1ab: {  	v2, _, _ =	vpop (xrf0);
	v60 =	vsub.f32 v26, v33;
	v26 =	vld [tilespmem:$0x1FF80];
	v4 =	vadd.s32 $0xFFFFFFFF, v42;
	v44 =	vmul.f32 v12, v12;
	[tilespmem:v5+s19+$0x0] =	vst.idx.msk vm10, v45  }
0x1ac: {  	v28 =	vld [tilespmem:$0x1FF60];
	v12 =	vmul.f32 v13, v13;
	v16 =	vadd.s32 v2, v57;
	v3, _, _ =	vpop (xrf0);
	v57 =	vsub.f32 v23, v33;
	[tilespmem:$0x1FA30] =	vst v1  }
0x1ad: {  	v42 =	vld [tilespmem:$0x1FC40];
	v59 =	vadd.s32 $0xFFFFFFFF, v0;
	v55 =	vadd.s32 v3, v55;
	v37, _, _ =	vpop (xrf0);
	v1 =	vsub.f32 v24, v33;
	[tilespmem:v6+s20+$0x0] =	vst.idx.msk vm9, v45  }
0x1ae: {  	v2 =	vld [tilespmem:$0x1FEF0];
	v24 =	vsub.f32 v17, v18;
	v5 =	vsub.f32 v21, v18;
	v0 =	vadd.s32 $0xFFFFFFFF, v16;
	v48, _, _ =	vpop (xrf0);
	[tilespmem:v7+s21+$0x0] =	vst.idx.msk vm14, v45  }
0x1af: {  	v27 =	vld [tilespmem:$0x1FF90];
	v20 =	vadd.s32 v37, v38;
	[tilespmem:$0x1FA80] =	vst v0;
	v7 =	vsub.f32 v41, v18;
	v22 =	vadd.s32 v48, v46  }
0x1b0: {  	v49, _, _ =	vpop (xrf0);
	v46 =	vld [tilespmem:$0x1FF40];
	[tilespmem:v8+s22+$0x0] =	vst.idx.msk vm12, v45;
	v8 =	vsub.f32 v54, v18;
	v48 =	vmul.f32 v52, v52  }
0x1b1: {  	[tilespmem:$0x1FA40] =	vst v1;
	v1 =	vadd.s32 v49, v31;
	v32 =	vsub.f32 v26, v56;
	v34 =	vsub.f32 v28, v56;
	v31 =	vld [tilespmem:$0x1FF20]  }
0x1b2: {  	v0 =	vadd.s32 $0xFFFFFFFF, v55;
	v49 =	vmovc v35;
	v35 =	vsub.f32 v42, v56;
	v38 =	vsub.f32 v43, v56;
	[tilespmem:$0x1FA60] =	vst v1;
	v1 =	vld [tilespmem:$0x1FC20]  }
0x1b3: {  	[tilespmem:$0x1FAB0] =	vst v30;
	v37 =	vld [tilespmem:s29+$0x0];
	v24 =	vmul.f32 v24, v24;
	v30 =	vsub.f32 v2, v63;
	v2 =	vsub.f32 v2, v33  }
0x1b4: {  	v55 =	vadd.s32 $0xFFFFFFFF, v20;
	v53, _, _ =	vpop (xrf0);
	[tilespmem:v9+s23+$0x0] =	vst.idx.msk vm13, v45;
	v20 =	vsub.f32 v40, v56;
	v26 =	vsub.f32 v26, v36  }
0x1b5: {  	v28 =	vsub.f32 v28, v36;
	v33 =	vsub.f32 v27, v18;
	[tilespmem:$0x1FA50] =	vst v2;
	v2 =	vadd.s32 v53, v51;
	v51 =	vld [tilespmem:$0x1FF50]  }
0x1b6: {  	v63 =	vadd.s32 $0xFFFFFFFF, v11;
	[tilespmem:v4+s24+$0x0] =	vst.idx.msk vm11, v45;
	v45 =	vld [tilespmem:$0x1FE50];
	v11 =	vsub.f32 v46, v56;
	v16 =	vsub.f32 v31, v56  }
0x1b7: {  	[tilespmem:$0x1FAD0] =	vst v39;
	v4 =	vmovc v39;
	v23 =	vsub.f32 v1, v56;
	v56 =	vadd.s32 $0xFFFFFFFF, v22;
	v22 =	vmul.f32 v29, v29;
	v29 =	vld [tilespmem:$0x1FE70]  }
0x1b8: {  	v32 =	vmul.f32 v32, v32;
	v27 =	vsub.f32 v27, v37;
	v39 =	vsub.f32 v1, v36;
	v1 =	vmovc v47  }
0x1b9: {  	v31 =	vsub.f32 v31, v36;
	[tilespmem:$0x1FAE0] =	vst v1;
	v1 =	vsub.f32 v21, v37;
	v23 =	vmul.f32 v23, v23  }
0x1ba: {  	[tilespmem:$0x1FA90] =	vst v0;
	v33 =	vmul.f32 v33, v33;
	v21 =	vsub.f32 v46, v36;
	v6 =	vsub.f32 v51, v18  }
0x1bb: {  	[tilespmem:$0x1FA70] =	vst v2;
	v2 =	vmovc v25;
	v46 =	vmov v25;
	v25 =	vsub.f32 v51, v37;
	v23 =	vadd.f32 v24, v23  }
0x1bc: {  	v0 =	vmovc v45;
	v24 =	vadd.f32 v33, v32;
	v3 =	vmovc v29;
	v51 =	vmov v29;
	v29 =	vsub.f32 v42, v36  }
0x1bd: {  	v7 =	vmul.f32 v7, v7;
	v32 =	vmovc v0;
	v0 =	vld [tilespmem:$0x1FA30];
	v42 =	vsub.f32 v43, v36;
	v36 =	vsub.f32 v40, v36  }
0x1be: {  	v26 =	vmul.f32 v26, v26;
	v27 =	vmul.f32 v27, v27  }
0x1bf: {  	v52 =	vld [tilespmem:$0x1FEE0];
	v8 =	vmul.f32 v8, v8;
	v35 =	vmul.f32 v35, v35  }
0x1c0: {  	v38 =	vmul.f32 v38, v38;
	v20 =	vmul.f32 v20, v20;
	v53 =	vld [tilespmem:$0x1FF10];
	v26 =	vadd.f32 v27, v26  }
0x1c1: {  	v27 =	vmul.f32 v36, v36;
	v36 =	vmovc v4;
	v4 =	vadd.f32 v48, v23;
	v23 =	vmul.f32 v61, v61  }
0x1c2: {  	v17 =	vsub.f32 v17, v37;
	v61 =	vmul.f32 v62, v62;
	v62 =	vmul.f32 v0, v0;
	v0 =	vld [tilespmem:$0x1FA40]  }
0x1c3: {  	v13 =	vmul.f32 v30, v30;
	v30 =	vsub.f32 v41, v37;
	v54 =	vsub.f32 v54, v37  }
0x1c4: {  	v7 =	vadd.f32 v7, v35;
	v17 =	vmul.f32 v17, v17;
	v16 =	vmul.f32 v16, v16  }
0x1c5: {  	v9 =	vsub.f32 v53, v18;
	v18 =	vsub.f32 v52, v18;
	v39 =	vmul.f32 v39, v39  }
0x1c6: {  	v53 =	vsub.f32 v53, v37;
	v37 =	vsub.f32 v52, v37;
	v21 =	vmul.f32 v21, v21  }
0x1c7: {  	v8 =	vadd.f32 v8, v16;
	v18 =	vmul.f32 v18, v18;
	v35 =	vmul.f32 v0, v0;
	v0 =	vld [tilespmem:$0x1FA50]  }
0x1c8: {  	v9 =	vmul.f32 v9, v9;
	v25 =	vmul.f32 v25, v25;
	v17 =	vadd.f32 v17, v39  }
0x1c9: {  	v33 =	vmovc v2;
	v2 =	vmul.f32 v58, v58;
	v18 =	vadd.f32 v18, v20;
	v20 =	vmul.f32 v53, v53  }
0x1ca: {  	v21 =	vadd.f32 v25, v21;
	v25 =	vmul.f32 v37, v37;
	v16 =	vmul.f32 v42, v42  }
0x1cb: {  	v15 =	vmul.f32 v15, v15;
	v9 =	vadd.f32 v9, v38;
	v2 =	vadd.f32 v2, v17  }
0x1cc: {  	v16 =	vadd.f32 v20, v16;
	v20 =	vadd.f32 v25, v27;
	v17 =	vmul.f32 v0, v0  }
0x1cd: {  	v5 =	vmul.f32 v5, v5;
	v9 =	vadd.f32 v15, v9;
	v0 =	vld [tilespmem:$0x1FE80]  }
0x1ce: {  	v34 =	vmul.f32 v34, v34;
	v15 =	vadd.f32 v35, v16;
	v16 =	vadd.f32 v17, v20;
	v17 =	vld [tilespmem:$0x1FD10]  }
0x1cf: {  	v10 =	vmul.f32 v10, v10;
	v13 =	vadd.f32 v13, v18;
	v18 =	vld [tilespmem:$0x1FD80]  }
0x1d0: {  	v28 =	vmul.f32 v28, v28;
	v5 =	vadd.f32 v5, v34;
	v29 =	vmul.f32 v29, v29  }
0x1d1: {  	v30 =	vmul.f32 v30, v30;
	v1 =	vmul.f32 v1, v1  }
0x1d2: {  	v11 =	vmul.f32 v11, v11;
	v5 =	vadd.f32 v10, v5;
	vm0 =	vnez.u8 v0  }
0x1d3: {  	v6 =	vmul.f32 v6, v6;
	v1 =	vadd.f32 v1, v28;
	vm15 =	vle.f32 v4, v17;
	v4 =	vld [tilespmem:$0x1FD60]  }
0x1d4: {  	v28 =	vadd.f32 v30, v29;
	v29 =	vmovc v3;
	v3 =	vmul.f32 v57, v57;
	vm10 =	vle.f32 v5, v18;
	v5 =	vld [tilespmem:$0x1FD90]  }
0x1d5: {  	v6 =	vadd.f32 v6, v11  }
0x1d6: {  	v3 =	vadd.f32 v3, v26  }
0x1d7: {  	v6 =	vadd.f32 v44, v6;
	v10 =	vadd.f32 v61, v21  }
0x1d8: {  	[tilespmem:v63+s17+$0x0] =	vst.idx.msk vm0, v50;
	vm0 =	vle.f32 v3, v4;
	v3 =	vld [tilespmem:$0x1FEA0]  }
0x1d9: {  	vm12 =	vmmov vm4;
	vm9 =	vle.f32 v6, v5;
	vm4 =	vle.f32 v10, v5;
	v5 =	vld [tilespmem:$0x1FEB0]  }
0x1da: {  	v34 =	vmul.f32 v60, v60;
	v60 =	vld [tilespmem:$0x1FAA0]  }
0x1db: {  	v0 =	vld [tilespmem:$0x1FA60];
	[tilespmem:v59+s18+$0x0] =	vst.idx.msk vm1, v50;
	vm1 =	vle.f32 v2, v17;
	v2 =	vimm.s32 $0x0  }
0x1dc: {  	v40 =	vld [tilespmem:$0x1FEC0];
	v2 =	vsel vm0, $0xFFFFFFFF, v2  }
0x1dd: {  	[tilespmem:$0x1FAF0] =	vst v2;
	v2 =	vmpcnt.ones.xlane vm0;
	vm0 =	vnez.u8 v3;
	v3 =	vld [tilespmem:$0x1FA80]  }
0x1de: {  	v54 =	vmul.f32 v54, v54;
	v31 =	vmul.f32 v31, v31;
	vm7 =	vnez.u8 v5;
	v5 =	vld [tilespmem:$0x1FA90]  }
0x1df: {  	vm13 =	vmmov vm3;
	v1 =	vadd.f32 v23, v1  }
0x1e0: {  	v11 =	vadd.f32 v54, v31;
	v41 =	vmpcnt.ones.xlane vm15;
	v37 =	vadd.s32 $0xFFFFFFFF, v0;
	v0 =	vld [tilespmem:$0x1FA70]  }
0x1e1: {  	v38 =	vld [tilespmem:$0x1FDC0];
	vm14 =	vnez.u8 v40;
	vm3 =	vle.f32 v1, v18;
	v1 =	vmpcnt.ones.xlane vm1  }
0x1e2: {  	v18 =	vld [tilespmem:$0x1FE00];
	v58 =	vadd.s32 v60, v41  }
0x1e3: {  	v14 =	vmul.f32 v14, v14;
	v11 =	vadd.f32 v34, v11;
	v34 =	vadd.s32 v58, v1;
	v1 =	vld [tilespmem:$0x1FAC0]  }
0x1e4: {  	vm11 =	vmmov vm2;
	v7 =	vadd.f32 v12, v7;
	v12 =	vadd.f32 v62, v28  }
0x1e5: {  	v39 =	vld [tilespmem:$0x1FE10];
	v43 =	vmov v49;
	v22 =	vadd.f32 v22, v24;
	v0 =	vadd.s32 $0xFFFFFFFF, v0;
	[tilespmem:v3+s19+$0x0] =	vst.idx.msk vm0, v50  }
0x1e6: {  	v8 =	vadd.f32 v14, v8;
	vm2 =	vle.f32 v12, v38;
	v48 =	vmpcnt.ones.xlane vm10;
	[tilespmem:v5+s20+$0x0] =	vst.idx.msk vm7, v50  }
0x1e7: {  	vm6 =	vle.f32 v15, v18;
	v49 =	vmpcnt.ones.xlane vm9;
	vm8 =	vle.f32 v22, v4;
	[tilespmem:v55+s21+$0x0] =	vst.idx.msk vm14, v50  }
0x1e8: {  	v61 =	vld [tilespmem:$0x1FAB0];
	v4 =	vmpcnt.ones.xlane vm4;
	v44 =	vmpcnt.ones.xlane vm8;
	v57 =	vadd.s32 v1, v48;
	[tilespmem:v56+s22+$0x0] =	vst.idx.msk vm12, v50  }
0x1e9: {  	v1 =	vld [tilespmem:$0x1FAD0];
	v3 =	vmpcnt.ones.xlane vm3;
	vm14 =	vle.f32 v7, v38;
	[tilespmem:v37+s23+$0x0] =	vst.idx.msk vm13, v50;
	vm13 =	vle.f32 v9, v18  }
0x1ea: {  	v17 =	vld [tilespmem:$0x1FDD0];
	v7 =	vmpcnt.ones.xlane vm6;
	[tilespmem:v0+s24+$0x0] =	vst.idx.msk vm11, v50;
	vm11 =	vle.f32 v13, v39;
	v62 =	vmpcnt.ones.xlane vm13  }
0x1eb: {  	vm7 =	vle.f32 v16, v39;
	v0 =	vmpcnt.ones.xlane vm14;
	v63 =	vmpcnt.ones.xlane vm11  }
0x1ec: {  	vm0 =	vmmov vm3;
	v10 =	vmpcnt.ones.xlane vm7;
	v31 =	vadd.s32 v45, v62  }
0x1ed: {  	v38 =	vadd.s32 v46, v0;
	v51 =	vadd.s32 v51, v63;
	v0 =	vadd.s32 v31, v7  }
0x1ee: {  	v5 =	vmpcnt.ones.xlane vm2;
	v55 =	vadd.s32 v1, v49;
	[tilespmem:$0x1FE50] =	vst v0;
	v0 =	vadd.s32 v51, v10  }
0x1ef: {  	vm12 =	vle.f32 v8, v17;
	v56 =	vadd.s32 v61, v44;
	[tilespmem:$0x1FE70] =	vst v0;
	v0 =	vsel vm15, $0x1, v19  }
0x1f0: {  	v1 =	vsel vm8, $0x1, v19;
	v30 =	vadd.s32 v56, v2;
	v50 =	vmpcnt.ones.xlane vm12;
	(xrf0) =	vadd.scan.msk.s32 $0xffff, v0  }
0x1f1: {  	v2 =	vsel vm10, $0x1, v19;
	v39 =	vadd.s32 v55, v4;
	v4 =	vsel vm9, $0x1, v19;
	(xrf0) =	vadd.scan.msk.s32 $0xffff, v1  }
0x1f2: {  	v46 =	vadd.s32 v47, v50;
	v50 =	vsel vm3, $0x1, v19;
	vm3 =	vmmov vm4;
	(xrf0) =	vadd.scan.msk.s32 $0xffff, v2  }
0x1f3: {  	v62 =	vimm.s32 $0x0;
	v25 =	vadd.s32 v38, v5;
	v5 =	vsel vm14, $0x1, v19;
	(xrf0) =	vadd.scan.msk.s32 $0xffff, v4  }
0x1f4: {  	v63 =	vsel vm3, $0xFFFFFFFF, v62;
	vm3 =	vmmov vm2;
	(xrf0) =	vadd.scan.msk.s32 $0xffff, v5;
	v5 =	vimm.s32 $0x0  }
0x1f5: {  	v4 =	vsel vm3, $0xFFFFFFFF, v5  }
0x1f6: {  	[tilespmem:$0x1FEC0] =	vst v4;
	v4 =	vld [tilespmem:$0x1FB00];
	_ =	sdelay $0x2  }
0x1f7: {  	v24 =	vld [tilespmem:$0x1FFA0];
	v53 =	vimm.s32 $0x0;
	v42 =	vlaneseq.u32;
	v0 =	vimm.s32 $0x0  }
0x1f8: {  	v27 =	vld [tilespmem:$0x1FFC0];
	v60 =	vsel vm4, $0x1, v19;
	v59 =	vsel vm2, $0x1, v19;
	v0 =	vsel vm1, $0xFFFFFFFF, v0;
	v1, _, _ =	vpop (xrf0)  }
0x1f9: {  	s0 =	sadd.s32 $0x2, s0;
	v52 =	vsel vm1, $0x1, v19;
	vm5 =	vle.f32 v11, v17;
	[tilespmem:$0x1FE80] =	vst v0;
	v0 =	vld [tilespmem:$0x1FAF0];
	v1 =	vadd.s32 v1, v4  }
0x1fa: {  	p0 =	slt.u32 s0, $0x1FE;
	v6 =	vmpcnt.ones.xlane vm5;
	v54 =	vsel vm0, $0xFFFFFFFF, v53;
	v62 =	vadd.s32 $0xFFFFFFFF, v1;
	v1 =	vld [tilespmem:$0x1FB10]  }
.Ltmp5:
0x1fb: {  	v23 =	vld [tilespmem:$0x1FFF0];
	v35 =	vadd.s32 v57, v3;
	v3 =	vsel vm5, $0x1, v19;
	[tilespmem:$0x1FEA0] =	vst v54;
	v40 =	vsel vm12, $0x1, v19;
	(pc) =	sbr.rel @p0 .LBB2_5-.Ltmp5, $4  }
0x1fc: {  	v28 =	vld [tilespmem:$0x1FFD0];
	v41 =	vsel vm13, $0x1, v19;
	v45 =	vsel vm11, $0x1, v19;
	vm4 =	vmmov vm5;
	(xrf0) =	vadd.scan.msk.s32 $0xffff, v40  }
0x1fd: {  	v26 =	vld [tilespmem:$0x1FFB0];
	v47 =	vadd.s32 v46, v6;
	vm2 =	vmmov vm7;
	[tilespmem:$0x1FEB0] =	vst v63;
	(xrf0) =	vadd.scan.msk.s32 $0xffff, v41  }
0x1fe: {  	v20 =	vld [tilespmem:$0x1FFE0];
	v2 =	vsel vm6, $0x1, v19;
	vm3 =	vmmov vm6;
	vm1 =	vnez.u8 v0;
	v4, _, _ =	vpop (xrf0);
	(xrf0) =	vadd.scan.msk.s32 $0xffff, v45  }
0x1ff: {  	s1 =	sadd.s32 $0x20, s1;
	v44 =	vld [tilespmem:$0x1FAE0];
	v0 =	vsel vm7, $0x1, v19;
	v61 =	vsel vm1, $0x1, v19;
	v49, _, _ =	vpop (xrf0);
	(xrf0) =	vadd.scan.msk.s32 $0xffff, v52;
	v48 =	vadd.s32 v4, v1  }
0x200: {  	v41 =	vld [tilespmem:$0x1FC10]  }
0x201: {  	v40 =	vld [tilespmem:$0x1FC30]  }
0x202: {  	v24 =	vld [tilespmem:$0x1FC20]  }
0x203: {  	v13 =	vld [tilespmem:$0x1FF30]  }
0x204: {  	v12 =	vld [tilespmem:$0x1FF10]  }
0x205: {  	v11 =	vld [tilespmem:$0x1FF00];
	s0 =	sadd.s32 $0x20, s2  }
0x206: {  	v7 =	vmov v25;
	v25 =	vld [tilespmem:$0x1FEF0];
	s1 =	sadd.s32 $0xFFFFFFF0, s0  }
0x207: {  	v21 =	vld [tilespmem:$0x1FEE0];
	v8 =	vor.u32 s1, v42  }
0x208: {  	v17 =	vld [tilespmem:$0x1FED0];
	(v2sf) =	vpush v34, $0x0;
	[tilespmem:v62+s17+$0x0] =	vst.idx.msk vm15, v8  }
0x209: {  	(v2sf) =	vpush v30, $0x0;
	v10 =	vld [tilespmem:$0x1FE50]  }
0x20a: {  	v4, _, _ =	vpop (xrf0);
	(xrf0) =	vadd.scan.msk.s32 $0xffff, v61;
	(v2sf) =	vpush v35, $0x0  }
0x20b: {  	v6, _, _ =	vpop (xrf0);
	(xrf0) =	vadd.scan.msk.s32 $0xffff, v50;
	(v2sf) =	vpush v39, $0x0  }
0x20c: {  	v1 =	vadd.s32 v49, v43;
	v43 =	vmov v7;
	(v2sf) =	vpush v7, $0x0;
	v7, _, _ =	vpop (xrf0);
	(xrf0) =	vadd.scan.msk.s32 $0xffff, v60  }
0x20d: {  	v5 =	vadd.s32 $0xFFFFFFFF, v48;
	(v2sf) =	vpush v47, $0x0;
	v9, _, _ =	vpop (xrf0);
	(xrf0) =	vadd.scan.msk.s32 $0xffff, v59  }
0x20e: {  	(v2sf) =	vpush v10, $0x0;
	v10, _, _ =	vpop (xrf0);
	(xrf0) =	vadd.scan.msk.s32 $0xffff, v3;
	v3 =	vld [tilespmem:$0x1FE70]  }
0x20f: {  	v1 =	vadd.s32 $0xFFFFFFFF, v1;
	v4 =	vadd.s32 v4, v36  }
0x210: {  	v4 =	vadd.s32 $0xFFFFFFFF, v4;
	v6 =	vadd.s32 v6, v33  }
0x211: {  	v6 =	vadd.s32 $0xFFFFFFFF, v6;
	v7 =	vadd.s32 v7, v44  }
0x212: {  	v7 =	vadd.s32 $0xFFFFFFFF, v7;
	v9 =	vadd.s32 v9, v32;
	[tilespmem:v5+s18+$0x0] =	vst.idx.msk vm8, v8  }
0x213: {  	(v2sf) =	vpush v3, $0x0;
	v3 =	vadd.s32 $0xFFFFFFFF, v9;
	v9 =	vadd.s32 v10, v29;
	v10, _, _ =	vpop (xrf0);
	(xrf0) =	vadd.scan.msk.s32 $0xffff, v2  }
0x214: {  	[tilespmem:v1+s19+$0x0] =	vst.idx.msk vm10, v8;
	v60, _, _ =	vpop (xrf0);
	(xrf0) =	vadd.scan.msk.s32 $0xffff, v0;
	v0 =	vadd.s32 $0xFFFFFFFF, v9  }
0x215: {  	[tilespmem:v4+s20+$0x0] =	vst.idx.msk vm9, v8;
	v61, _, _ =	vpop (xrf0)  }
0x216: {  	[tilespmem:v6+s21+$0x0] =	vst.idx.msk vm14, v8;
	v63, _, _ =	vpop (xrf0)  }
0x217: {  	[tilespmem:v7+s22+$0x0] =	vst.idx.msk vm12, v8;
	v6, _, _ =	vpop (xrf0)  }
0x218: {  	v7, _, _ =	vpop (xrf0);
	[tilespmem:v3+s23+$0x0] =	vst.idx.msk vm13, v8  }
0x219: {  	v9, _, _ =	vpop (xrf0);
	[tilespmem:v0+s24+$0x0] =	vst.idx.msk vm11, v8  }
0x21a: {  	v0 =	vadd.s32 v9, v31;
	v9 =	vld [tilespmem:$0x1FE80];
	_ =	sdelay $0x4  }
0x21b: {  	v2 =	vadd.s32 v10, v58;
	vm0 =	vnez.u8 v9  }
0x21c: {  	v1 =	vadd.s32 v60, v56;
	v2 =	vadd.s32 $0xFFFFFFFF, v2  }
0x21d: {  	v1 =	vadd.s32 $0xFFFFFFFF, v1;
	_ =	sdelay $0x2  }
0x21e: {  	v3 =	vor.u32 s0, v42  }
0x21f: {  	v8, _, _ =	vpop (xrf0);
	[tilespmem:v2+s17+$0x0] =	vst.idx.msk vm0, v3  }
0x220: {  	v2 =	vadd.s32 v8, v51;
	[tilespmem:v1+s18+$0x0] =	vst.idx.msk vm1, v3  }
0x221: {  	v1 =	vadd.s32 $0xFFFFFFFF, v2;
	v2 =	vld [tilespmem:$0x1FEA0];
	_ =	sdelay $0x4  }
0x222: {  	v62 =	vadd.s32 v61, v57;
	vm13 =	vnez.u8 v2  }
0x223: {  	v4 =	vadd.s32 $0xFFFFFFFF, v62;
	_ =	sdelay $0x4  }
0x224: {  	[tilespmem:v4+s19+$0x0] =	vst.idx.msk vm13, v3  }
0x225: {  	v2 =	vld [tilespmem:$0x1FEB0];
	_ =	sdelay $0x4  }
0x226: {  	v5 =	vadd.s32 v63, v55;
	vm14 =	vnez.u8 v2  }
0x227: {  	v5 =	vadd.s32 $0xFFFFFFFF, v5;
	_ =	sdelay $0x4  }
0x228: {  	[tilespmem:v5+s20+$0x0] =	vst.idx.msk vm14, v3  }
0x229: {  	v2 =	vld [tilespmem:$0x1FEC0];
	_ =	sdelay $0x4  }
0x22a: {  	v6 =	vadd.s32 v6, v38;
	vm15 =	vnez.u8 v2  }
0x22b: {  	v7 =	vadd.s32 v7, v46;
	v6 =	vadd.s32 $0xFFFFFFFF, v6  }
0x22c: {  	v7 =	vadd.s32 $0xFFFFFFFF, v7  }
0x22d: {  	v0 =	vadd.s32 $0xFFFFFFFF, v0;
	_ =	sdelay $0x1  }
0x22e: {  	s4 =	spop (v2sf)  }
0x22f: {  	s14 =	sadd.s32 $0xF, s4;
	[tilespmem:v6+s21+$0x0] =	vst.idx.msk vm15, v3  }
0x230: {  	s15 =	sand.u32 $0xF, s14;
	[tilespmem:v7+s22+$0x0] =	vst.idx.msk vm4, v3  }
0x231: {  	s3 =	sshra.s32 s14, $0x1F;
	p0 =	slt.s32 s14, $0x1;
	p1 =	sne.s32 s15, $0x0;
	[tilespmem:v0+s23+$0x0] =	vst.idx.msk vm3, v3  }
0x232: {  	s3 =	sshrl.u32 s3, $0x1C;
	p0 =	por !p0, !p1;
	[tilespmem:v1+s24+$0x0] =	vst.idx.msk vm2, v3  }
0x233: {  	s2 =	sadd.s32 s3, s14;
	s3 =	simm.s32 $0x1;
	p0 =	por !p0, !p0;
	v8 =	vld [tilespmem:$0x1FF20]  }
0x234: {  	s14 =	sshra.s32 s2, $0x4;
	s3 =	simm.s32 @!p0 $0x0;
	v9 =	vld [tilespmem:$0x1FC40]  }
0x235: {  	s30 =	spop (v2sf);
	s14 =	ssub.s32 s14, s3;
	v10 =	vld [tilespmem:$0x1FC50]  }
0x236: {  	s1 =	spop (v2sf);
	p0 =	slt.s32 s14, $0x1;
	v14 =	vld [tilespmem:$0x1FF40]  }
.Ltmp6:
0x237: {  	s0 =	spop (v2sf);
	v15 =	vld [tilespmem:$0x1FF50];
	(pc) =	sbr.rel @p0 .LBB2_18-.Ltmp6, $4  }
0x238: {  	s4 =	spop (v2sf);
	v16 =	vld [tilespmem:$0x1FF60]  }
0x239: {  	s2 =	spop (v2sf);
	v18 =	vld [tilespmem:$0x1FF70]  }
0x23a: {  	v33 =	vimm.f32 $+Inf;
	s31 =	spop (v2sf);
	v19 =	vld [tilespmem:$0x1FF80]  }
0x23b: {  	v32 =	vimm.s32 $0x0;
	s29 =	spop (v2sf);
	v2 =	vimm.s32 $0x0;
	v0 =	vimm.f32 $+Inf;
	v22 =	vld [tilespmem:$0x1FF90]  }
0x23c: {  	p3 =	sne.s32 s14, $0x1  }
.Ltmp7:
0x23d: {  	_ = 	snop;
	(pc) =	sbr.rel @!p3 .LBB2_8-.Ltmp7, $3  }
0x23e: {  	_ =	sdelay $0x1  }
0x23f: {  	s15 =	simm.s32 $0x6180;
	s3 =	simm.s32 $0x0;
	s14 =	sadd.s32 $0xFFFFFFFF, s14  }
0x240: {  	v46 =	vmovc v30;
	v45 =	vmovc v35;
	v0 =	vbroadcast v34, $0x0;
	v35 =	vimm.f32 $+Inf;
	v34 =	vimm.s32 $0x0;
	p0 =	por $0x0, $0x0;
	p1 =	por $0x0, $0x0;
	p2 =	por $0x0, $0x0;
	v3 =	vld [tilespmem:s15+$0x0]  }
0x241: {  	_ =	sdelay $0x1  }
0x242: {  	v1 =	vor.u32 s3, v42  }
0x243: {  	vm0 =	vlt.s32 v1, v0  }
0x244: {  	v2 =	vnsel vm0, $0x0, v3;
	_ =	sdelay $0x4  }
0x245: {  	v1 =	vld.idx.msk [tilespmem:v2+s5+$0x0], $0xffff  }
0x246: {  	v3 =	vld.idx.msk [tilespmem:v2+s12+$0x0], $0xffff;
	_ =	sdelay $0x1  }
0x247: {  	p3 =	sne.s32 s14, $0x1;
	v4 =	vld.idx.msk [tilespmem:v2+s13+$0x0], $0xffff  }
.Ltmp8:
0x248: {  	_ = 	snop;
	(pc) =	sbr.rel @!p3 .LBB2_10-.Ltmp8, $4  }
0x249: {  	_ = 	snop  }
0x24a: {  	v1 =	vsub.f32 v24, v1;
	v5 =	vsub.f32 v40, v3  }
0x24b: {  	s15 =	simm.s32 $0x6190;
	vm0 =	vmmov vm0  }
0x24c: {  	s14 =	sadd.s32 $0xFFFFFFFF, s14;
	s3 =	simm.s32 $0x10;
	p0 =	por $0x1, $0x1;
	v3 =	vld [tilespmem:s15+$0x0];
	v36 =	vsub.f32 v41, v4;
	v37 =	vmul.f32 v1, v1;
	v38 =	vmul.f32 v5, v5  }
0x24d: {  	_ =	sdelay $0x1  }
0x24e: {  	v1 =	vor.u32 s3, v42  }
0x24f: {  	vm1 =	vlt.s32 v1, v0  }
0x250: {  	v44 =	vmov v39;
	v39 =	vnsel vm1, $0x0, v3;
	_ =	sdelay $0x4  }
0x251: {  	v1 =	vld.idx.msk [tilespmem:v39+s5+$0x0], $0xffff  }
0x252: {  	v3 =	vld.idx.msk [tilespmem:v39+s12+$0x0], $0xffff  }
0x253: {  	v4 =	vadd.f32 v38, v37;
	v5 =	vmul.f32 v36, v36  }
0x254: {  	p3 =	sne.s32 s14, $0x1;
	v6 =	vld.idx.msk [tilespmem:v39+s13+$0x0], $0xffff  }
.Ltmp9:
0x255: {  	v4 =	vadd.f32 v5, v4;
	(pc) =	sbr.rel @!p3 .LBB2_12-.Ltmp9, $4  }
0x256: {  	_ = 	snop  }
0x257: {  	v4 =	vnsel vm0, $0x7F800000, v4;
	v1 =	vsub.f32 v24, v1;
	v5 =	vsub.f32 v40, v3  }
0x258: {  	s15 =	simm.s32 $0x61A0;
	vm0 =	vmmov vm1;
	(xrf1) =	vsort.ascd.msk.f32 $0xffff, v4, v2  }
0x259: {  	s3 =	simm.s32 $0x20;
	p1 =	por $0x1, $0x1;
	v3 =	vld [tilespmem:s15+$0x0];
	s15 =	sadd.s32 $0xFFFFFFFF, s14;
	v36 =	vsub.f32 v41, v6;
	v37 =	vmul.f32 v1, v1;
	v38 =	vmul.f32 v5, v5  }
0x25a: {  	_ =	sdelay $0x5  }
0x25b: {  	v1 =	vor.u32 s3, v42  }
0x25c: {  	vm1 =	vlt.s32 v1, v0  }
0x25d: {  	v2 =	vnsel vm1, $0x0, v3;
	v3 =	vmul.f32 v36, v36  }
0x25e: {  	v1 =	vadd.f32 v38, v37;
	_ =	sdelay $0x1  }
0x25f: {  	v1 =	vadd.f32 v3, v1  }
0x260: {  	v3, v6, _ =	vpop (xrf1)  }
0x261: {  	v1 =	vnsel vm0, $0x7F800000, v1;
	vm0 =	vlt.f32 v3, v35  }
0x262: {  	(xrf1) =	vsort.ascd.msk.f32 $0xffff, v1, v39;
	v1 =	vsel vm0, v3, v35;
	v3 =	vsel vm0, v6, v34  }
0x263: {  	(xrf1) =	vsort.dscd.msk.f32 $0xffff, v1, v3  }
0x264: {  	v4 =	vld.idx.msk [tilespmem:v2+s5+$0x0], $0xffff  }
0x265: {  	v5 =	vld.idx.msk [tilespmem:v2+s12+$0x0], $0xffff;
	_ =	sdelay $0x1  }
0x266: {  	p3 =	sne.s32 s15, $0x1;
	v7 =	vld.idx.msk [tilespmem:v2+s13+$0x0], $0xffff  }
.Ltmp10:
0x267: {  	_ = 	snop;
	(pc) =	sbr.rel @!p3 .LBB2_14-.Ltmp10, $4  }
0x268: {  	s14 =	simm.s32 $0x61B0  }
0x269: {  	v4 =	vsub.f32 v24, v4;
	v5 =	vsub.f32 v40, v5;
	v3 =	vld [tilespmem:s14+$0x0]  }
0x26a: {  	vm0 =	vmmov vm1  }
0x26b: {  	s15 =	sadd.s32 $0xFFFFFFFF, s15;
	s3 =	simm.s32 $0x30;
	p2 =	por $0x1, $0x1;
	v36 =	vsub.f32 v41, v7;
	v37 =	vmul.f32 v4, v4;
	v38 =	vmul.f32 v5, v5  }
.LBB2_15:
0x26c: {  	p3 =	sne.s32 s15, $0x1;
	v1 =	vor.u32 s3, v42  }
0x26d: {  	vm1 =	vlt.s32 v1, v0;
	v1 =	vadd.f32 v38, v37;
	v29 =	vmul.f32 v36, v36  }
0x26e: {  	v3 =	vnsel vm1, $0x0, v3  }
0x26f: {  	v1 =	vadd.f32 v29, v1;
	v4, v5, _ =	vpop (xrf1)  }
0x270: {  	v6, v7, _ =	vpop (xrf1)  }
0x271: {  	v1 =	vnsel vm0, $0x7F800000, v1;
	vm2 =	vlt.f32 v4, v6;
	vm0 =	vmmov vm1  }
0x272: {  	(xrf1) =	vsort.ascd.msk.f32 $0xffff, v1, v2;
	v1 =	vsel vm2, v4, v6;
	v4 =	vsel vm2, v5, v7;
	v2 =	vmov v3  }
0x273: {  	v5 =	vld.idx.msk [tilespmem:v3+s5+$0x0], $0xffff;
	(xrf1) =	vsort.dscd.msk.f32 $0xffff, v1, v4  }
0x274: {  	v1 =	vld.idx.msk [tilespmem:v3+s12+$0x0], $0xffff;
	_ =	sdelay $0x1  }
0x275: {  	v4 =	vld.idx.msk [tilespmem:v3+s13+$0x0], $0xffff;
	_ =	sdelay $0x1  }
.Ltmp11:
0x276: {  	(pc) =	sbr.rel @p3 .LBB2_15-.Ltmp11, $3  }
0x277: {  	s14 =	sadd.s32 $0x10, s14  }
0x278: {  	v5 =	vsub.f32 v24, v5;
	v1 =	vsub.f32 v40, v1;
	v3 =	vld [tilespmem:s14+$0x0];
	_ =	sdelay $0x1  }
0x279: {  	s15 =	sadd.s32 $0xFFFFFFFF, s15;
	s3 =	sadd.s32 $0x10, s3;
	v37 =	vmul.f32 v5, v5;
	v36 =	vsub.f32 v41, v4;
	v38 =	vmul.f32 v1, v1  }
0x27a: {  	v39 =	vmov v44  }
.LBB2_17:
0x27b: {  	v4 =	vmul.f32 @p0 v36, v36  }
0x27c: {  	v1 =	vadd.f32 @p0 v38, v37  }
0x27d: {  	v5 =	vor.u32 s3, v42  }
0x27e: {  	vm1 =	vlt.s32 v5, v0  }
0x27f: {  	v6, v7, _ =	vpop @p1 (xrf1);
	v3 =	vnsel vm1, $0x0, v3  }
0x280: {  	v0 =	vadd.f32 @p0 v4, v1;
	v1, v4, _ =	vpop @p2 (xrf1)  }
0x281: {  	v1 =	vpsel p2, v1, v35  }
0x282: {  	v0 =	vnsel @p0 vm0, $0x7F800000, v0;
	v4 =	vpsel p2, v4, v34;
	vm0 =	vlt.f32 @p1 v6, v1  }
0x283: {  	(xrf1) =	vsort.ascd.msk.f32 @p0 $0xffff, v0, v2;
	v0 =	vsel @p1 vm0, v6, v1;
	v1 =	vsel @p1 vm0, v7, v4  }
0x284: {  	(xrf1) =	vsort.dscd.msk.f32 @p1 $0xffff, v0, v1;
	v0 =	vld.idx.msk [tilespmem:v3+s5+$0x0], $0xffff  }
0x285: {  	v1 =	vld.idx.msk [tilespmem:v3+s12+$0x0], $0xffff;
	_ =	sdelay $0x1  }
0x286: {  	v2 =	vld.idx.msk [tilespmem:v3+s13+$0x0], $0xffff;
	_ =	sdelay $0x2  }
0x287: {  	v0 =	vsub.f32 v24, v0;
	v1 =	vsub.f32 v40, v1;
	_ =	sdelay $0x1  }
0x288: {  	v2 =	vsub.f32 v41, v2;
	v0 =	vmul.f32 v0, v0;
	v1 =	vmul.f32 v1, v1;
	_ =	sdelay $0x1  }
0x289: {  	v0 =	vadd.f32 v1, v0;
	v1 =	vmul.f32 v2, v2;
	_ =	sdelay $0x2  }
0x28a: {  	v2, v4, _ =	vpop @p0 (xrf1)  }
0x28b: {  	v0 =	vadd.f32 v1, v0;
	v1, v5, _ =	vpop @p1 (xrf1)  }
0x28c: {  	vm14 =	vmmov vm1;
	v1 =	vpsel p1, v1, v35  }
0x28d: {  	v0 =	vnsel vm14, $0x7F800000, v0;
	v5 =	vpsel p1, v5, v34;
	vm0 =	vlt.f32 @p0 v2, v1  }
0x28e: {  	(xrf1) =	vsort.ascd.msk.f32 $0xffff, v0, v3;
	v0 =	vsel @p0 vm0, v2, v1;
	v1 =	vsel @p0 vm0, v4, v5  }
0x28f: {  	(xrf1) =	vsort.dscd.msk.f32 @p0 $0xffff, v0, v1;
	_ =	sdelay $0xc  }
0x290: {  	v0, v1, _ =	vpop (xrf1)  }
0x291: {  	v2, v3, _ =	vpop @p0 (xrf1)  }
0x292: {  	v2 =	vpsel p0, v2, v35  }
0x293: {  	v3 =	vpsel p0, v3, v34;
	vm15 =	vlt.f32 v0, v2  }
0x294: {  	v0 =	vsel vm15, v0, v2;
	v1 =	vsel vm15, v1, v3  }
0x295: {  	(xrf1) =	vsort.dscd.msk.f32 $0xffff, v0, v1;
	_ =	sdelay $0xd  }
0x296: {  	v30 =	vmov v46;
	v35 =	vmov v45;
	v0, v2, _ =	vpop (xrf1)  }
.LBB2_18:
0x297: {  	(xrf1) =	vsort.ascd.msk.f32 $0xffff, v0, v2;
	_ =	sdelay $0x2  }
0x298: {  	s3 =	sadd.s32 $0xF, s30  }
0x299: {  	s14 =	sand.u32 $0xF, s3  }
0x29a: {  	s15 =	sshra.s32 s3, $0x1F;
	p0 =	slt.s32 s3, $0x1;
	p1 =	sne.s32 s14, $0x0  }
0x29b: {  	s15 =	sshrl.u32 s15, $0x1C;
	p0 =	por !p0, !p1  }
0x29c: {  	s14 =	simm.s32 $0x1;
	s3 =	sadd.s32 s15, s3;
	p0 =	por !p0, !p0  }
0x29d: {  	s3 =	sshra.s32 s3, $0x4;
	s14 =	simm.s32 @!p0 $0x0  }
0x29e: {  	s14 =	ssub.s32 s3, s14  }
0x29f: {  	p0 =	slt.s32 s14, $0x1  }
.Ltmp12:
0x2a0: {  	_ = 	snop;
	(pc) =	sbr.rel @p0 .LBB2_28-.Ltmp12, $4  }
0x2a1: {  	_ = 	snop  }
0x2a2: {  	s15 =	sshll.u32 s28, $0xA  }
0x2a3: {  	s30 =	sand.u32 $0x3FFFFC00, s15;
	_, v0, _ =	vpop (xrf1)  }
0x2a4: {  	[tilespmem:s30+$0x16180] =	vst v0  }
0x2a5: {  	p3 =	sne.s32 s14, $0x1  }
.Ltmp13:
0x2a6: {  	_ = 	snop;
	(pc) =	sbr.rel @!p3 .LBB2_20-.Ltmp13, $3  }
0x2a7: {  	_ =	sdelay $0x1  }
0x2a8: {  	s15 =	simm.s32 $0x8180;
	s3 =	simm.s32 $0x0;
	s14 =	sadd.s32 $0xFFFFFFFF, s14  }
0x2a9: {  	v0 =	vbroadcast v30, $0x0;
	v27 =	vimm.f32 $+Inf;
	v26 =	vimm.s32 $0x0;
	p0 =	por $0x0, $0x0;
	p1 =	por $0x0, $0x0;
	p2 =	por $0x0, $0x0;
	v3 =	vld [tilespmem:s15+$0x0]  }
0x2aa: {  	_ =	sdelay $0x1  }
0x2ab: {  	v1 =	vor.u32 s3, v42  }
0x2ac: {  	vm0 =	vlt.s32 v1, v0  }
0x2ad: {  	v2 =	vnsel vm0, $0x0, v3;
	_ =	sdelay $0x4  }
0x2ae: {  	v1 =	vld.idx.msk [tilespmem:v2+s5+$0x0], $0xffff  }
0x2af: {  	v3 =	vld.idx.msk [tilespmem:v2+s12+$0x0], $0xffff;
	_ =	sdelay $0x1  }
0x2b0: {  	p3 =	sne.s32 s14, $0x1;
	v4 =	vld.idx.msk [tilespmem:v2+s13+$0x0], $0xffff  }
.Ltmp14:
0x2b1: {  	_ = 	snop;
	(pc) =	sbr.rel @!p3 .LBB2_22-.Ltmp14, $4  }
0x2b2: {  	_ = 	snop  }
0x2b3: {  	v1 =	vsub.f32 v19, v1;
	v5 =	vsub.f32 v22, v3  }
0x2b4: {  	s15 =	simm.s32 $0x8190;
	vm0 =	vmmov vm0  }
0x2b5: {  	s14 =	sadd.s32 $0xFFFFFFFF, s14;
	s3 =	simm.s32 $0x10;
	p0 =	por $0x1, $0x1;
	v3 =	vld [tilespmem:s15+$0x0];
	v28 =	vsub.f32 v23, v4;
	v32 =	vmul.f32 v1, v1;
	v33 =	vmul.f32 v5, v5  }
0x2b6: {  	_ =	sdelay $0x1  }
0x2b7: {  	v1 =	vor.u32 s3, v42  }
0x2b8: {  	vm1 =	vlt.s32 v1, v0  }
0x2b9: {  	v34 =	vnsel vm1, $0x0, v3;
	_ =	sdelay $0x4  }
0x2ba: {  	v1 =	vld.idx.msk [tilespmem:v34+s5+$0x0], $0xffff  }
0x2bb: {  	v3 =	vld.idx.msk [tilespmem:v34+s12+$0x0], $0xffff  }
0x2bc: {  	v4 =	vadd.f32 v33, v32;
	v5 =	vmul.f32 v28, v28  }
0x2bd: {  	p3 =	sne.s32 s14, $0x1;
	v6 =	vld.idx.msk [tilespmem:v34+s13+$0x0], $0xffff  }
.Ltmp15:
0x2be: {  	v4 =	vadd.f32 v5, v4;
	(pc) =	sbr.rel @!p3 .LBB2_24-.Ltmp15, $4  }
0x2bf: {  	_ = 	snop  }
0x2c0: {  	v4 =	vnsel vm0, $0x7F800000, v4;
	v1 =	vsub.f32 v19, v1;
	v5 =	vsub.f32 v22, v3  }
0x2c1: {  	s15 =	simm.s32 $0x81A0;
	vm0 =	vmmov vm1;
	(xrf1) =	vsort.ascd.msk.f32 $0xffff, v4, v2  }
0x2c2: {  	s3 =	simm.s32 $0x20;
	p1 =	por $0x1, $0x1;
	v3 =	vld [tilespmem:s15+$0x0];
	s15 =	sadd.s32 $0xFFFFFFFF, s14;
	v28 =	vsub.f32 v23, v6;
	v32 =	vmul.f32 v1, v1;
	v33 =	vmul.f32 v5, v5  }
0x2c3: {  	_ =	sdelay $0x5  }
0x2c4: {  	v1 =	vor.u32 s3, v42  }
0x2c5: {  	vm1 =	vlt.s32 v1, v0  }
0x2c6: {  	v2 =	vnsel vm1, $0x0, v3;
	v3 =	vmul.f32 v28, v28  }
0x2c7: {  	v1 =	vadd.f32 v33, v32;
	_ =	sdelay $0x1  }
0x2c8: {  	v1 =	vadd.f32 v3, v1  }
0x2c9: {  	v3, v6, _ =	vpop (xrf1)  }
0x2ca: {  	v1 =	vnsel vm0, $0x7F800000, v1;
	vm0 =	vlt.f32 v3, v27  }
0x2cb: {  	(xrf1) =	vsort.ascd.msk.f32 $0xffff, v1, v34;
	v1 =	vsel vm0, v3, v27;
	v3 =	vsel vm0, v6, v26  }
0x2cc: {  	(xrf1) =	vsort.dscd.msk.f32 $0xffff, v1, v3  }
0x2cd: {  	v4 =	vld.idx.msk [tilespmem:v2+s5+$0x0], $0xffff  }
0x2ce: {  	v5 =	vld.idx.msk [tilespmem:v2+s12+$0x0], $0xffff;
	_ =	sdelay $0x1  }
0x2cf: {  	p3 =	sne.s32 s15, $0x1;
	v7 =	vld.idx.msk [tilespmem:v2+s13+$0x0], $0xffff  }
.Ltmp16:
0x2d0: {  	_ = 	snop;
	(pc) =	sbr.rel @!p3 .LBB2_27-.Ltmp16, $4  }
0x2d1: {  	s14 =	simm.s32 $0x81B0  }
0x2d2: {  	v4 =	vsub.f32 v19, v4;
	v5 =	vsub.f32 v22, v5;
	v3 =	vld [tilespmem:s14+$0x0]  }
0x2d3: {  	vm0 =	vmmov vm1  }
0x2d4: {  	s15 =	sadd.s32 $0xFFFFFFFF, s15;
	s3 =	simm.s32 $0x30;
	p2 =	por $0x1, $0x1;
	v28 =	vsub.f32 v23, v7;
	v32 =	vmul.f32 v4, v4;
	v33 =	vmul.f32 v5, v5  }
.LBB2_26:
0x2d5: {  	p3 =	sne.s32 s15, $0x1;
	v1 =	vor.u32 s3, v42  }
0x2d6: {  	vm1 =	vlt.s32 v1, v0;
	v1 =	vadd.f32 v33, v32;
	v24 =	vmul.f32 v28, v28  }
0x2d7: {  	v3 =	vnsel vm1, $0x0, v3  }
0x2d8: {  	v1 =	vadd.f32 v24, v1;
	v4, v5, _ =	vpop (xrf1)  }
0x2d9: {  	v6, v7, _ =	vpop (xrf1)  }
0x2da: {  	v1 =	vnsel vm0, $0x7F800000, v1;
	vm2 =	vlt.f32 v4, v6;
	vm0 =	vmmov vm1  }
0x2db: {  	(xrf1) =	vsort.ascd.msk.f32 $0xffff, v1, v2;
	v1 =	vsel vm2, v4, v6;
	v4 =	vsel vm2, v5, v7;
	v2 =	vmov v3  }
0x2dc: {  	v5 =	vld.idx.msk [tilespmem:v3+s5+$0x0], $0xffff;
	(xrf1) =	vsort.dscd.msk.f32 $0xffff, v1, v4  }
0x2dd: {  	v1 =	vld.idx.msk [tilespmem:v3+s12+$0x0], $0xffff;
	_ =	sdelay $0x1  }
0x2de: {  	v4 =	vld.idx.msk [tilespmem:v3+s13+$0x0], $0xffff;
	_ =	sdelay $0x1  }
.Ltmp17:
0x2df: {  	(pc) =	sbr.rel @p3 .LBB2_26-.Ltmp17, $3  }
0x2e0: {  	s14 =	sadd.s32 $0x10, s14  }
0x2e1: {  	v5 =	vsub.f32 v19, v5;
	v1 =	vsub.f32 v22, v1;
	v3 =	vld [tilespmem:s14+$0x0];
	_ =	sdelay $0x1  }
0x2e2: {  	s15 =	sadd.s32 $0xFFFFFFFF, s15;
	s3 =	sadd.s32 $0x10, s3;
	v32 =	vmul.f32 v5, v5;
	v28 =	vsub.f32 v23, v4;
	v33 =	vmul.f32 v1, v1  }
.LBB2_27:
0x2e3: {  	_ = 	snop  }
0x2e4: {  	v4 =	vmul.f32 @p0 v28, v28  }
0x2e5: {  	v1 =	vadd.f32 @p0 v33, v32;
	_ =	sdelay $0x2  }
0x2e6: {  	v5 =	vor.u32 s3, v42;
	v6, v7, _ =	vpop @p1 (xrf1)  }
0x2e7: {  	vm1 =	vlt.s32 v5, v0;
	v0 =	vadd.f32 @p0 v4, v1;
	v1, v4, _ =	vpop @p2 (xrf1)  }
0x2e8: {  	v3 =	vnsel vm1, $0x0, v3;
	v1 =	vpsel p2, v1, v27  }
0x2e9: {  	v0 =	vnsel @p0 vm0, $0x7F800000, v0;
	v4 =	vpsel p2, v4, v26;
	vm0 =	vlt.f32 @p1 v6, v1  }
0x2ea: {  	(xrf1) =	vsort.ascd.msk.f32 @p0 $0xffff, v0, v2;
	v0 =	vsel @p1 vm0, v6, v1;
	v1 =	vsel @p1 vm0, v7, v4  }
0x2eb: {  	(xrf1) =	vsort.dscd.msk.f32 @p1 $0xffff, v0, v1;
	_ =	sdelay $0x1  }
0x2ec: {  	v60 =	vld.idx.msk [tilespmem:v3+s5+$0x0], $0xffff  }
0x2ed: {  	v61 =	vld.idx.msk [tilespmem:v3+s12+$0x0], $0xffff  }
0x2ee: {  	v62 =	vld.idx.msk [tilespmem:v3+s13+$0x0], $0xffff;
	_ =	sdelay $0x3  }
0x2ef: {  	v0 =	vsub.f32 v19, v60;
	v1 =	vsub.f32 v22, v61  }
0x2f0: {  	v2 =	vsub.f32 v23, v62  }
0x2f1: {  	v0 =	vmul.f32 v0, v0;
	v1 =	vmul.f32 v1, v1;
	_ =	sdelay $0x1  }
0x2f2: {  	v63 =	vmul.f32 v2, v2;
	v0 =	vadd.f32 v1, v0  }
0x2f3: {  	v2, v4, _ =	vpop @p0 (xrf1)  }
0x2f4: {  	v0 =	vadd.f32 v63, v0;
	v1, v5, _ =	vpop @p1 (xrf1)  }
0x2f5: {  	vm14 =	vmmov vm1;
	v1 =	vpsel p1, v1, v27  }
0x2f6: {  	v0 =	vnsel vm14, $0x7F800000, v0;
	v5 =	vpsel p1, v5, v26;
	vm0 =	vlt.f32 @p0 v2, v1  }
0x2f7: {  	(xrf1) =	vsort.ascd.msk.f32 $0xffff, v0, v3;
	v0 =	vsel @p0 vm0, v2, v1;
	v1 =	vsel @p0 vm0, v4, v5  }
0x2f8: {  	(xrf1) =	vsort.dscd.msk.f32 @p0 $0xffff, v0, v1;
	_ =	sdelay $0xc  }
0x2f9: {  	v0, v1, _ =	vpop (xrf1)  }
0x2fa: {  	v2, v3, _ =	vpop @p0 (xrf1)  }
0x2fb: {  	v2 =	vpsel p0, v2, v27  }
0x2fc: {  	v3 =	vpsel p0, v3, v26;
	vm15 =	vlt.f32 v0, v2  }
0x2fd: {  	v0 =	vsel vm15, v0, v2;
	v1 =	vsel vm15, v1, v3  }
0x2fe: {  	(xrf1) =	vsort.dscd.msk.f32 $0xffff, v0, v1;
	_ =	sdelay $0xb  }
0x2ff: {  	v28 =	vld [tilespmem:$0x1FFD0]  }
0x300: {  	v26 =	vld [tilespmem:$0x1FFB0]  }
0x301: {  	v27 =	vld [tilespmem:$0x1FFC0];
	v33, v32, _ =	vpop (xrf1)  }
.LBB2_28:
0x302: {  	(xrf1) =	vsort.ascd.msk.f32 $0xffff, v33, v32;
	_ =	sdelay $0x2  }
0x303: {  	s1 =	sadd.s32 $0xF, s1  }
0x304: {  	s3 =	sand.u32 $0xF, s1  }
0x305: {  	s15 =	sshra.s32 s1, $0x1F;
	p1 =	slt.s32 s1, $0x1;
	p0 =	sne.s32 s3, $0x0  }
0x306: {  	s3 =	sshrl.u32 s15, $0x1C;
	p0 =	por !p1, !p0  }
0x307: {  	s1 =	sadd.s32 s3, s1;
	s3 =	simm.s32 $0x1;
	p0 =	por !p0, !p0  }
0x308: {  	s1 =	sshra.s32 s1, $0x4;
	s3 =	simm.s32 @!p0 $0x0  }
0x309: {  	s3 =	ssub.s32 s1, s3  }
0x30a: {  	p0 =	slt.s32 s3, $0x1  }
.Ltmp18:
0x30b: {  	_ = 	snop;
	(pc) =	sbr.rel @p0 .LBB2_38-.Ltmp18, $3  }
0x30c: {  	_ =	sdelay $0x1  }
0x30d: {  	v22 =	vimm.s32 $0x0;
	_, v0, _ =	vpop (xrf1)  }
0x30e: {  	v23 =	vimm.f32 $+Inf;
	v2 =	vimm.s32 $0x0;
	[tilespmem:s30+$0x16200] =	vst v0;
	v0 =	vimm.f32 $+Inf  }
0x30f: {  	p3 =	sne.s32 s3, $0x1  }
.Ltmp19:
0x310: {  	_ = 	snop;
	(pc) =	sbr.rel @!p3 .LBB2_30-.Ltmp19, $3  }
0x311: {  	_ =	sdelay $0x1  }
0x312: {  	s14 =	simm.s32 $0xA180;
	s1 =	simm.s32 $0x0;
	s3 =	sadd.s32 $0xFFFFFFFF, s3  }
0x313: {  	v0 =	vbroadcast v35, $0x0;
	v26 =	vimm.f32 $+Inf;
	v24 =	vimm.s32 $0x0;
	p0 =	por $0x0, $0x0;
	p1 =	por $0x0, $0x0;
	p2 =	por $0x0, $0x0;
	v3 =	vld [tilespmem:s14+$0x0]  }
0x314: {  	_ =	sdelay $0x1  }
0x315: {  	v1 =	vor.u32 s1, v42  }
0x316: {  	vm0 =	vlt.s32 v1, v0  }
0x317: {  	v2 =	vnsel vm0, $0x0, v3;
	_ =	sdelay $0x4  }
0x318: {  	v1 =	vld.idx.msk [tilespmem:v2+s5+$0x0], $0xffff  }
0x319: {  	v3 =	vld.idx.msk [tilespmem:v2+s12+$0x0], $0xffff;
	_ =	sdelay $0x1  }
0x31a: {  	p3 =	sne.s32 s3, $0x1;
	v4 =	vld.idx.msk [tilespmem:v2+s13+$0x0], $0xffff  }
.Ltmp20:
0x31b: {  	_ = 	snop;
	(pc) =	sbr.rel @!p3 .LBB2_32-.Ltmp20, $4  }
0x31c: {  	_ = 	snop  }
0x31d: {  	v1 =	vsub.f32 v16, v1;
	v5 =	vsub.f32 v18, v3  }
0x31e: {  	s15 =	simm.s32 $0xA190;
	vm0 =	vmmov vm0  }
0x31f: {  	s3 =	sadd.s32 $0xFFFFFFFF, s3;
	s1 =	simm.s32 $0x10;
	p0 =	por $0x1, $0x1;
	v3 =	vld [tilespmem:s15+$0x0];
	v27 =	vsub.f32 v20, v4;
	v28 =	vmul.f32 v1, v1;
	v31 =	vmul.f32 v5, v5  }
0x320: {  	_ =	sdelay $0x1  }
0x321: {  	v1 =	vor.u32 s1, v42  }
0x322: {  	vm1 =	vlt.s32 v1, v0  }
0x323: {  	v32 =	vnsel vm1, $0x0, v3;
	_ =	sdelay $0x4  }
0x324: {  	v1 =	vld.idx.msk [tilespmem:v32+s5+$0x0], $0xffff  }
0x325: {  	v3 =	vld.idx.msk [tilespmem:v32+s12+$0x0], $0xffff  }
0x326: {  	v4 =	vadd.f32 v31, v28;
	v5 =	vmul.f32 v27, v27  }
0x327: {  	p3 =	sne.s32 s3, $0x1;
	v6 =	vld.idx.msk [tilespmem:v32+s13+$0x0], $0xffff  }
.Ltmp21:
0x328: {  	v4 =	vadd.f32 v5, v4;
	(pc) =	sbr.rel @!p3 .LBB2_34-.Ltmp21, $4  }
0x329: {  	_ = 	snop  }
0x32a: {  	v4 =	vnsel vm0, $0x7F800000, v4;
	v1 =	vsub.f32 v16, v1;
	v5 =	vsub.f32 v18, v3  }
0x32b: {  	s15 =	simm.s32 $0xA1A0;
	vm0 =	vmmov vm1;
	(xrf1) =	vsort.ascd.msk.f32 $0xffff, v4, v2  }
0x32c: {  	s14 =	sadd.s32 $0xFFFFFFFF, s3;
	s1 =	simm.s32 $0x20;
	p1 =	por $0x1, $0x1;
	v3 =	vld [tilespmem:s15+$0x0];
	v27 =	vsub.f32 v20, v6;
	v28 =	vmul.f32 v1, v1;
	v31 =	vmul.f32 v5, v5  }
0x32d: {  	_ =	sdelay $0x5  }
0x32e: {  	v1 =	vor.u32 s1, v42  }
0x32f: {  	vm1 =	vlt.s32 v1, v0  }
0x330: {  	v2 =	vnsel vm1, $0x0, v3;
	v3 =	vmul.f32 v27, v27  }
0x331: {  	v1 =	vadd.f32 v31, v28;
	_ =	sdelay $0x1  }
0x332: {  	v1 =	vadd.f32 v3, v1  }
0x333: {  	v3, v6, _ =	vpop (xrf1)  }
0x334: {  	v1 =	vnsel vm0, $0x7F800000, v1;
	vm0 =	vlt.f32 v3, v26  }
0x335: {  	(xrf1) =	vsort.ascd.msk.f32 $0xffff, v1, v32;
	v1 =	vsel vm0, v3, v26;
	v3 =	vsel vm0, v6, v24  }
0x336: {  	(xrf1) =	vsort.dscd.msk.f32 $0xffff, v1, v3  }
0x337: {  	v4 =	vld.idx.msk [tilespmem:v2+s5+$0x0], $0xffff  }
0x338: {  	v5 =	vld.idx.msk [tilespmem:v2+s12+$0x0], $0xffff;
	_ =	sdelay $0x1  }
0x339: {  	p3 =	sne.s32 s14, $0x1;
	v7 =	vld.idx.msk [tilespmem:v2+s13+$0x0], $0xffff  }
.Ltmp22:
0x33a: {  	_ = 	snop;
	(pc) =	sbr.rel @!p3 .LBB2_37-.Ltmp22, $4  }
0x33b: {  	s3 =	simm.s32 $0xA1B0  }
0x33c: {  	v4 =	vsub.f32 v16, v4;
	v5 =	vsub.f32 v18, v5;
	v3 =	vld [tilespmem:s3+$0x0]  }
0x33d: {  	vm0 =	vmmov vm1  }
0x33e: {  	s14 =	sadd.s32 $0xFFFFFFFF, s14;
	s1 =	simm.s32 $0x30;
	p2 =	por $0x1, $0x1;
	v27 =	vsub.f32 v20, v7;
	v28 =	vmul.f32 v4, v4;
	v31 =	vmul.f32 v5, v5  }
.LBB2_36:
0x33f: {  	p3 =	sne.s32 s14, $0x1;
	v1 =	vor.u32 s1, v42  }
0x340: {  	vm1 =	vlt.s32 v1, v0;
	v1 =	vadd.f32 v31, v28;
	v19 =	vmul.f32 v27, v27  }
0x341: {  	v3 =	vnsel vm1, $0x0, v3  }
0x342: {  	v1 =	vadd.f32 v19, v1;
	v4, v5, _ =	vpop (xrf1)  }
0x343: {  	v6, v7, _ =	vpop (xrf1)  }
0x344: {  	v1 =	vnsel vm0, $0x7F800000, v1;
	vm2 =	vlt.f32 v4, v6;
	vm0 =	vmmov vm1  }
0x345: {  	(xrf1) =	vsort.ascd.msk.f32 $0xffff, v1, v2;
	v1 =	vsel vm2, v4, v6;
	v4 =	vsel vm2, v5, v7;
	v2 =	vmov v3  }
0x346: {  	v5 =	vld.idx.msk [tilespmem:v3+s5+$0x0], $0xffff;
	(xrf1) =	vsort.dscd.msk.f32 $0xffff, v1, v4  }
0x347: {  	v1 =	vld.idx.msk [tilespmem:v3+s12+$0x0], $0xffff;
	_ =	sdelay $0x1  }
0x348: {  	v4 =	vld.idx.msk [tilespmem:v3+s13+$0x0], $0xffff;
	_ =	sdelay $0x1  }
.Ltmp23:
0x349: {  	(pc) =	sbr.rel @p3 .LBB2_36-.Ltmp23, $3  }
0x34a: {  	s3 =	sadd.s32 $0x10, s3  }
0x34b: {  	v5 =	vsub.f32 v16, v5;
	v1 =	vsub.f32 v18, v1;
	v3 =	vld [tilespmem:s3+$0x0];
	_ =	sdelay $0x1  }
0x34c: {  	s14 =	sadd.s32 $0xFFFFFFFF, s14;
	s1 =	sadd.s32 $0x10, s1;
	v28 =	vmul.f32 v5, v5;
	v27 =	vsub.f32 v20, v4;
	v31 =	vmul.f32 v1, v1  }
.LBB2_37:
0x34d: {  	_ = 	snop  }
0x34e: {  	v4 =	vmul.f32 @p0 v27, v27  }
0x34f: {  	v1 =	vadd.f32 @p0 v31, v28  }
0x350: {  	v5 =	vor.u32 s1, v42  }
0x351: {  	vm1 =	vlt.s32 v5, v0  }
0x352: {  	v3 =	vnsel vm1, $0x0, v3;
	v6, v7, _ =	vpop @p1 (xrf1)  }
0x353: {  	v0 =	vadd.f32 @p0 v4, v1;
	v1, v4, _ =	vpop @p2 (xrf1)  }
0x354: {  	v1 =	vpsel p2, v1, v26  }
0x355: {  	v0 =	vnsel @p0 vm0, $0x7F800000, v0;
	v4 =	vpsel p2, v4, v24;
	vm0 =	vlt.f32 @p1 v6, v1  }
0x356: {  	(xrf1) =	vsort.ascd.msk.f32 @p0 $0xffff, v0, v2;
	v0 =	vsel @p1 vm0, v6, v1;
	v1 =	vsel @p1 vm0, v7, v4  }
0x357: {  	(xrf1) =	vsort.dscd.msk.f32 @p1 $0xffff, v0, v1;
	v0 =	vld.idx.msk [tilespmem:v3+s5+$0x0], $0xffff  }
0x358: {  	v1 =	vld.idx.msk [tilespmem:v3+s12+$0x0], $0xffff;
	_ =	sdelay $0x1  }
0x359: {  	v2 =	vld.idx.msk [tilespmem:v3+s13+$0x0], $0xffff;
	_ =	sdelay $0x2  }
0x35a: {  	v0 =	vsub.f32 v16, v0;
	v1 =	vsub.f32 v18, v1;
	_ =	sdelay $0x1  }
0x35b: {  	v2 =	vsub.f32 v20, v2;
	v0 =	vmul.f32 v0, v0;
	v1 =	vmul.f32 v1, v1;
	_ =	sdelay $0x1  }
0x35c: {  	v0 =	vadd.f32 v1, v0;
	v1 =	vmul.f32 v2, v2;
	_ =	sdelay $0x2  }
0x35d: {  	v2, v4, _ =	vpop @p0 (xrf1)  }
0x35e: {  	v0 =	vadd.f32 v1, v0;
	v1, v5, _ =	vpop @p1 (xrf1)  }
0x35f: {  	vm14 =	vmmov vm1;
	v1 =	vpsel p1, v1, v26  }
0x360: {  	v0 =	vnsel vm14, $0x7F800000, v0;
	v5 =	vpsel p1, v5, v24;
	vm0 =	vlt.f32 @p0 v2, v1  }
0x361: {  	(xrf1) =	vsort.ascd.msk.f32 $0xffff, v0, v3;
	v0 =	vsel @p0 vm0, v2, v1;
	v1 =	vsel @p0 vm0, v4, v5  }
0x362: {  	(xrf1) =	vsort.dscd.msk.f32 @p0 $0xffff, v0, v1;
	_ =	sdelay $0xc  }
0x363: {  	v0, v1, _ =	vpop (xrf1)  }
0x364: {  	v2, v3, _ =	vpop @p0 (xrf1)  }
0x365: {  	v2 =	vpsel p0, v2, v26  }
0x366: {  	v3 =	vpsel p0, v3, v24;
	vm15 =	vlt.f32 v0, v2  }
0x367: {  	v0 =	vsel vm15, v0, v2;
	v1 =	vsel vm15, v1, v3  }
0x368: {  	(xrf1) =	vsort.dscd.msk.f32 $0xffff, v0, v1;
	_ =	sdelay $0xb  }
0x369: {  	v27 =	vld [tilespmem:$0x1FFC0]  }
0x36a: {  	v28 =	vld [tilespmem:$0x1FFD0]  }
0x36b: {  	v26 =	vld [tilespmem:$0x1FFB0];
	v0, v2, _ =	vpop (xrf1)  }
.LBB2_38:
0x36c: {  	(xrf1) =	vsort.ascd.msk.f32 $0xffff, v0, v2;
	_ =	sdelay $0x2  }
0x36d: {  	s0 =	sadd.s32 $0xF, s0  }
0x36e: {  	s1 =	sand.u32 $0xF, s0  }
0x36f: {  	s15 =	sshra.s32 s0, $0x1F;
	p1 =	slt.s32 s0, $0x1;
	p0 =	sne.s32 s1, $0x0  }
0x370: {  	s1 =	sshrl.u32 s15, $0x1C;
	p0 =	por !p1, !p0  }
0x371: {  	s0 =	sadd.s32 s1, s0;
	s1 =	simm.s32 $0x1;
	p0 =	por !p0, !p0  }
0x372: {  	s0 =	sshra.s32 s0, $0x4;
	s1 =	simm.s32 @!p0 $0x0  }
0x373: {  	s1 =	ssub.s32 s0, s1  }
0x374: {  	p0 =	slt.s32 s1, $0x1  }
.Ltmp24:
0x375: {  	_ = 	snop;
	(pc) =	sbr.rel @p0 .LBB2_48-.Ltmp24, $3  }
0x376: {  	_ =	sdelay $0x1  }
0x377: {  	_, v0, _ =	vpop (xrf1)  }
0x378: {  	[tilespmem:s30+$0x16280] =	vst v0  }
0x379: {  	p3 =	sne.s32 s1, $0x1  }
.Ltmp25:
0x37a: {  	_ = 	snop;
	(pc) =	sbr.rel @!p3 .LBB2_40-.Ltmp25, $3  }
0x37b: {  	_ =	sdelay $0x1  }
0x37c: {  	s3 =	simm.s32 $0xC180;
	s0 =	simm.s32 $0x0;
	s1 =	sadd.s32 $0xFFFFFFFF, s1  }
0x37d: {  	v0 =	vbroadcast v39, $0x0;
	v19 =	vimm.f32 $+Inf;
	v18 =	vimm.s32 $0x0;
	p0 =	por $0x0, $0x0;
	p1 =	por $0x0, $0x0;
	p2 =	por $0x0, $0x0;
	v3 =	vld [tilespmem:s3+$0x0]  }
0x37e: {  	_ =	sdelay $0x1  }
0x37f: {  	v1 =	vor.u32 s0, v42  }
0x380: {  	vm0 =	vlt.s32 v1, v0  }
0x381: {  	v2 =	vnsel vm0, $0x0, v3;
	_ =	sdelay $0x4  }
0x382: {  	v1 =	vld.idx.msk [tilespmem:v2+s5+$0x0], $0xffff  }
0x383: {  	v3 =	vld.idx.msk [tilespmem:v2+s12+$0x0], $0xffff;
	_ =	sdelay $0x1  }
0x384: {  	p3 =	sne.s32 s1, $0x1;
	v4 =	vld.idx.msk [tilespmem:v2+s13+$0x0], $0xffff  }
.Ltmp26:
0x385: {  	_ = 	snop;
	(pc) =	sbr.rel @!p3 .LBB2_42-.Ltmp26, $4  }
0x386: {  	_ = 	snop  }
0x387: {  	v1 =	vsub.f32 v14, v1;
	v5 =	vsub.f32 v15, v3  }
0x388: {  	s15 =	simm.s32 $0xC190;
	vm0 =	vmmov vm0  }
0x389: {  	s1 =	sadd.s32 $0xFFFFFFFF, s1;
	s0 =	simm.s32 $0x10;
	p0 =	por $0x1, $0x1;
	v3 =	vld [tilespmem:s15+$0x0];
	v20 =	vsub.f32 v28, v4;
	v22 =	vmul.f32 v1, v1;
	v23 =	vmul.f32 v5, v5  }
0x38a: {  	_ =	sdelay $0x1  }
0x38b: {  	v1 =	vor.u32 s0, v42  }
0x38c: {  	vm1 =	vlt.s32 v1, v0  }
0x38d: {  	v24 =	vnsel vm1, $0x0, v3;
	_ =	sdelay $0x4  }
0x38e: {  	v1 =	vld.idx.msk [tilespmem:v24+s5+$0x0], $0xffff  }
0x38f: {  	v3 =	vld.idx.msk [tilespmem:v24+s12+$0x0], $0xffff  }
0x390: {  	v4 =	vadd.f32 v23, v22;
	v5 =	vmul.f32 v20, v20  }
0x391: {  	p3 =	sne.s32 s1, $0x1;
	v6 =	vld.idx.msk [tilespmem:v24+s13+$0x0], $0xffff  }
.Ltmp27:
0x392: {  	v4 =	vadd.f32 v5, v4;
	(pc) =	sbr.rel @!p3 .LBB2_44-.Ltmp27, $4  }
0x393: {  	_ = 	snop  }
0x394: {  	v4 =	vnsel vm0, $0x7F800000, v4;
	v1 =	vsub.f32 v14, v1;
	v5 =	vsub.f32 v15, v3  }
0x395: {  	s15 =	simm.s32 $0xC1A0;
	vm0 =	vmmov vm1;
	(xrf1) =	vsort.ascd.msk.f32 $0xffff, v4, v2  }
0x396: {  	s3 =	sadd.s32 $0xFFFFFFFF, s1;
	s0 =	simm.s32 $0x20;
	p1 =	por $0x1, $0x1;
	v3 =	vld [tilespmem:s15+$0x0];
	v20 =	vsub.f32 v28, v6;
	v22 =	vmul.f32 v1, v1;
	v23 =	vmul.f32 v5, v5  }
0x397: {  	_ =	sdelay $0x5  }
0x398: {  	v1 =	vor.u32 s0, v42  }
0x399: {  	vm1 =	vlt.s32 v1, v0  }
0x39a: {  	v2 =	vnsel vm1, $0x0, v3;
	v3 =	vmul.f32 v20, v20  }
0x39b: {  	v1 =	vadd.f32 v23, v22;
	_ =	sdelay $0x1  }
0x39c: {  	v1 =	vadd.f32 v3, v1  }
0x39d: {  	v3, v6, _ =	vpop (xrf1)  }
0x39e: {  	v1 =	vnsel vm0, $0x7F800000, v1;
	vm0 =	vlt.f32 v3, v19  }
0x39f: {  	(xrf1) =	vsort.ascd.msk.f32 $0xffff, v1, v24;
	v1 =	vsel vm0, v3, v19;
	v3 =	vsel vm0, v6, v18  }
0x3a0: {  	(xrf1) =	vsort.dscd.msk.f32 $0xffff, v1, v3  }
0x3a1: {  	v4 =	vld.idx.msk [tilespmem:v2+s5+$0x0], $0xffff  }
0x3a2: {  	v5 =	vld.idx.msk [tilespmem:v2+s12+$0x0], $0xffff;
	_ =	sdelay $0x1  }
0x3a3: {  	p3 =	sne.s32 s3, $0x1;
	v7 =	vld.idx.msk [tilespmem:v2+s13+$0x0], $0xffff  }
.Ltmp28:
0x3a4: {  	_ = 	snop;
	(pc) =	sbr.rel @!p3 .LBB2_47-.Ltmp28, $4  }
0x3a5: {  	s1 =	simm.s32 $0xC1B0  }
0x3a6: {  	v4 =	vsub.f32 v14, v4;
	v5 =	vsub.f32 v15, v5;
	v3 =	vld [tilespmem:s1+$0x0]  }
0x3a7: {  	vm0 =	vmmov vm1  }
0x3a8: {  	s3 =	sadd.s32 $0xFFFFFFFF, s3;
	s0 =	simm.s32 $0x30;
	p2 =	por $0x1, $0x1;
	v20 =	vsub.f32 v28, v7;
	v22 =	vmul.f32 v4, v4;
	v23 =	vmul.f32 v5, v5  }
.LBB2_46:
0x3a9: {  	p3 =	sne.s32 s3, $0x1;
	v1 =	vor.u32 s0, v42  }
0x3aa: {  	vm1 =	vlt.s32 v1, v0;
	v1 =	vadd.f32 v23, v22;
	v16 =	vmul.f32 v20, v20  }
0x3ab: {  	v3 =	vnsel vm1, $0x0, v3  }
0x3ac: {  	v1 =	vadd.f32 v16, v1;
	v4, v5, _ =	vpop (xrf1)  }
0x3ad: {  	v6, v7, _ =	vpop (xrf1)  }
0x3ae: {  	v1 =	vnsel vm0, $0x7F800000, v1;
	vm2 =	vlt.f32 v4, v6;
	vm0 =	vmmov vm1  }
0x3af: {  	(xrf1) =	vsort.ascd.msk.f32 $0xffff, v1, v2;
	v1 =	vsel vm2, v4, v6;
	v4 =	vsel vm2, v5, v7;
	v2 =	vmov v3  }
0x3b0: {  	v5 =	vld.idx.msk [tilespmem:v3+s5+$0x0], $0xffff;
	(xrf1) =	vsort.dscd.msk.f32 $0xffff, v1, v4  }
0x3b1: {  	v1 =	vld.idx.msk [tilespmem:v3+s12+$0x0], $0xffff;
	_ =	sdelay $0x1  }
0x3b2: {  	v4 =	vld.idx.msk [tilespmem:v3+s13+$0x0], $0xffff;
	_ =	sdelay $0x1  }
.Ltmp29:
0x3b3: {  	(pc) =	sbr.rel @p3 .LBB2_46-.Ltmp29, $3  }
0x3b4: {  	s1 =	sadd.s32 $0x10, s1  }
0x3b5: {  	v5 =	vsub.f32 v14, v5;
	v1 =	vsub.f32 v15, v1;
	v3 =	vld [tilespmem:s1+$0x0];
	_ =	sdelay $0x1  }
0x3b6: {  	s3 =	sadd.s32 $0xFFFFFFFF, s3;
	s0 =	sadd.s32 $0x10, s0;
	v22 =	vmul.f32 v5, v5;
	v20 =	vsub.f32 v28, v4;
	v23 =	vmul.f32 v1, v1  }
.LBB2_47:
0x3b7: {  	_ = 	snop  }
0x3b8: {  	v4 =	vmul.f32 @p0 v20, v20  }
0x3b9: {  	v1 =	vadd.f32 @p0 v23, v22;
	_ =	sdelay $0x2  }
0x3ba: {  	v5 =	vor.u32 s0, v42;
	v6, v7, _ =	vpop @p1 (xrf1)  }
0x3bb: {  	vm1 =	vlt.s32 v5, v0;
	v0 =	vadd.f32 @p0 v4, v1;
	v1, v4, _ =	vpop @p2 (xrf1)  }
0x3bc: {  	v3 =	vnsel vm1, $0x0, v3;
	v1 =	vpsel p2, v1, v19  }
0x3bd: {  	v0 =	vnsel @p0 vm0, $0x7F800000, v0;
	v4 =	vpsel p2, v4, v18;
	vm0 =	vlt.f32 @p1 v6, v1  }
0x3be: {  	(xrf1) =	vsort.ascd.msk.f32 @p0 $0xffff, v0, v2;
	v0 =	vsel @p1 vm0, v6, v1;
	v1 =	vsel @p1 vm0, v7, v4  }
0x3bf: {  	(xrf1) =	vsort.dscd.msk.f32 @p1 $0xffff, v0, v1;
	_ =	sdelay $0x1  }
0x3c0: {  	v60 =	vld.idx.msk [tilespmem:v3+s5+$0x0], $0xffff  }
0x3c1: {  	v61 =	vld.idx.msk [tilespmem:v3+s12+$0x0], $0xffff  }
0x3c2: {  	v62 =	vld.idx.msk [tilespmem:v3+s13+$0x0], $0xffff;
	_ =	sdelay $0x3  }
0x3c3: {  	v0 =	vsub.f32 v14, v60;
	v1 =	vsub.f32 v15, v61  }
0x3c4: {  	v2 =	vsub.f32 v28, v62  }
0x3c5: {  	v0 =	vmul.f32 v0, v0;
	v1 =	vmul.f32 v1, v1;
	_ =	sdelay $0x1  }
0x3c6: {  	v63 =	vmul.f32 v2, v2;
	v0 =	vadd.f32 v1, v0  }
0x3c7: {  	v2, v4, _ =	vpop @p0 (xrf1)  }
0x3c8: {  	v0 =	vadd.f32 v63, v0;
	v1, v5, _ =	vpop @p1 (xrf1)  }
0x3c9: {  	vm14 =	vmmov vm1;
	v1 =	vpsel p1, v1, v19  }
0x3ca: {  	v0 =	vnsel vm14, $0x7F800000, v0;
	v5 =	vpsel p1, v5, v18;
	vm0 =	vlt.f32 @p0 v2, v1  }
0x3cb: {  	(xrf1) =	vsort.ascd.msk.f32 $0xffff, v0, v3;
	v0 =	vsel @p0 vm0, v2, v1;
	v1 =	vsel @p0 vm0, v4, v5  }
0x3cc: {  	(xrf1) =	vsort.dscd.msk.f32 @p0 $0xffff, v0, v1;
	_ =	sdelay $0xc  }
0x3cd: {  	v0, v1, _ =	vpop (xrf1)  }
0x3ce: {  	v2, v3, _ =	vpop @p0 (xrf1)  }
0x3cf: {  	v2 =	vpsel p0, v2, v19  }
0x3d0: {  	v3 =	vpsel p0, v3, v18;
	vm15 =	vlt.f32 v0, v2  }
0x3d1: {  	v0 =	vsel vm15, v0, v2;
	v1 =	vsel vm15, v1, v3  }
0x3d2: {  	(xrf1) =	vsort.dscd.msk.f32 $0xffff, v0, v1;
	_ =	sdelay $0xd  }
0x3d3: {  	v23, v22, _ =	vpop (xrf1)  }
.LBB2_48:
0x3d4: {  	(xrf1) =	vsort.ascd.msk.f32 $0xffff, v23, v22;
	_ =	sdelay $0x2  }
0x3d5: {  	s0 =	sadd.s32 $0xF, s4  }
0x3d6: {  	s1 =	sand.u32 $0xF, s0  }
0x3d7: {  	s15 =	sshra.s32 s0, $0x1F;
	p1 =	slt.s32 s0, $0x1;
	p0 =	sne.s32 s1, $0x0  }
0x3d8: {  	s1 =	sshrl.u32 s15, $0x1C;
	p0 =	por !p1, !p0  }
0x3d9: {  	s0 =	sadd.s32 s1, s0;
	s1 =	simm.s32 $0x1;
	p0 =	por !p0, !p0  }
0x3da: {  	s0 =	sshra.s32 s0, $0x4;
	s1 =	simm.s32 @!p0 $0x0  }
0x3db: {  	s1 =	ssub.s32 s0, s1  }
0x3dc: {  	p0 =	slt.s32 s1, $0x1  }
.Ltmp30:
0x3dd: {  	_ = 	snop;
	(pc) =	sbr.rel @p0 .LBB2_58-.Ltmp30, $3  }
0x3de: {  	_ =	sdelay $0x1  }
0x3df: {  	v14 =	vimm.s32 $0x0;
	_, v0, _ =	vpop (xrf1)  }
0x3e0: {  	v15 =	vimm.f32 $+Inf;
	v2 =	vimm.s32 $0x0;
	v24 =	vld [tilespmem:$0x1FFA0];
	[tilespmem:s30+$0x16300] =	vst v0;
	v0 =	vimm.f32 $+Inf  }
0x3e1: {  	p3 =	sne.s32 s1, $0x1  }
.Ltmp31:
0x3e2: {  	_ = 	snop;
	(pc) =	sbr.rel @!p3 .LBB2_50-.Ltmp31, $3  }
0x3e3: {  	_ =	sdelay $0x1  }
0x3e4: {  	s3 =	simm.s32 $0xE180;
	s0 =	simm.s32 $0x0;
	s1 =	sadd.s32 $0xFFFFFFFF, s1  }
0x3e5: {  	v0 =	vbroadcast v43, $0x0;
	v18 =	vimm.f32 $+Inf;
	v16 =	vimm.s32 $0x0;
	p0 =	por $0x0, $0x0;
	p1 =	por $0x0, $0x0;
	p2 =	por $0x0, $0x0;
	v3 =	vld [tilespmem:s3+$0x0]  }
0x3e6: {  	_ =	sdelay $0x1  }
0x3e7: {  	v1 =	vor.u32 s0, v42  }
0x3e8: {  	vm0 =	vlt.s32 v1, v0  }
0x3e9: {  	v2 =	vnsel vm0, $0x0, v3;
	_ =	sdelay $0x4  }
0x3ea: {  	v1 =	vld.idx.msk [tilespmem:v2+s5+$0x0], $0xffff  }
0x3eb: {  	v3 =	vld.idx.msk [tilespmem:v2+s12+$0x0], $0xffff;
	_ =	sdelay $0x1  }
0x3ec: {  	p3 =	sne.s32 s1, $0x1;
	v4 =	vld.idx.msk [tilespmem:v2+s13+$0x0], $0xffff  }
.Ltmp32:
0x3ed: {  	_ = 	snop;
	(pc) =	sbr.rel @!p3 .LBB2_52-.Ltmp32, $4  }
0x3ee: {  	_ = 	snop  }
0x3ef: {  	v1 =	vsub.f32 v9, v1;
	v5 =	vsub.f32 v10, v3  }
0x3f0: {  	s15 =	simm.s32 $0xE190;
	vm0 =	vmmov vm0  }
0x3f1: {  	s1 =	sadd.s32 $0xFFFFFFFF, s1;
	s0 =	simm.s32 $0x10;
	p0 =	por $0x1, $0x1;
	v3 =	vld [tilespmem:s15+$0x0];
	v19 =	vsub.f32 v27, v4;
	v20 =	vmul.f32 v1, v1;
	v22 =	vmul.f32 v5, v5  }
0x3f2: {  	_ =	sdelay $0x1  }
0x3f3: {  	v1 =	vor.u32 s0, v42  }
0x3f4: {  	vm1 =	vlt.s32 v1, v0  }
0x3f5: {  	v23 =	vnsel vm1, $0x0, v3;
	_ =	sdelay $0x4  }
0x3f6: {  	v1 =	vld.idx.msk [tilespmem:v23+s5+$0x0], $0xffff  }
0x3f7: {  	v3 =	vld.idx.msk [tilespmem:v23+s12+$0x0], $0xffff  }
0x3f8: {  	v4 =	vadd.f32 v22, v20;
	v5 =	vmul.f32 v19, v19  }
0x3f9: {  	p3 =	sne.s32 s1, $0x1;
	v6 =	vld.idx.msk [tilespmem:v23+s13+$0x0], $0xffff  }
.Ltmp33:
0x3fa: {  	v4 =	vadd.f32 v5, v4;
	(pc) =	sbr.rel @!p3 .LBB2_54-.Ltmp33, $4  }
0x3fb: {  	_ = 	snop  }
0x3fc: {  	v4 =	vnsel vm0, $0x7F800000, v4;
	v1 =	vsub.f32 v9, v1;
	v5 =	vsub.f32 v10, v3  }
0x3fd: {  	s15 =	simm.s32 $0xE1A0;
	vm0 =	vmmov vm1;
	(xrf1) =	vsort.ascd.msk.f32 $0xffff, v4, v2  }
0x3fe: {  	s3 =	sadd.s32 $0xFFFFFFFF, s1;
	s0 =	simm.s32 $0x20;
	p1 =	por $0x1, $0x1;
	v3 =	vld [tilespmem:s15+$0x0];
	v19 =	vsub.f32 v27, v6;
	v20 =	vmul.f32 v1, v1;
	v22 =	vmul.f32 v5, v5  }
0x3ff: {  	_ =	sdelay $0x5  }
0x400: {  	v1 =	vor.u32 s0, v42  }
0x401: {  	vm1 =	vlt.s32 v1, v0  }
0x402: {  	v2 =	vnsel vm1, $0x0, v3;
	v3 =	vmul.f32 v19, v19  }
0x403: {  	v1 =	vadd.f32 v22, v20;
	_ =	sdelay $0x1  }
0x404: {  	v1 =	vadd.f32 v3, v1  }
0x405: {  	v3, v6, _ =	vpop (xrf1)  }
0x406: {  	v1 =	vnsel vm0, $0x7F800000, v1;
	vm0 =	vlt.f32 v3, v18  }
0x407: {  	(xrf1) =	vsort.ascd.msk.f32 $0xffff, v1, v23;
	v1 =	vsel vm0, v3, v18;
	v3 =	vsel vm0, v6, v16  }
0x408: {  	(xrf1) =	vsort.dscd.msk.f32 $0xffff, v1, v3  }
0x409: {  	v4 =	vld.idx.msk [tilespmem:v2+s5+$0x0], $0xffff  }
0x40a: {  	v5 =	vld.idx.msk [tilespmem:v2+s12+$0x0], $0xffff;
	_ =	sdelay $0x1  }
0x40b: {  	p3 =	sne.s32 s3, $0x1;
	v7 =	vld.idx.msk [tilespmem:v2+s13+$0x0], $0xffff  }
.Ltmp34:
0x40c: {  	_ = 	snop;
	(pc) =	sbr.rel @!p3 .LBB2_57-.Ltmp34, $4  }
0x40d: {  	s1 =	simm.s32 $0xE1B0  }
0x40e: {  	v4 =	vsub.f32 v9, v4;
	v5 =	vsub.f32 v10, v5;
	v3 =	vld [tilespmem:s1+$0x0]  }
0x40f: {  	vm0 =	vmmov vm1  }
0x410: {  	s3 =	sadd.s32 $0xFFFFFFFF, s3;
	s0 =	simm.s32 $0x30;
	p2 =	por $0x1, $0x1;
	v19 =	vsub.f32 v27, v7;
	v20 =	vmul.f32 v4, v4;
	v22 =	vmul.f32 v5, v5  }
.LBB2_56:
0x411: {  	p3 =	sne.s32 s3, $0x1;
	v1 =	vor.u32 s0, v42  }
0x412: {  	vm1 =	vlt.s32 v1, v0;
	v1 =	vadd.f32 v22, v20;
	v19 =	vmul.f32 v19, v19  }
0x413: {  	v3 =	vnsel vm1, $0x0, v3  }
0x414: {  	v1 =	vadd.f32 v19, v1;
	v4, v5, _ =	vpop (xrf1)  }
0x415: {  	v6, v7, _ =	vpop (xrf1)  }
0x416: {  	v1 =	vnsel vm0, $0x7F800000, v1;
	vm2 =	vlt.f32 v4, v6;
	vm0 =	vmmov vm1  }
0x417: {  	(xrf1) =	vsort.ascd.msk.f32 $0xffff, v1, v2;
	v1 =	vsel vm2, v4, v6;
	v4 =	vsel vm2, v5, v7;
	v2 =	vmov v3  }
0x418: {  	v5 =	vld.idx.msk [tilespmem:v3+s5+$0x0], $0xffff;
	(xrf1) =	vsort.dscd.msk.f32 $0xffff, v1, v4  }
0x419: {  	v1 =	vld.idx.msk [tilespmem:v3+s12+$0x0], $0xffff;
	_ =	sdelay $0x1  }
0x41a: {  	v4 =	vld.idx.msk [tilespmem:v3+s13+$0x0], $0xffff;
	_ =	sdelay $0x1  }
.Ltmp35:
0x41b: {  	(pc) =	sbr.rel @p3 .LBB2_56-.Ltmp35, $3  }
0x41c: {  	s1 =	sadd.s32 $0x10, s1  }
0x41d: {  	v5 =	vsub.f32 v9, v5;
	v1 =	vsub.f32 v10, v1;
	v3 =	vld [tilespmem:s1+$0x0];
	_ =	sdelay $0x1  }
0x41e: {  	s3 =	sadd.s32 $0xFFFFFFFF, s3;
	s0 =	sadd.s32 $0x10, s0;
	v20 =	vmul.f32 v5, v5;
	v19 =	vsub.f32 v27, v4;
	v22 =	vmul.f32 v1, v1  }
.LBB2_57:
0x41f: {  	_ = 	snop  }
0x420: {  	v4 =	vmul.f32 @p0 v19, v19  }
0x421: {  	v1 =	vadd.f32 @p0 v22, v20  }
0x422: {  	v5 =	vor.u32 s0, v42  }
0x423: {  	vm1 =	vlt.s32 v5, v0  }
0x424: {  	v3 =	vnsel vm1, $0x0, v3;
	v6, v7, _ =	vpop @p1 (xrf1)  }
0x425: {  	v0 =	vadd.f32 @p0 v4, v1;
	v1, v4, _ =	vpop @p2 (xrf1)  }
0x426: {  	v1 =	vpsel p2, v1, v18  }
0x427: {  	v0 =	vnsel @p0 vm0, $0x7F800000, v0;
	v4 =	vpsel p2, v4, v16;
	vm0 =	vlt.f32 @p1 v6, v1  }
0x428: {  	(xrf1) =	vsort.ascd.msk.f32 @p0 $0xffff, v0, v2;
	v0 =	vsel @p1 vm0, v6, v1;
	v1 =	vsel @p1 vm0, v7, v4  }
0x429: {  	(xrf1) =	vsort.dscd.msk.f32 @p1 $0xffff, v0, v1;
	v0 =	vld.idx.msk [tilespmem:v3+s5+$0x0], $0xffff  }
0x42a: {  	v1 =	vld.idx.msk [tilespmem:v3+s12+$0x0], $0xffff;
	_ =	sdelay $0x1  }
0x42b: {  	v2 =	vld.idx.msk [tilespmem:v3+s13+$0x0], $0xffff;
	_ =	sdelay $0x2  }
0x42c: {  	v0 =	vsub.f32 v9, v0;
	v1 =	vsub.f32 v10, v1;
	_ =	sdelay $0x1  }
0x42d: {  	v2 =	vsub.f32 v27, v2;
	v0 =	vmul.f32 v0, v0;
	v1 =	vmul.f32 v1, v1;
	_ =	sdelay $0x1  }
0x42e: {  	v0 =	vadd.f32 v1, v0;
	v1 =	vmul.f32 v2, v2;
	_ =	sdelay $0x2  }
0x42f: {  	v2, v4, _ =	vpop @p0 (xrf1)  }
0x430: {  	v0 =	vadd.f32 v1, v0;
	v1, v5, _ =	vpop @p1 (xrf1)  }
0x431: {  	vm14 =	vmmov vm1;
	v1 =	vpsel p1, v1, v18  }
0x432: {  	v0 =	vnsel vm14, $0x7F800000, v0;
	v5 =	vpsel p1, v5, v16;
	vm0 =	vlt.f32 @p0 v2, v1  }
0x433: {  	(xrf1) =	vsort.ascd.msk.f32 $0xffff, v0, v3;
	v0 =	vsel @p0 vm0, v2, v1;
	v1 =	vsel @p0 vm0, v4, v5  }
0x434: {  	(xrf1) =	vsort.dscd.msk.f32 @p0 $0xffff, v0, v1;
	_ =	sdelay $0xc  }
0x435: {  	v0, v1, _ =	vpop (xrf1)  }
0x436: {  	v2, v3, _ =	vpop @p0 (xrf1)  }
0x437: {  	v2 =	vpsel p0, v2, v18  }
0x438: {  	v3 =	vpsel p0, v3, v16;
	vm15 =	vlt.f32 v0, v2  }
0x439: {  	v0 =	vsel vm15, v0, v2;
	v1 =	vsel vm15, v1, v3  }
0x43a: {  	(xrf1) =	vsort.dscd.msk.f32 $0xffff, v0, v1;
	_ =	sdelay $0xd  }
0x43b: {  	v0, v2, _ =	vpop (xrf1)  }
.LBB2_58:
0x43c: {  	(xrf1) =	vsort.ascd.msk.f32 $0xffff, v0, v2;
	_ =	sdelay $0x2  }
0x43d: {  	s0 =	sadd.s32 $0xF, s2  }
0x43e: {  	s1 =	sand.u32 $0xF, s0  }
0x43f: {  	s15 =	sshra.s32 s0, $0x1F;
	p1 =	slt.s32 s0, $0x1;
	p0 =	sne.s32 s1, $0x0  }
0x440: {  	s1 =	sshrl.u32 s15, $0x1C;
	p0 =	por !p1, !p0  }
0x441: {  	s0 =	sadd.s32 s1, s0;
	s1 =	simm.s32 $0x1;
	p0 =	por !p0, !p0  }
0x442: {  	s0 =	sshra.s32 s0, $0x4;
	s1 =	simm.s32 @!p0 $0x0  }
0x443: {  	s1 =	ssub.s32 s0, s1  }
0x444: {  	p0 =	slt.s32 s1, $0x1  }
.Ltmp36:
0x445: {  	_ = 	snop;
	(pc) =	sbr.rel @p0 .LBB2_68-.Ltmp36, $3  }
0x446: {  	_ =	sdelay $0x1  }
0x447: {  	_, v0, _ =	vpop (xrf1)  }
0x448: {  	v18 =	vmov v11;
	v19 =	vmov v12;
	[tilespmem:s30+$0x16380] =	vst v0  }
0x449: {  	p3 =	sne.s32 s1, $0x1  }
.Ltmp37:
0x44a: {  	_ = 	snop;
	(pc) =	sbr.rel @!p3 .LBB2_60-.Ltmp37, $3  }
0x44b: {  	_ =	sdelay $0x1  }
0x44c: {  	s2 =	simm.s32 $0x10180;
	s0 =	simm.s32 $0x0;
	s1 =	sadd.s32 $0xFFFFFFFF, s1  }
0x44d: {  	v9 =	vmovc v13;
	v0 =	vbroadcast v47, $0x0;
	v12 =	vimm.f32 $+Inf;
	v11 =	vimm.s32 $0x0;
	p0 =	por $0x0, $0x0;
	p1 =	por $0x0, $0x0;
	p2 =	por $0x0, $0x0;
	v3 =	vld [tilespmem:s2+$0x0]  }
0x44e: {  	_ =	sdelay $0x1  }
0x44f: {  	v1 =	vor.u32 s0, v42  }
0x450: {  	vm0 =	vlt.s32 v1, v0  }
0x451: {  	v2 =	vnsel vm0, $0x0, v3;
	_ =	sdelay $0x4  }
0x452: {  	v1 =	vld.idx.msk [tilespmem:v2+s5+$0x0], $0xffff  }
0x453: {  	v3 =	vld.idx.msk [tilespmem:v2+s12+$0x0], $0xffff;
	_ =	sdelay $0x1  }
0x454: {  	p3 =	sne.s32 s1, $0x1;
	v4 =	vld.idx.msk [tilespmem:v2+s13+$0x0], $0xffff  }
.Ltmp38:
0x455: {  	_ = 	snop;
	(pc) =	sbr.rel @!p3 .LBB2_62-.Ltmp38, $4  }
0x456: {  	_ = 	snop  }
0x457: {  	v1 =	vsub.f32 v8, v1;
	v5 =	vsub.f32 v9, v3  }
0x458: {  	s15 =	simm.s32 $0x10190;
	vm0 =	vmmov vm0  }
0x459: {  	s1 =	sadd.s32 $0xFFFFFFFF, s1;
	s0 =	simm.s32 $0x10;
	p0 =	por $0x1, $0x1;
	v3 =	vld [tilespmem:s15+$0x0];
	v13 =	vsub.f32 v26, v4;
	v14 =	vmul.f32 v1, v1;
	v15 =	vmul.f32 v5, v5  }
0x45a: {  	_ =	sdelay $0x1  }
0x45b: {  	v1 =	vor.u32 s0, v42  }
0x45c: {  	vm1 =	vlt.s32 v1, v0  }
0x45d: {  	v16 =	vnsel vm1, $0x0, v3;
	_ =	sdelay $0x4  }
0x45e: {  	v1 =	vld.idx.msk [tilespmem:v16+s5+$0x0], $0xffff  }
0x45f: {  	v3 =	vld.idx.msk [tilespmem:v16+s12+$0x0], $0xffff  }
0x460: {  	v4 =	vadd.f32 v15, v14;
	v5 =	vmul.f32 v13, v13  }
0x461: {  	p3 =	sne.s32 s1, $0x1;
	v6 =	vld.idx.msk [tilespmem:v16+s13+$0x0], $0xffff  }
.Ltmp39:
0x462: {  	v4 =	vadd.f32 v5, v4;
	(pc) =	sbr.rel @!p3 .LBB2_64-.Ltmp39, $4  }
0x463: {  	_ = 	snop  }
0x464: {  	v4 =	vnsel vm0, $0x7F800000, v4;
	v1 =	vsub.f32 v8, v1;
	v5 =	vsub.f32 v9, v3  }
0x465: {  	s15 =	simm.s32 $0x101A0;
	vm0 =	vmmov vm1;
	(xrf1) =	vsort.ascd.msk.f32 $0xffff, v4, v2  }
0x466: {  	s2 =	sadd.s32 $0xFFFFFFFF, s1;
	s0 =	simm.s32 $0x20;
	p1 =	por $0x1, $0x1;
	v3 =	vld [tilespmem:s15+$0x0];
	v13 =	vsub.f32 v26, v6;
	v14 =	vmul.f32 v1, v1;
	v15 =	vmul.f32 v5, v5  }
0x467: {  	_ =	sdelay $0x5  }
0x468: {  	v1 =	vor.u32 s0, v42  }
0x469: {  	vm1 =	vlt.s32 v1, v0  }
0x46a: {  	v2 =	vnsel vm1, $0x0, v3;
	v3 =	vmul.f32 v13, v13  }
0x46b: {  	v1 =	vadd.f32 v15, v14;
	_ =	sdelay $0x1  }
0x46c: {  	v1 =	vadd.f32 v3, v1  }
0x46d: {  	v3, v6, _ =	vpop (xrf1)  }
0x46e: {  	v1 =	vnsel vm0, $0x7F800000, v1;
	vm0 =	vlt.f32 v3, v12  }
0x46f: {  	(xrf1) =	vsort.ascd.msk.f32 $0xffff, v1, v16;
	v1 =	vsel vm0, v3, v12;
	v3 =	vsel vm0, v6, v11  }
0x470: {  	(xrf1) =	vsort.dscd.msk.f32 $0xffff, v1, v3  }
0x471: {  	v4 =	vld.idx.msk [tilespmem:v2+s5+$0x0], $0xffff  }
0x472: {  	v5 =	vld.idx.msk [tilespmem:v2+s12+$0x0], $0xffff;
	_ =	sdelay $0x1  }
0x473: {  	p3 =	sne.s32 s2, $0x1;
	v7 =	vld.idx.msk [tilespmem:v2+s13+$0x0], $0xffff  }
.Ltmp40:
0x474: {  	_ = 	snop;
	(pc) =	sbr.rel @!p3 .LBB2_67-.Ltmp40, $4  }
0x475: {  	s1 =	simm.s32 $0x101B0  }
0x476: {  	v4 =	vsub.f32 v8, v4;
	v5 =	vsub.f32 v9, v5;
	v3 =	vld [tilespmem:s1+$0x0]  }
0x477: {  	vm0 =	vmmov vm1  }
0x478: {  	s2 =	sadd.s32 $0xFFFFFFFF, s2;
	s0 =	simm.s32 $0x30;
	p2 =	por $0x1, $0x1;
	v13 =	vsub.f32 v26, v7;
	v14 =	vmul.f32 v4, v4;
	v15 =	vmul.f32 v5, v5  }
.LBB2_66:
0x479: {  	p3 =	sne.s32 s2, $0x1;
	v1 =	vor.u32 s0, v42  }
0x47a: {  	vm1 =	vlt.s32 v1, v0;
	v1 =	vadd.f32 v15, v14;
	v10 =	vmul.f32 v13, v13  }
0x47b: {  	v3 =	vnsel vm1, $0x0, v3  }
0x47c: {  	v1 =	vadd.f32 v10, v1;
	v4, v5, _ =	vpop (xrf1)  }
0x47d: {  	v6, v7, _ =	vpop (xrf1)  }
0x47e: {  	v1 =	vnsel vm0, $0x7F800000, v1;
	vm2 =	vlt.f32 v4, v6;
	vm0 =	vmmov vm1  }
0x47f: {  	(xrf1) =	vsort.ascd.msk.f32 $0xffff, v1, v2;
	v1 =	vsel vm2, v4, v6;
	v4 =	vsel vm2, v5, v7;
	v2 =	vmov v3  }
0x480: {  	v5 =	vld.idx.msk [tilespmem:v3+s5+$0x0], $0xffff;
	(xrf1) =	vsort.dscd.msk.f32 $0xffff, v1, v4  }
0x481: {  	v1 =	vld.idx.msk [tilespmem:v3+s12+$0x0], $0xffff;
	_ =	sdelay $0x1  }
0x482: {  	v4 =	vld.idx.msk [tilespmem:v3+s13+$0x0], $0xffff;
	_ =	sdelay $0x1  }
.Ltmp41:
0x483: {  	(pc) =	sbr.rel @p3 .LBB2_66-.Ltmp41, $3  }
0x484: {  	s1 =	sadd.s32 $0x10, s1  }
0x485: {  	v5 =	vsub.f32 v8, v5;
	v1 =	vsub.f32 v9, v1;
	v3 =	vld [tilespmem:s1+$0x0];
	_ =	sdelay $0x1  }
0x486: {  	s2 =	sadd.s32 $0xFFFFFFFF, s2;
	s0 =	sadd.s32 $0x10, s0;
	v14 =	vmul.f32 v5, v5;
	v13 =	vsub.f32 v26, v4;
	v15 =	vmul.f32 v1, v1  }
.LBB2_67:
0x487: {  	_ = 	snop  }
0x488: {  	v4 =	vmul.f32 @p0 v13, v13  }
0x489: {  	v1 =	vadd.f32 @p0 v15, v14;
	_ =	sdelay $0x2  }
0x48a: {  	v5 =	vor.u32 s0, v42;
	v6, v7, _ =	vpop @p1 (xrf1)  }
0x48b: {  	vm1 =	vlt.s32 v5, v0;
	v0 =	vadd.f32 @p0 v4, v1;
	v1, v4, _ =	vpop @p2 (xrf1)  }
0x48c: {  	v3 =	vnsel vm1, $0x0, v3;
	v1 =	vpsel p2, v1, v12  }
0x48d: {  	v0 =	vnsel @p0 vm0, $0x7F800000, v0;
	v4 =	vpsel p2, v4, v11;
	vm0 =	vlt.f32 @p1 v6, v1  }
0x48e: {  	(xrf1) =	vsort.ascd.msk.f32 @p0 $0xffff, v0, v2;
	v0 =	vsel @p1 vm0, v6, v1;
	v1 =	vsel @p1 vm0, v7, v4  }
0x48f: {  	(xrf1) =	vsort.dscd.msk.f32 @p1 $0xffff, v0, v1;
	_ =	sdelay $0x1  }
0x490: {  	v60 =	vld.idx.msk [tilespmem:v3+s5+$0x0], $0xffff  }
0x491: {  	v61 =	vld.idx.msk [tilespmem:v3+s12+$0x0], $0xffff  }
0x492: {  	v62 =	vld.idx.msk [tilespmem:v3+s13+$0x0], $0xffff;
	_ =	sdelay $0x3  }
0x493: {  	v0 =	vsub.f32 v8, v60;
	v1 =	vsub.f32 v9, v61  }
0x494: {  	v2 =	vsub.f32 v26, v62  }
0x495: {  	v0 =	vmul.f32 v0, v0;
	v1 =	vmul.f32 v1, v1;
	_ =	sdelay $0x1  }
0x496: {  	v63 =	vmul.f32 v2, v2;
	v0 =	vadd.f32 v1, v0  }
0x497: {  	v2, v4, _ =	vpop @p0 (xrf1)  }
0x498: {  	v0 =	vadd.f32 v63, v0;
	v1, v5, _ =	vpop @p1 (xrf1)  }
0x499: {  	vm14 =	vmmov vm1;
	v1 =	vpsel p1, v1, v12  }
0x49a: {  	v0 =	vnsel vm14, $0x7F800000, v0;
	v5 =	vpsel p1, v5, v11;
	vm0 =	vlt.f32 @p0 v2, v1  }
0x49b: {  	(xrf1) =	vsort.ascd.msk.f32 $0xffff, v0, v3;
	v0 =	vsel @p0 vm0, v2, v1;
	v1 =	vsel @p0 vm0, v4, v5  }
0x49c: {  	(xrf1) =	vsort.dscd.msk.f32 @p0 $0xffff, v0, v1;
	_ =	sdelay $0xc  }
0x49d: {  	v0, v1, _ =	vpop (xrf1)  }
0x49e: {  	v2, v3, _ =	vpop @p0 (xrf1)  }
0x49f: {  	v2 =	vpsel p0, v2, v12  }
0x4a0: {  	v3 =	vpsel p0, v3, v11;
	vm15 =	vlt.f32 v0, v2  }
0x4a1: {  	v0 =	vsel vm15, v0, v2;
	v1 =	vsel vm15, v1, v3  }
0x4a2: {  	(xrf1) =	vsort.dscd.msk.f32 $0xffff, v0, v1;
	_ =	sdelay $0xd  }
0x4a3: {  	v15, v14, _ =	vpop (xrf1)  }
.LBB2_68:
0x4a4: {  	(xrf1) =	vsort.ascd.msk.f32 $0xffff, v15, v14;
	_ =	sdelay $0x2  }
0x4a5: {  	s0 =	sadd.s32 $0xF, s31  }
0x4a6: {  	s1 =	sand.u32 $0xF, s0  }
0x4a7: {  	s31 =	sshra.s32 s0, $0x1F;
	p1 =	slt.s32 s0, $0x1;
	p0 =	sne.s32 s1, $0x0  }
0x4a8: {  	s1 =	sshrl.u32 s31, $0x1C;
	p0 =	por !p1, !p0  }
0x4a9: {  	s0 =	sadd.s32 s1, s0;
	s1 =	simm.s32 $0x1;
	p0 =	por !p0, !p0  }
0x4aa: {  	s0 =	sshra.s32 s0, $0x4;
	s1 =	simm.s32 @!p0 $0x0  }
0x4ab: {  	s1 =	ssub.s32 s0, s1  }
0x4ac: {  	p0 =	slt.s32 s1, $0x1  }
.Ltmp42:
0x4ad: {  	_ = 	snop;
	(pc) =	sbr.rel @p0 .LBB2_78-.Ltmp42, $3  }
0x4ae: {  	_ =	sdelay $0x1  }
0x4af: {  	v8 =	vimm.s32 $0x0;
	_, v0, _ =	vpop (xrf1)  }
0x4b0: {  	v9 =	vimm.f32 $+Inf;
	v2 =	vimm.s32 $0x0;
	[tilespmem:s30+$0x16400] =	vst v0;
	v0 =	vimm.f32 $+Inf  }
0x4b1: {  	p3 =	sne.s32 s1, $0x1;
	v0 =	vld [tilespmem:$0x1FE50]  }
.Ltmp43:
0x4b2: {  	_ = 	snop;
	(pc) =	sbr.rel @!p3 .LBB2_70-.Ltmp43, $3  }
0x4b3: {  	_ =	sdelay $0x1  }
0x4b4: {  	s2 =	simm.s32 $0x12180;
	s0 =	simm.s32 $0x0;
	s1 =	sadd.s32 $0xFFFFFFFF, s1  }
0x4b5: {  	v11 =	vimm.f32 $+Inf;
	v10 =	vimm.s32 $0x0;
	p0 =	por $0x0, $0x0;
	p1 =	por $0x0, $0x0;
	p2 =	por $0x0, $0x0;
	v3 =	vld [tilespmem:s2+$0x0];
	v0 =	vbroadcast v0, $0x0  }
0x4b6: {  	_ =	sdelay $0x1  }
0x4b7: {  	v1 =	vor.u32 s0, v42  }
0x4b8: {  	vm0 =	vlt.s32 v1, v0  }
0x4b9: {  	v2 =	vnsel vm0, $0x0, v3;
	_ =	sdelay $0x4  }
0x4ba: {  	v1 =	vld.idx.msk [tilespmem:v2+s5+$0x0], $0xffff  }
0x4bb: {  	v3 =	vld.idx.msk [tilespmem:v2+s12+$0x0], $0xffff;
	_ =	sdelay $0x1  }
0x4bc: {  	p3 =	sne.s32 s1, $0x1;
	v4 =	vld.idx.msk [tilespmem:v2+s13+$0x0], $0xffff  }
.Ltmp44:
0x4bd: {  	_ = 	snop;
	(pc) =	sbr.rel @!p3 .LBB2_72-.Ltmp44, $4  }
0x4be: {  	_ = 	snop  }
0x4bf: {  	v1 =	vsub.f32 v18, v1;
	v5 =	vsub.f32 v19, v3  }
0x4c0: {  	s31 =	simm.s32 $0x12190;
	vm0 =	vmmov vm0  }
0x4c1: {  	s1 =	sadd.s32 $0xFFFFFFFF, s1;
	s0 =	simm.s32 $0x10;
	p0 =	por $0x1, $0x1;
	v3 =	vld [tilespmem:s31+$0x0];
	v12 =	vsub.f32 v24, v4;
	v13 =	vmul.f32 v1, v1;
	v14 =	vmul.f32 v5, v5  }
0x4c2: {  	_ =	sdelay $0x1  }
0x4c3: {  	v1 =	vor.u32 s0, v42  }
0x4c4: {  	vm1 =	vlt.s32 v1, v0  }
0x4c5: {  	v15 =	vnsel vm1, $0x0, v3;
	_ =	sdelay $0x4  }
0x4c6: {  	v1 =	vld.idx.msk [tilespmem:v15+s5+$0x0], $0xffff  }
0x4c7: {  	v3 =	vld.idx.msk [tilespmem:v15+s12+$0x0], $0xffff  }
0x4c8: {  	v4 =	vadd.f32 v14, v13;
	v5 =	vmul.f32 v12, v12  }
0x4c9: {  	p3 =	sne.s32 s1, $0x1;
	v6 =	vld.idx.msk [tilespmem:v15+s13+$0x0], $0xffff  }
.Ltmp45:
0x4ca: {  	v4 =	vadd.f32 v5, v4;
	(pc) =	sbr.rel @!p3 .LBB2_74-.Ltmp45, $4  }
0x4cb: {  	_ = 	snop  }
0x4cc: {  	v4 =	vnsel vm0, $0x7F800000, v4;
	v1 =	vsub.f32 v18, v1;
	v5 =	vsub.f32 v19, v3  }
0x4cd: {  	s31 =	simm.s32 $0x121A0;
	vm0 =	vmmov vm1;
	(xrf1) =	vsort.ascd.msk.f32 $0xffff, v4, v2  }
0x4ce: {  	s2 =	sadd.s32 $0xFFFFFFFF, s1;
	s0 =	simm.s32 $0x20;
	p1 =	por $0x1, $0x1;
	v3 =	vld [tilespmem:s31+$0x0];
	v12 =	vsub.f32 v24, v6;
	v13 =	vmul.f32 v1, v1;
	v14 =	vmul.f32 v5, v5  }
0x4cf: {  	_ =	sdelay $0x5  }
0x4d0: {  	v1 =	vor.u32 s0, v42  }
0x4d1: {  	vm1 =	vlt.s32 v1, v0  }
0x4d2: {  	v2 =	vnsel vm1, $0x0, v3;
	v3 =	vmul.f32 v12, v12  }
0x4d3: {  	v1 =	vadd.f32 v14, v13;
	_ =	sdelay $0x1  }
0x4d4: {  	v1 =	vadd.f32 v3, v1  }
0x4d5: {  	v3, v6, _ =	vpop (xrf1)  }
0x4d6: {  	v1 =	vnsel vm0, $0x7F800000, v1;
	vm0 =	vlt.f32 v3, v11  }
0x4d7: {  	(xrf1) =	vsort.ascd.msk.f32 $0xffff, v1, v15;
	v1 =	vsel vm0, v3, v11;
	v3 =	vsel vm0, v6, v10  }
0x4d8: {  	(xrf1) =	vsort.dscd.msk.f32 $0xffff, v1, v3  }
0x4d9: {  	v4 =	vld.idx.msk [tilespmem:v2+s5+$0x0], $0xffff  }
0x4da: {  	v5 =	vld.idx.msk [tilespmem:v2+s12+$0x0], $0xffff;
	_ =	sdelay $0x1  }
0x4db: {  	p3 =	sne.s32 s2, $0x1;
	v7 =	vld.idx.msk [tilespmem:v2+s13+$0x0], $0xffff  }
.Ltmp46:
0x4dc: {  	_ = 	snop;
	(pc) =	sbr.rel @!p3 .LBB2_77-.Ltmp46, $4  }
0x4dd: {  	s1 =	simm.s32 $0x121B0  }
0x4de: {  	v4 =	vsub.f32 v18, v4;
	v5 =	vsub.f32 v19, v5;
	v3 =	vld [tilespmem:s1+$0x0]  }
0x4df: {  	vm0 =	vmmov vm1  }
0x4e0: {  	s2 =	sadd.s32 $0xFFFFFFFF, s2;
	s0 =	simm.s32 $0x30;
	p2 =	por $0x1, $0x1;
	v12 =	vsub.f32 v24, v7;
	v13 =	vmul.f32 v4, v4;
	v14 =	vmul.f32 v5, v5  }
.LBB2_76:
0x4e1: {  	p3 =	sne.s32 s2, $0x1;
	v1 =	vor.u32 s0, v42  }
0x4e2: {  	vm1 =	vlt.s32 v1, v0;
	v1 =	vadd.f32 v14, v13;
	v12 =	vmul.f32 v12, v12  }
0x4e3: {  	v3 =	vnsel vm1, $0x0, v3  }
0x4e4: {  	v1 =	vadd.f32 v12, v1;
	v4, v5, _ =	vpop (xrf1)  }
0x4e5: {  	v6, v7, _ =	vpop (xrf1)  }
0x4e6: {  	v1 =	vnsel vm0, $0x7F800000, v1;
	vm2 =	vlt.f32 v4, v6;
	vm0 =	vmmov vm1  }
0x4e7: {  	(xrf1) =	vsort.ascd.msk.f32 $0xffff, v1, v2;
	v1 =	vsel vm2, v4, v6;
	v4 =	vsel vm2, v5, v7;
	v2 =	vmov v3  }
0x4e8: {  	v5 =	vld.idx.msk [tilespmem:v3+s5+$0x0], $0xffff;
	(xrf1) =	vsort.dscd.msk.f32 $0xffff, v1, v4  }
0x4e9: {  	v1 =	vld.idx.msk [tilespmem:v3+s12+$0x0], $0xffff;
	_ =	sdelay $0x1  }
0x4ea: {  	v4 =	vld.idx.msk [tilespmem:v3+s13+$0x0], $0xffff;
	_ =	sdelay $0x1  }
.Ltmp47:
0x4eb: {  	(pc) =	sbr.rel @p3 .LBB2_76-.Ltmp47, $3  }
0x4ec: {  	s1 =	sadd.s32 $0x10, s1  }
0x4ed: {  	v5 =	vsub.f32 v18, v5;
	v1 =	vsub.f32 v19, v1;
	v3 =	vld [tilespmem:s1+$0x0];
	_ =	sdelay $0x1  }
0x4ee: {  	s2 =	sadd.s32 $0xFFFFFFFF, s2;
	s0 =	sadd.s32 $0x10, s0;
	v13 =	vmul.f32 v5, v5;
	v12 =	vsub.f32 v24, v4;
	v14 =	vmul.f32 v1, v1  }
.LBB2_77:
0x4ef: {  	_ = 	snop  }
0x4f0: {  	v4 =	vmul.f32 @p0 v12, v12  }
0x4f1: {  	v1 =	vadd.f32 @p0 v14, v13  }
0x4f2: {  	v5 =	vor.u32 s0, v42  }
0x4f3: {  	vm1 =	vlt.s32 v5, v0  }
0x4f4: {  	v3 =	vnsel vm1, $0x0, v3;
	v6, v7, _ =	vpop @p1 (xrf1)  }
0x4f5: {  	v0 =	vadd.f32 @p0 v4, v1;
	v1, v4, _ =	vpop @p2 (xrf1)  }
0x4f6: {  	v1 =	vpsel p2, v1, v11  }
0x4f7: {  	v0 =	vnsel @p0 vm0, $0x7F800000, v0;
	v4 =	vpsel p2, v4, v10;
	vm0 =	vlt.f32 @p1 v6, v1  }
0x4f8: {  	(xrf1) =	vsort.ascd.msk.f32 @p0 $0xffff, v0, v2;
	v0 =	vsel @p1 vm0, v6, v1;
	v1 =	vsel @p1 vm0, v7, v4  }
0x4f9: {  	(xrf1) =	vsort.dscd.msk.f32 @p1 $0xffff, v0, v1;
	v0 =	vld.idx.msk [tilespmem:v3+s5+$0x0], $0xffff  }
0x4fa: {  	v1 =	vld.idx.msk [tilespmem:v3+s12+$0x0], $0xffff;
	_ =	sdelay $0x1  }
0x4fb: {  	v2 =	vld.idx.msk [tilespmem:v3+s13+$0x0], $0xffff;
	_ =	sdelay $0x2  }
0x4fc: {  	v0 =	vsub.f32 v18, v0;
	v1 =	vsub.f32 v19, v1;
	_ =	sdelay $0x1  }
0x4fd: {  	v2 =	vsub.f32 v24, v2;
	v0 =	vmul.f32 v0, v0;
	v1 =	vmul.f32 v1, v1;
	_ =	sdelay $0x1  }
0x4fe: {  	v0 =	vadd.f32 v1, v0;
	v1 =	vmul.f32 v2, v2;
	_ =	sdelay $0x2  }
0x4ff: {  	v2, v4, _ =	vpop @p0 (xrf1)  }
0x500: {  	v0 =	vadd.f32 v1, v0;
	v1, v5, _ =	vpop @p1 (xrf1)  }
0x501: {  	vm14 =	vmmov vm1;
	v1 =	vpsel p1, v1, v11  }
0x502: {  	v0 =	vnsel vm14, $0x7F800000, v0;
	v5 =	vpsel p1, v5, v10;
	vm0 =	vlt.f32 @p0 v2, v1  }
0x503: {  	(xrf1) =	vsort.ascd.msk.f32 $0xffff, v0, v3;
	v0 =	vsel @p0 vm0, v2, v1;
	v1 =	vsel @p0 vm0, v4, v5  }
0x504: {  	(xrf1) =	vsort.dscd.msk.f32 @p0 $0xffff, v0, v1;
	_ =	sdelay $0xc  }
0x505: {  	v0, v1, _ =	vpop (xrf1)  }
0x506: {  	v2, v3, _ =	vpop @p0 (xrf1)  }
0x507: {  	v2 =	vpsel p0, v2, v11  }
0x508: {  	v3 =	vpsel p0, v3, v10;
	vm15 =	vlt.f32 v0, v2  }
0x509: {  	v0 =	vsel vm15, v0, v2;
	v1 =	vsel vm15, v1, v3  }
0x50a: {  	(xrf1) =	vsort.dscd.msk.f32 $0xffff, v0, v1;
	_ =	sdelay $0xd  }
0x50b: {  	v0, v2, _ =	vpop (xrf1)  }
.LBB2_78:
0x50c: {  	(xrf1) =	vsort.ascd.msk.f32 $0xffff, v0, v2;
	_ =	sdelay $0x2  }
0x50d: {  	s0 =	sadd.s32 $0xF, s29  }
0x50e: {  	s1 =	sand.u32 $0xF, s0  }
0x50f: {  	s31 =	sshra.s32 s0, $0x1F;
	p1 =	slt.s32 s0, $0x1;
	p0 =	sne.s32 s1, $0x0  }
0x510: {  	s1 =	sshrl.u32 s31, $0x1C;
	p0 =	por !p1, !p0  }
0x511: {  	s0 =	sadd.s32 s1, s0;
	s1 =	simm.s32 $0x1;
	p0 =	por !p0, !p0  }
0x512: {  	s0 =	sshra.s32 s0, $0x4;
	s1 =	simm.s32 @!p0 $0x0  }
0x513: {  	s1 =	ssub.s32 s0, s1  }
0x514: {  	p0 =	slt.s32 s1, $0x1  }
.Ltmp48:
0x515: {  	_ = 	snop;
	(pc) =	sbr.rel @p0 .LBB2_88-.Ltmp48, $3  }
0x516: {  	_ =	sdelay $0x1  }
0x517: {  	_, v0, _ =	vpop (xrf1)  }
0x518: {  	[tilespmem:s30+$0x16480] =	vst v0  }
0x519: {  	p3 =	sne.s32 s1, $0x1;
	v0 =	vld [tilespmem:$0x1FE70]  }
.Ltmp49:
0x51a: {  	_ = 	snop;
	(pc) =	sbr.rel @!p3 .LBB2_80-.Ltmp49, $3  }
0x51b: {  	_ =	sdelay $0x1  }
0x51c: {  	s2 =	simm.s32 $0x14180;
	s0 =	simm.s32 $0x0;
	s1 =	sadd.s32 $0xFFFFFFFF, s1  }
0x51d: {  	v6 =	vimm.f32 $+Inf;
	v5 =	vimm.s32 $0x0;
	p0 =	por $0x0, $0x0;
	p1 =	por $0x0, $0x0;
	p2 =	por $0x0, $0x0;
	v3 =	vld [tilespmem:s2+$0x0];
	v0 =	vbroadcast v0, $0x0  }
0x51e: {  	_ =	sdelay $0x1  }
0x51f: {  	v1 =	vor.u32 s0, v42  }
0x520: {  	vm0 =	vlt.s32 v1, v0  }
0x521: {  	v2 =	vnsel vm0, $0x0, v3;
	_ =	sdelay $0x4  }
0x522: {  	v1 =	vld.idx.msk [tilespmem:v2+s5+$0x0], $0xffff  }
0x523: {  	v3 =	vld.idx.msk [tilespmem:v2+s12+$0x0], $0xffff  }
0x524: {  	v4 =	vld.idx.msk [tilespmem:v2+s13+$0x0], $0xffff  }
0x525: {  	p3 =	sne.s32 s1, $0x1  }
.Ltmp50:
0x526: {  	_ = 	snop;
	(pc) =	sbr.rel @!p3 .LBB2_82-.Ltmp50, $4  }
0x527: {  	_ = 	snop  }
0x528: {  	v1 =	vsub.f32 v17, v1;
	v9 =	vsub.f32 v21, v3  }
0x529: {  	s31 =	simm.s32 $0x14190;
	v7 =	vsub.f32 v25, v4  }
0x52a: {  	s1 =	sadd.s32 $0xFFFFFFFF, s1;
	s0 =	simm.s32 $0x10;
	p0 =	por $0x1, $0x1;
	vm0 =	vmmov vm0;
	v3 =	vld [tilespmem:s31+$0x0];
	v8 =	vmul.f32 v1, v1;
	v9 =	vmul.f32 v9, v9  }
0x52b: {  	_ =	sdelay $0x1  }
0x52c: {  	v1 =	vor.u32 s0, v42  }
0x52d: {  	v7 =	vmul.f32 v7, v7;
	vm1 =	vlt.s32 v1, v0;
	v4 =	vadd.f32 v9, v8  }
0x52e: {  	v10 =	vnsel vm1, $0x0, v3  }
0x52f: {  	v4 =	vadd.f32 v7, v4;
	_ =	sdelay $0x1  }
0x530: {  	v4 =	vnsel vm0, $0x7F800000, v4  }
0x531: {  	(xrf1) =	vsort.ascd.msk.f32 $0xffff, v4, v2  }
0x532: {  	v1 =	vld.idx.msk [tilespmem:v10+s5+$0x0], $0xffff  }
0x533: {  	v3 =	vld.idx.msk [tilespmem:v10+s12+$0x0], $0xffff  }
0x534: {  	v8 =	vld.idx.msk [tilespmem:v10+s13+$0x0], $0xffff  }
0x535: {  	p3 =	sne.s32 s1, $0x1  }
.Ltmp51:
0x536: {  	_ = 	snop;
	(pc) =	sbr.rel @!p3 .LBB2_84-.Ltmp51, $4  }
0x537: {  	_ = 	snop  }
0x538: {  	v1 =	vsub.f32 v17, v1;
	v9 =	vsub.f32 v21, v3  }
0x539: {  	s31 =	simm.s32 $0x141A0;
	v7 =	vsub.f32 v25, v8  }
0x53a: {  	s2 =	sadd.s32 $0xFFFFFFFF, s1;
	s0 =	simm.s32 $0x20;
	p1 =	por $0x1, $0x1;
	vm0 =	vmmov vm1;
	v3 =	vld [tilespmem:s31+$0x0];
	v8 =	vmul.f32 v1, v1;
	v9 =	vmul.f32 v9, v9  }
0x53b: {  	_ =	sdelay $0x1  }
0x53c: {  	v1 =	vor.u32 s0, v42  }
0x53d: {  	vm1 =	vlt.s32 v1, v0  }
0x53e: {  	v2 =	vnsel vm1, $0x0, v3;
	v3 =	vmul.f32 v7, v7  }
0x53f: {  	v1 =	vadd.f32 v9, v8;
	_ =	sdelay $0x1  }
0x540: {  	v1 =	vadd.f32 v3, v1  }
0x541: {  	v3, v8, _ =	vpop (xrf1)  }
0x542: {  	v1 =	vnsel vm0, $0x7F800000, v1;
	vm0 =	vlt.f32 v3, v6  }
0x543: {  	(xrf1) =	vsort.ascd.msk.f32 $0xffff, v1, v10;
	v1 =	vsel vm0, v3, v6;
	v3 =	vsel vm0, v8, v5  }
0x544: {  	(xrf1) =	vsort.dscd.msk.f32 $0xffff, v1, v3  }
0x545: {  	v4 =	vld.idx.msk [tilespmem:v2+s5+$0x0], $0xffff  }
0x546: {  	v7 =	vld.idx.msk [tilespmem:v2+s12+$0x0], $0xffff  }
0x547: {  	v9 =	vld.idx.msk [tilespmem:v2+s13+$0x0], $0xffff  }
0x548: {  	p3 =	sne.s32 s2, $0x1  }
.Ltmp52:
0x549: {  	_ = 	snop;
	(pc) =	sbr.rel @!p3 .LBB2_87-.Ltmp52, $4  }
0x54a: {  	s1 =	simm.s32 $0x141B0  }
0x54b: {  	v3 =	vld [tilespmem:s1+$0x0];
	v4 =	vsub.f32 v17, v4;
	v10 =	vsub.f32 v21, v7  }
0x54c: {  	v7 =	vsub.f32 v25, v9  }
0x54d: {  	s2 =	sadd.s32 $0xFFFFFFFF, s2;
	s0 =	simm.s32 $0x30;
	p2 =	por $0x1, $0x1;
	vm0 =	vmmov vm1;
	v8 =	vmul.f32 v4, v4;
	v9 =	vmul.f32 v10, v10  }
.LBB2_86:
0x54e: {  	p3 =	sne.s32 s2, $0x1;
	v1 =	vor.u32 s0, v42  }
0x54f: {  	v10 =	vmul.f32 v7, v7;
	vm1 =	vlt.s32 v1, v0;
	v1 =	vadd.f32 v9, v8  }
0x550: {  	v3 =	vnsel vm1, $0x0, v3  }
0x551: {  	v1 =	vadd.f32 v10, v1;
	v4, v7, _ =	vpop (xrf1)  }
0x552: {  	v8, v9, _ =	vpop (xrf1)  }
0x553: {  	v1 =	vnsel vm0, $0x7F800000, v1;
	vm2 =	vlt.f32 v4, v8;
	vm0 =	vmmov vm1  }
0x554: {  	(xrf1) =	vsort.ascd.msk.f32 $0xffff, v1, v2;
	v1 =	vsel vm2, v4, v8;
	v4 =	vsel vm2, v7, v9;
	v2 =	vmov v3  }
0x555: {  	v7 =	vld.idx.msk [tilespmem:v3+s5+$0x0], $0xffff;
	(xrf1) =	vsort.dscd.msk.f32 $0xffff, v1, v4  }
0x556: {  	v1 =	vld.idx.msk [tilespmem:v3+s12+$0x0], $0xffff;
	_ =	sdelay $0x1  }
0x557: {  	v4 =	vld.idx.msk [tilespmem:v3+s13+$0x0], $0xffff;
	_ =	sdelay $0x1  }
.Ltmp53:
0x558: {  	(pc) =	sbr.rel @p3 .LBB2_86-.Ltmp53, $3  }
0x559: {  	s1 =	sadd.s32 $0x10, s1  }
0x55a: {  	v8 =	vsub.f32 v17, v7;
	v1 =	vsub.f32 v21, v1;
	v3 =	vld [tilespmem:s1+$0x0];
	_ =	sdelay $0x1  }
0x55b: {  	s2 =	sadd.s32 $0xFFFFFFFF, s2;
	s0 =	sadd.s32 $0x10, s0;
	v8 =	vmul.f32 v8, v8;
	v7 =	vsub.f32 v25, v4;
	v9 =	vmul.f32 v1, v1  }
.Ltmp54:
0x55c: {  	_ = 	snop;
	(pc) =	sbr.rel .LBB2_87-.Ltmp54, $1  }
0x55d: {  	_ =	sdelay $0x3  }
.LBB2_8:
.Ltmp55:
0x55e: {  	(pc) =	sbr.rel .LBB2_17-.Ltmp55, $2  }
0x55f: {  	_ =	sdelay $0x2  }
0x560: {  	_ = 	snop  }
.LBB2_20:
.Ltmp56:
0x561: {  	(pc) =	sbr.rel .LBB2_27-.Ltmp56, $2  }
0x562: {  	_ =	sdelay $0x2  }
0x563: {  	_ = 	snop  }
.LBB2_30:
.Ltmp57:
0x564: {  	(pc) =	sbr.rel .LBB2_37-.Ltmp57, $2  }
0x565: {  	_ =	sdelay $0x2  }
0x566: {  	_ = 	snop  }
.LBB2_40:
.Ltmp58:
0x567: {  	(pc) =	sbr.rel .LBB2_47-.Ltmp58, $2  }
0x568: {  	_ =	sdelay $0x2  }
0x569: {  	_ = 	snop  }
.LBB2_50:
.Ltmp59:
0x56a: {  	(pc) =	sbr.rel .LBB2_57-.Ltmp59, $2  }
0x56b: {  	_ =	sdelay $0x2  }
0x56c: {  	_ = 	snop  }
.LBB2_60:
.Ltmp60:
0x56d: {  	(pc) =	sbr.rel .LBB2_67-.Ltmp60, $2  }
0x56e: {  	_ =	sdelay $0x2  }
0x56f: {  	_ = 	snop  }
.LBB2_70:
.Ltmp61:
0x570: {  	(pc) =	sbr.rel .LBB2_77-.Ltmp61, $2  }
0x571: {  	_ =	sdelay $0x2  }
0x572: {  	_ = 	snop  }
.LBB2_10:
.Ltmp62:
0x573: {  	(pc) =	sbr.rel .LBB2_17-.Ltmp62, $2  }
0x574: {  	_ =	sdelay $0x2  }
0x575: {  	_ = 	snop  }
.LBB2_22:
.Ltmp63:
0x576: {  	(pc) =	sbr.rel .LBB2_27-.Ltmp63, $2  }
0x577: {  	_ =	sdelay $0x2  }
0x578: {  	_ = 	snop  }
.LBB2_32:
.Ltmp64:
0x579: {  	(pc) =	sbr.rel .LBB2_37-.Ltmp64, $2  }
0x57a: {  	_ =	sdelay $0x2  }
0x57b: {  	_ = 	snop  }
.LBB2_42:
.Ltmp65:
0x57c: {  	(pc) =	sbr.rel .LBB2_47-.Ltmp65, $2  }
0x57d: {  	_ =	sdelay $0x2  }
0x57e: {  	_ = 	snop  }
.LBB2_52:
.Ltmp66:
0x57f: {  	(pc) =	sbr.rel .LBB2_57-.Ltmp66, $2  }
0x580: {  	_ =	sdelay $0x2  }
0x581: {  	_ = 	snop  }
.LBB2_62:
.Ltmp67:
0x582: {  	(pc) =	sbr.rel .LBB2_67-.Ltmp67, $2  }
0x583: {  	_ =	sdelay $0x2  }
0x584: {  	_ = 	snop  }
.LBB2_72:
.Ltmp68:
0x585: {  	(pc) =	sbr.rel .LBB2_77-.Ltmp68, $2  }
0x586: {  	_ =	sdelay $0x2  }
0x587: {  	_ = 	snop  }
.LBB2_82:
.Ltmp69:
0x588: {  	(pc) =	sbr.rel .LBB2_87-.Ltmp69, $2  }
0x589: {  	_ =	sdelay $0x2  }
0x58a: {  	_ = 	snop  }
.LBB2_12:
.Ltmp70:
0x58b: {  	(pc) =	sbr.rel .LBB2_17-.Ltmp70, $2  }
0x58c: {  	_ =	sdelay $0x2  }
0x58d: {  	v2 =	vmov v39;
	v39 =	vmov v44  }
.LBB2_24:
.Ltmp71:
0x58e: {  	(pc) =	sbr.rel .LBB2_27-.Ltmp71, $2  }
0x58f: {  	_ =	sdelay $0x2  }
0x590: {  	v2 =	vmov v34  }
.LBB2_34:
.Ltmp72:
0x591: {  	(pc) =	sbr.rel .LBB2_37-.Ltmp72, $2  }
0x592: {  	_ =	sdelay $0x2  }
0x593: {  	v2 =	vmov v32  }
.LBB2_44:
.Ltmp73:
0x594: {  	(pc) =	sbr.rel .LBB2_47-.Ltmp73, $2  }
0x595: {  	_ =	sdelay $0x2  }
0x596: {  	v2 =	vmov v24  }
.LBB2_54:
.Ltmp74:
0x597: {  	(pc) =	sbr.rel .LBB2_57-.Ltmp74, $2  }
0x598: {  	_ =	sdelay $0x2  }
0x599: {  	v2 =	vmov v23  }
.LBB2_64:
.Ltmp75:
0x59a: {  	(pc) =	sbr.rel .LBB2_67-.Ltmp75, $2  }
0x59b: {  	_ =	sdelay $0x2  }
0x59c: {  	v2 =	vmov v16  }
.LBB2_74:
.Ltmp76:
0x59d: {  	(pc) =	sbr.rel .LBB2_77-.Ltmp76, $2  }
0x59e: {  	_ =	sdelay $0x2  }
0x59f: {  	v2 =	vmov v15  }
.LBB2_84:
.Ltmp77:
0x5a0: {  	(pc) =	sbr.rel .LBB2_87-.Ltmp77, $2  }
0x5a1: {  	_ =	sdelay $0x2  }
0x5a2: {  	v2 =	vmov v10  }
.LBB2_14:
.Ltmp78:
0x5a3: {  	(pc) =	sbr.rel .LBB2_17-.Ltmp78, $2  }
0x5a4: {  	_ =	sdelay $0x2  }
0x5a5: {  	v39 =	vmov v44  }
.LBB2_90:
0x5a6: {  	_ =	sfence.sel $0x180000  }
0x5a7: {  	[bflag:$0x0] =	sbarrier.arrive $0xFFFF  }
0x5a8: {  	_ =	strace $0x90000047  }
0x5a9: {  	s0 =	stileid.u32;
	[bflag:$0x2] =	sbarrier.arrive $0xFFFF  }
0x5aa: {  	p0 =	sne.s32 s0, $0x0;
	s0 =	rddreg [dreg:$0x7]  }
0x5ab: {  	s0 =	sadd.s32 @!p0 $0x100000, s0  }
0x5ac: {  	[sflag:s0] =	ssyncadd.tile.s32 @!p0 $0x1;
	_ =	shalt  }
.Lfunc_end2:
_tile_overlayer_lowered:
.L_overlay_start_2:
0x5ad: {  	(tag) =	ssettag $0x2  }
0x5ae: {  	s0 =	rddreg [dreg:$0x0];
	s2 =	stileid.u32  }
0x5af: {  	s1 =	rddreg [dreg:$0x1];
	p0 =	sne.s32 s2, $0x0  }
0x5b0: {  	s3 =	rddreg [dreg:$0x2];
	[bflag:$0x3] =	sbarrier.arrive $0xFFFF;
	s2 =	simm.s32 @!p0 $0x1C01  }
0x5b1: {  	[timem:s3], [sflag:s2] =	dma.local @!p0 [hbm:s0], s1  }
0x5b2: {  	s0 =	simm.s32 @!p0 $0x1  }
0x5b3: {  	_ =	swait.ge @!p0 [sflag:s0], s1  }
0x5b4: {  	s1 =	ssub.s32 @!p0 $0x0, s1;
	[sflag:s0] =	ssyncset.done @!p0 $0x0  }
0x5b5: {  	[sflag:s0] =	ssyncadd.s32 @!p0 s1  }
0x5b6: {  	[bflag:$0x3] =	sbarrier.arrive $0xFFFF  }
0x5b7: {  	_ =	shalt  }

</sc_bundles>
